<compile_context>
chip_gen: v7x
topology: tpu7x:2x2x1
jax: 0.10.2.dev20260603
libtpu: 0.0.44.dev20260713+nightly
codegen_flags: <defaults>
</compile_context>

<pallas_src>
import functools

import jax
import jax.numpy as jnp
import numpy as np
from jax import lax
from jax.experimental import pallas as pl
from jax.experimental.pallas import tpu as pltpu
from jax.experimental.pallas import tpu_sc as plsc

N_NODES = 100000
B = 4096
N_ROOT = 3 * B
K = 32
E = N_ROOT * K
D_NODE = 128
D_EDGE = 16
PW = 128
NW = 32
E_PER_W = E // NW
EC = 128
N_ECHUNK = E_PER_W // EC
R_PER_W = N_ROOT // NW
RC = 128
N_RCHUNK = R_PER_W // RC
NB = 1000
RB = 128
SCALE = 1.0 / np.sqrt(50.0)


def _pad2(w, r, c):
    return jnp.zeros((r, c), jnp.float32).at[: w.shape[0], : w.shape[1]].set(w)


def _precompute_body(nf, mem, wkf, wkm, wvf, wvm, wqf, wqm, qb, tkv, tq):
    nfb = nf[...]
    memb = mem[...]
    tk = jnp.dot(nfb, wkf[...], preferred_element_type=jnp.float32) + \
         jnp.dot(memb, wkm[...], preferred_element_type=jnp.float32)
    tv = jnp.dot(nfb, wvf[...], preferred_element_type=jnp.float32) + \
         jnp.dot(memb, wvm[...], preferred_element_type=jnp.float32)
    ki = lax.bitcast_convert_type(tk, jnp.uint32)
    kr = (ki + jnp.uint32(0x7FFF) + ((ki >> 16) & jnp.uint32(1))) >> 16
    vi = lax.bitcast_convert_type(tv, jnp.uint32)
    vr = (vi + jnp.uint32(0x7FFF) + ((vi >> 16) & jnp.uint32(1))) >> 16
    tkv[...] = (kr << 16) | vr
    tq[...] = jnp.dot(nfb, wqf[...], preferred_element_type=jnp.float32) + \
              jnp.dot(memb, wqm[...], preferred_element_type=jnp.float32) + qb[...]


def _precompute(node_feat, memory, wkf, wkm, wvf, wvm, wqf, wqm, qb):
    nblk = N_NODES // NB
    w_spec = lambda shp: pl.BlockSpec(shp, lambda i: (0, 0))
    return pl.pallas_call(
        _precompute_body,
        grid=(nblk,),
        in_specs=[
            pl.BlockSpec((NB, D_NODE), lambda i: (i, 0)),
            pl.BlockSpec((NB, 100), lambda i: (i, 0)),
            w_spec((D_NODE, PW)), w_spec((100, PW)),
            w_spec((D_NODE, PW)), w_spec((100, PW)),
            w_spec((D_NODE, PW)), w_spec((100, PW)),
            w_spec((1, PW)),
        ],
        out_specs=[
            pl.BlockSpec((NB, PW), lambda i: (i, 0)),
            pl.BlockSpec((NB, PW), lambda i: (i, 0)),
        ],
        out_shape=[
            jax.ShapeDtypeStruct((N_NODES, PW), jnp.uint32),
            jax.ShapeDtypeStruct((N_NODES, PW), jnp.float32),
        ],
    )(node_feat, memory, wkf, wkm, wvf, wvm, wqf, wqm, qb)


def _sc_gather(tkv3, tq, node_feat, flat_nb, root_nid, e_off, r_off, e_str,
               r_str):
    mesh = plsc.VectorSubcoreMesh(core_axis_name="c", subcore_axis_name="s")
    e_per_w = e_str // NW
    n_echunk = e_per_w // EC
    r_per_w = r_str // NW
    rc = next(c for c in range(min(RC, r_per_w), 0, -8) if r_per_w % c == 0)
    n_rchunk = r_per_w // rc

    @functools.partial(
        pl.kernel,
        mesh=mesh,
        out_type=[
            jax.ShapeDtypeStruct((e_str, PW), jnp.uint32),
            jax.ShapeDtypeStruct((r_str, PW), jnp.float32),
            jax.ShapeDtypeStruct((r_str, D_NODE), jnp.float32),
        ],
        scratch_types=[
            pltpu.VMEM((EC,), jnp.int32),
            pltpu.VMEM((EC, PW), jnp.uint32),
            pltpu.VMEM((EC,), jnp.int32),
            pltpu.VMEM((EC, PW), jnp.uint32),
            pltpu.VMEM((rc,), jnp.int32),
            pltpu.VMEM((rc, PW), jnp.float32),
            pltpu.VMEM((rc, D_NODE), jnp.float32),
            pltpu.SemaphoreType.DMA,
            pltpu.SemaphoreType.DMA,
        ],
    )
    def gather_k(tkv_h, tq_h, nf_h, nbid_h, rid_h, gkv_h, qr_h, fr_h,
                 idx0_v, r0_v, idx1_v, r1_v,
                 idx2_v, rq_v, rf_v, s0, s1):
        wid = lax.axis_index("s") * 2 + lax.axis_index("c")
        ebase = wid * e_per_w
        npair = n_echunk // 2

        def fetch(c, idx_v, r_v, sem):
            pltpu.sync_copy(nbid_h.at[pl.ds(e_off + ebase + c * EC, EC)], idx_v)
            pltpu.async_copy(tkv_h.at[idx_v], r_v, sem)

        def drain(c, idx_v, r_v, sem):
            pltpu.make_async_copy(tkv_h.at[idx_v], r_v, sem).wait()
            pltpu.sync_copy(r_v, gkv_h.at[pl.ds(ebase + c * EC, EC)])

        fetch(0, idx0_v, r0_v, s0)
        fetch(1, idx1_v, r1_v, s1)

        def edge_body(j, carry):
            drain(2 * j, idx0_v, r0_v, s0)

            @pl.when(j < npair - 1)
            def _():
                fetch(2 * j + 2, idx0_v, r0_v, s0)

            drain(2 * j + 1, idx1_v, r1_v, s1)

            @pl.when(j < npair - 1)
            def _():
                fetch(2 * j + 3, idx1_v, r1_v, s1)

            return carry

        lax.fori_loop(0, npair, edge_body, 0)

        rbase = wid * r_per_w

        def root_body(i, carry):
            off = rbase + i * rc
            pltpu.sync_copy(rid_h.at[pl.ds(r_off + off, rc)], idx2_v)
            cp_a = pltpu.async_copy(tq_h.at[idx2_v], rq_v, s0)
            cp_b = pltpu.async_copy(nf_h.at[idx2_v], rf_v, s1)
            cp_a.wait()
            cp_b.wait()
            pltpu.sync_copy(rq_v, qr_h.at[pl.ds(off, rc)])
            pltpu.sync_copy(rf_v, fr_h.at[pl.ds(off, rc)])
            return carry

        lax.fori_loop(0, n_rchunk, root_body, 0)

    return gather_k(tkv3, tq, node_feat, flat_nb, root_nid)


_INV2PI = 0.15915494309189535
_MAGIC = 12582912.0
_C1 = 6.28125
_C2 = 0.0019353071795864769
_COSC = [0.99999946, -0.4999956, 0.041661035, -0.001386275, 2.425323e-05,
         -2.2194129e-07]


def _fast_cos(x):
    n = (x * _INV2PI + _MAGIC) - _MAGIC
    r = (x - n * _C1) - n * _C2
    r2 = r * r
    p = jnp.float32(_COSC[5])
    for c in _COSC[4::-1]:
        p = p * r2 + jnp.float32(c)
    return p


def _attn_body(gkv, qr, fr, rts, nts, ef, wrow, wke, wkt, wve, wvt, wof,
               woa, msel, mheads, sseg, ssegt, h_out):
    f32 = jnp.float32
    pb = gkv[...]
    gk = lax.bitcast_convert_type(pb & jnp.uint32(0xFFFF0000), f32)
    gv = lax.bitcast_convert_type(pb << 16, f32)
    dt2 = rts[...] - nts[...]
    x3 = dt2[:, :, None] * wrow[...].reshape(1, 1, PW)
    et = _fast_cos(x3).reshape(RB * K, PW)
    ef2 = ef[...]
    kb = gk + jnp.dot(et, wkt[...], preferred_element_type=f32) + \
         jnp.dot(ef2, wke[...], preferred_element_type=f32)
    vb = gv + jnp.dot(et, wvt[...], preferred_element_type=f32) + \
         jnp.dot(ef2, wve[...], preferred_element_type=f32)
    q = qr[...]
    p3 = kb.reshape(RB, K, PW) * q[:, None, :]
    s8 = jnp.dot(p3.reshape(RB * K, PW), msel[...],
                 preferred_element_type=f32)
    e8 = jnp.exp(jnp.clip(s8, -10.0, 10.0))
    denom = jnp.dot(sseg[...], e8, preferred_element_type=f32)
    rece = jnp.dot(ssegt[...], 1.0 / denom,
                   preferred_element_type=f32)
    a8 = e8 * rece
    w2 = jnp.dot(a8, mheads[...], preferred_element_type=f32)
    agg = jnp.sum((w2 * vb).reshape(RB, K, PW), axis=1)
    h = jnp.maximum(
        jnp.dot(fr[...], wof[...], preferred_element_type=f32) +
        jnp.dot(agg, woa[...], preferred_element_type=f32), 0.0)
    h_out[...] = h


def _attention(gkv, qr, fr, rts_e, nts_e, ef3, wrow, wke, wkt, wve, wvt,
               wof, woa, msel, mheads, sseg, ssegt, base):
    nblk = qr.shape[0] // RB
    w_spec = lambda shp: pl.BlockSpec(shp, lambda i: (0, 0))
    return pl.pallas_call(
        _attn_body,
        grid=(nblk,),
        in_specs=[
            pl.BlockSpec((RB * K, PW), lambda i: (i, 0)),
            pl.BlockSpec((RB, PW), lambda i: (i, 0)),
            pl.BlockSpec((RB, D_NODE), lambda i: (i, 0)),
            pl.BlockSpec((RB, 1), lambda i: (base + i, 0)),
            pl.BlockSpec((RB, K), lambda i: (base + i, 0)),
            pl.BlockSpec((RB * K, D_EDGE), lambda i: (base + i, 0)),
            w_spec((1, PW)),
            w_spec((D_EDGE, PW)), w_spec((PW, PW)),
            w_spec((D_EDGE, PW)), w_spec((PW, PW)),
            w_spec((D_NODE, PW)), w_spec((PW, PW)),
            w_spec((PW, 8)), w_spec((8, PW)),
            w_spec((RB, RB * K)), w_spec((RB * K, RB)),
        ],
        out_specs=pl.BlockSpec((RB, PW), lambda i: (i, 0)),
        out_shape=jax.ShapeDtypeStruct((qr.shape[0], PW), jnp.float32),
    )(gkv, qr, fr, rts_e, nts_e, ef3, wrow, wke, wkt, wve, wvt, wof, woa,
      msel, mheads, sseg, ssegt)


def _pred_body(hs, hp, hn, wsrc, wdst, wout, pos, neg):
    f32 = jnp.float32
    h_src = jnp.dot(hs[...], wsrc[...], preferred_element_type=f32)
    h_pos = jnp.dot(hp[...], wdst[...], preferred_element_type=f32)
    h_neg = jnp.dot(hn[...], wdst[...], preferred_element_type=f32)
    pos[...] = jnp.dot(jnp.maximum(h_src + h_pos, 0.0), wout[...],
                       preferred_element_type=f32)
    neg[...] = jnp.dot(jnp.maximum(h_src + h_neg, 0.0), wout[...],
                       preferred_element_type=f32)


def _predict(h_src, h_pos, h_neg, wsrc, wdst, wout):
    PB = 512
    nblk = B // PB
    w_spec = lambda shp: pl.BlockSpec(shp, lambda i: (0, 0))
    return pl.pallas_call(
        _pred_body,
        grid=(nblk,),
        in_specs=[
            pl.BlockSpec((PB, PW), lambda i: (i, 0)),
            pl.BlockSpec((PB, PW), lambda i: (i, 0)),
            pl.BlockSpec((PB, PW), lambda i: (i, 0)),
            w_spec((PW, PW)), w_spec((PW, PW)), w_spec((PW, 8)),
        ],
        out_specs=[
            pl.BlockSpec((PB, 8), lambda i: (i, 0)),
            pl.BlockSpec((PB, 8), lambda i: (i, 0)),
        ],
        out_shape=[
            jax.ShapeDtypeStruct((B, 8), jnp.float32),
            jax.ShapeDtypeStruct((B, 8), jnp.float32),
        ],
    )(h_src, h_pos, h_neg, wsrc, wdst, wout)


def kernel(node_feat, memory, root_nid, neighbor_nid, root_ts, neighbor_ts,
           neighbor_edge_feature, Wq, Wk, Wv, Wo, Wsrc, Wdst, Wout):
    f32 = jnp.float32
    wqf = _pad2(Wq[:128], D_NODE, PW)
    wqm = _pad2(Wq[228:], 100, PW)
    qb = _pad2(jnp.sum(Wq[128:228], 0, keepdims=True), 1, PW)
    wkf = _pad2(Wk[:128], D_NODE, PW)
    wke = _pad2(Wk[128:144], D_EDGE, PW)
    wkt = _pad2(Wk[144:244], PW, PW)
    wkm = _pad2(Wk[244:], 100, PW)
    wvf = _pad2(Wv[:128], D_NODE, PW)
    wve = _pad2(Wv[128:144], D_EDGE, PW)
    wvt = _pad2(Wv[144:244], PW, PW)
    wvm = _pad2(Wv[244:], 100, PW)
    wof = _pad2(Wo[:128], D_NODE, PW)
    woa = _pad2(Wo[128:], PW, PW)
    wsrc = _pad2(Wsrc, PW, PW)
    wdst = _pad2(Wdst, PW, PW)
    wout = _pad2(Wout, PW, 8)
    wrow = _pad2((1.0 / (10.0 ** jnp.linspace(0.0, 9.0, 100, dtype=f32)))[None, :], 1, PW)
    lanes = np.arange(PW)
    msel_np = np.zeros((PW, 8), np.float32)
    msel_np[lanes < 50, 0] = 1.0
    msel_np[(lanes >= 50) & (lanes < 100), 1] = 1.0
    msel = jnp.asarray(msel_np * np.float32(SCALE))
    mheads = jnp.asarray(msel_np.T.copy())
    sseg_np = np.zeros((RB, RB * K), np.float32)
    sseg_np[np.arange(RB * K) // K, np.arange(RB * K)] = 1.0
    sseg = jnp.asarray(sseg_np)
    ssegt = jnp.asarray(sseg_np.T.copy())

    tkv, tq = _precompute(node_feat, memory, wkf, wkm, wvf, wvm, wqf, wqm, qb)

    flat_nb = neighbor_nid.reshape(-1).astype(jnp.int32)
    rid = root_nid.astype(jnp.int32)
    rts_e = root_ts.reshape(N_ROOT, 1)
    ef2d = neighbor_edge_feature.reshape(E, D_EDGE)

    n_stripe = 3
    rs = N_ROOT // n_stripe
    es = E // n_stripe
    h_parts = []
    for s in range(n_stripe):
        gkv_s, qr_s, fr_s = _sc_gather(tkv, tq, node_feat, flat_nb, rid,
                                       s * es, s * rs, es, rs)
        h_parts.append(_attention(
            gkv_s, qr_s, fr_s, rts_e, neighbor_ts, ef2d,
            wrow, wke, wkt, wve, wvt, wof, woa, msel, mheads, sseg, ssegt,
            s * rs // RB))
    h = jnp.concatenate(h_parts, axis=0)

    pos, neg = _predict(h[:B], h[B:2 * B], h[2 * B:], wsrc, wdst, wout)
    return jnp.concatenate([pos[:, :1], neg[:, :1]], axis=0)

# --- scband reference (transcript-rebuilt; emitter-appended) ---
"""Pipeline reference for scband-tgnn-12704513261776 (READ-ONLY COPY).

The authoritative reference and input builder live on the scoring server;
editing this copy changes nothing except your own understanding.
"""

import jax, jax.numpy as jnp
import numpy as np

N_NODES = 100000
B = 4096
NUM_NEG = 1
N_ROOT = B * (2 + NUM_NEG)
K = 32
D_NODE = 128
D_EDGE = 16
D_TIME = 100
D_MEM = 100
D_OUT = 100
H = 2
DH = D_OUT // H


def time_encode(t, dim):
    w = 1.0 / (10.0 ** jnp.linspace(0.0, 9.0, dim, dtype=jnp.float32))
    return jnp.cos(t[:, None] * w[None, :])


def setup_inputs(seed: int = 0):
    key = jax.random.key(seed)
    ks = jax.random.split(key, 14)
    node_feat = jax.random.normal(ks[0], (N_NODES, D_NODE), jnp.float32)
    memory = jax.random.normal(ks[1], (N_NODES, D_MEM), jnp.float32)
    root_nid = jax.random.randint(ks[2], (N_ROOT,), 0, N_NODES)
    neighbor_nid = jax.random.randint(ks[3], (N_ROOT, K), 0, N_NODES)
    root_ts = jax.random.uniform(ks[4], (N_ROOT,), jnp.float32) * 1e5
    neighbor_ts = jax.random.uniform(ks[5], (N_ROOT, K), jnp.float32) * 1e5
    neighbor_edge_feature = jax.random.normal(ks[6], (N_ROOT, K, D_EDGE), jnp.float32)
    d_q = D_NODE + D_TIME + D_MEM
    d_kv = D_NODE + D_EDGE + D_TIME + D_MEM
    Wq = jax.random.normal(ks[7], (d_q, D_OUT), jnp.float32) / np.sqrt(d_q)
    Wk = jax.random.normal(ks[8], (d_kv, D_OUT), jnp.float32) / np.sqrt(d_kv)
    Wv = jax.random.normal(ks[9], (d_kv, D_OUT), jnp.float32) / np.sqrt(d_kv)
    Wo = jax.random.normal(ks[10], (D_NODE + D_OUT, D_OUT), jnp.float32) / np.sqrt(D_NODE + D_OUT)
    Wsrc = jax.random.normal(ks[11], (D_OUT, D_OUT), jnp.float32) / np.sqrt(D_OUT)
    Wdst = jax.random.normal(ks[12], (D_OUT, D_OUT), jnp.float32) / np.sqrt(D_OUT)
    Wout = jax.random.normal(ks[13], (D_OUT, 1), jnp.float32) / np.sqrt(D_OUT)
    return {"node_feat": node_feat, "memory": memory, "root_nid": root_nid, "neighbor_nid": neighbor_nid, "root_ts": root_ts, "neighbor_ts": neighbor_ts, "neighbor_edge_feature": neighbor_edge_feature, "Wq": Wq, "Wk": Wk, "Wv": Wv, "Wo": Wo, "Wsrc": Wsrc, "Wdst": Wdst, "Wout": Wout}


def _forward(node_feat, memory, root_ts, neighbor_ts, neighbor_edge_feature, Wq, Wk, Wv, Wo, Wsrc, Wdst, Wout, root_nid, neighbor_nid):
    # EmbeddingTableMemory.get_memory + feature gathers (SparseCore-mapped)
    root_feat = jnp.take(node_feat, root_nid, axis=0)
    flat_nb = neighbor_nid.reshape(-1)
    neigh_feat = jnp.take(node_feat, flat_nb, axis=0)
    root_mem = jnp.take(memory, root_nid, axis=0)
    neigh_mem = jnp.take(memory, flat_nb, axis=0)
    # FixedTimeEncoder
    zero_time = time_encode(jnp.zeros((N_ROOT,), jnp.float32), D_TIME)
    edge_time = time_encode((root_ts[:, None] - neighbor_ts).reshape(-1), D_TIME)
    # TransformerAggregator
    q_in = jnp.concatenate([root_feat, zero_time, root_mem], axis=1)
    kv_in = jnp.concatenate([neigh_feat, neighbor_edge_feature.reshape(-1, D_EDGE), edge_time, neigh_mem], axis=1)
    Q = (q_in @ Wq).reshape(N_ROOT, H, DH)
    Km = (kv_in @ Wk).reshape(N_ROOT, K, H, DH)
    V = (kv_in @ Wv).reshape(N_ROOT, K, H, DH)
    att = jnp.einsum('nhd,nkhd->nhk', Q, Km) / np.sqrt(DH)
    att = jnp.clip(att, -10.0, 10.0)  # att_clamp
    att = jax.nn.softmax(att, axis=-1)
    agg = jnp.einsum('nhk,nkhd->nhd', att, V).reshape(N_ROOT, D_OUT)
    h = jax.nn.relu(jnp.concatenate([root_feat, agg], axis=1) @ Wo)
    # EdgePredictor (num_neg_dst = 1)
    h_src = h[:B] @ Wsrc
    h_pos = h[B:2 * B] @ Wdst
    h_neg = h[2 * B:] @ Wdst
    pos = jax.nn.relu(h_src + h_pos) @ Wout
    neg = jax.nn.relu(jnp.tile(h_src, (NUM_NEG, 1)) + h_neg) @ Wout
    return jnp.concatenate([pos, neg], axis=0)


def reference(node_feat, memory, root_nid, neighbor_nid, root_ts, neighbor_ts, neighbor_edge_feature, Wq, Wk, Wv, Wo, Wsrc, Wdst, Wout):
    return _forward(node_feat, memory, root_ts, neighbor_ts, neighbor_edge_feature, Wq, Wk, Wv, Wo, Wsrc, Wdst, Wout, root_nid, neighbor_nid)

if __name__ == "__main__":
    import jax
    _d = setup_inputs()
    print(jax.jit(kernel)(*tuple(_d.values())))

</pallas_src>

<mosaic_0001>
#map = affine_map<(d0, d1) -> (0, 0)>
#map1 = affine_map<(d0, d1) -> (0)>
module attributes {stable_mosaic.version = 14 : i64} {
  func.func @gather_k(%arg0: i32, %arg1: i32, %arg2: memref<100000x128xi32, #tpu.memory_space<hbm>>, %arg3: memref<100000x128xf32, #tpu.memory_space<hbm>>, %arg4: memref<100000x128xf32, #tpu.memory_space<hbm>>, %arg5: memref<393216xi32, #tpu.memory_space<hbm>>, %arg6: memref<12288xi32, #tpu.memory_space<hbm>>, %arg7: memref<131072x128xi32, #tpu.memory_space<hbm>>, %arg8: memref<4096x128xf32, #tpu.memory_space<hbm>>, %arg9: memref<4096x128xf32, #tpu.memory_space<hbm>>, %arg10: memref<128xi32, #tpu.memory_space<vmem>>, %arg11: memref<128x128xi32, #tpu.memory_space<vmem>>, %arg12: memref<128xi32, #tpu.memory_space<vmem>>, %arg13: memref<128x128xi32, #tpu.memory_space<vmem>>, %arg14: memref<128xi32, #tpu.memory_space<vmem>>, %arg15: memref<128x128xf32, #tpu.memory_space<vmem>>, %arg16: memref<128x128xf32, #tpu.memory_space<vmem>>, %arg17: memref<!tpu.dma_semaphore, #tpu.memory_space<semaphore_mem>>, %arg18: memref<!tpu.dma_semaphore, #tpu.memory_space<semaphore_mem>>) attributes {dimension_semantics = [#tpu.dimension_semantics<core_parallel>, #tpu.dimension_semantics<subcore_parallel>], iteration_bounds = array<i64: 2, 16>, scalar_prefetch = 0 : i64, scratch_operands = 9 : i64, tpu.core_type = #tpu.core_type<sc_vector_subcore>, window_params = [{transform_indices = #map}, {transform_indices = #map}, {transform_indices = #map}, {transform_indices = #map1}, {transform_indices = #map1}, {transform_indices = #map}, {transform_indices = #map}, {transform_indices = #map}]} {
    %mul3A = arith.constant 2 : i32
    %mul3A_0 = arith.muli %arg1, %mul3A : i32
    %add3A = arith.addi %mul3A_0, %arg0 : i32
    %mul3A_1 = arith.constant 4096 : i32
    %mul3A_2 = arith.muli %add3A, %mul3A_1 : i32
    %add3A_3 = arith.constant 262144 : i32
    %add3A_4 = arith.addi %add3A_3, %mul3A_2 : i32
    %add3A_5 = arith.constant 0 : i32
    %add3A_6 = arith.addi %add3A_4, %add3A_5 : i32
    "tpu.region"() ({
      %run_scoped3A = tpu.sem_alloc : memref<!tpu.dma_semaphore, #tpu.memory_space<semaphore_mem>>
      %dma_start3A_42 = tpu.memref_slice %arg5[%add3A_6] : memref<393216xi32, #tpu.memory_space<hbm>> -> memref<128xi32, #tpu.memory_space<hbm>>
      %dma_start3A_43 = tpu.memref_slice %arg5[%add3A_6] : memref<393216xi32, #tpu.memory_space<hbm>> -> memref<128xi32, #tpu.memory_space<hbm>>
      tpu.enqueue_dma source(%dma_start3A_43 : memref<128xi32, #tpu.memory_space<hbm>>) target(%arg10 : memref<128xi32, #tpu.memory_space<vmem>>) target_semaphore(%run_scoped3A : memref<!tpu.dma_semaphore, #tpu.memory_space<semaphore_mem>>)
      %dma_wait3A_44 = tpu.memref_slice %arg5[%add3A_6] : memref<393216xi32, #tpu.memory_space<hbm>> -> memref<128xi32, #tpu.memory_space<hbm>>
      %dma_wait3A_45 = tpu.memref_slice %arg5[%add3A_6] : memref<393216xi32, #tpu.memory_space<hbm>> -> memref<128xi32, #tpu.memory_space<hbm>>
      tpu.wait_dma2 semaphore(%run_scoped3A : memref<!tpu.dma_semaphore, #tpu.memory_space<semaphore_mem>>) src(%dma_wait3A_45 : memref<128xi32, #tpu.memory_space<hbm>>) dst(%arg10 : memref<128xi32, #tpu.memory_space<vmem>>)
      tpu.yield
    }) : () -> ()
    %dma_start3A = arith.constant 0 : i32
    %dma_start3A_7 = arith.constant 0 : i32
    %dma_start3A_8 = tpu.memref_slice %arg2[%dma_start3A, %dma_start3A_7] : memref<100000x128xi32, #tpu.memory_space<hbm>> -> memref<100000x128xi32, #tpu.memory_space<hbm>>
    tpu.enqueue_indirect_dma source(%dma_start3A_8 : memref<100000x128xi32, #tpu.memory_space<hbm>>) target(%arg11 : memref<128x128xi32, #tpu.memory_space<vmem>>) offsets(%arg10 : memref<128xi32, #tpu.memory_space<vmem>>) semaphore(%arg17 : memref<!tpu.dma_semaphore, #tpu.memory_space<semaphore_mem>>)
    %add3A_9 = arith.constant 262144 : i32
    %add3A_10 = arith.addi %add3A_9, %mul3A_2 : i32
    %add3A_11 = arith.constant 128 : i32
    %add3A_12 = arith.addi %add3A_10, %add3A_11 : i32
    "tpu.region"() ({
      %run_scoped3A = tpu.sem_alloc : memref<!tpu.dma_semaphore, #tpu.memory_space<semaphore_mem>>
      %dma_start3A_42 = tpu.memref_slice %arg5[%add3A_12] : memref<393216xi32, #tpu.memory_space<hbm>> -> memref<128xi32, #tpu.memory_space<hbm>>
      %dma_start3A_43 = tpu.memref_slice %arg5[%add3A_12] : memref<393216xi32, #tpu.memory_space<hbm>> -> memref<128xi32, #tpu.memory_space<hbm>>
      tpu.enqueue_dma source(%dma_start3A_43 : memref<128xi32, #tpu.memory_space<hbm>>) target(%arg12 : memref<128xi32, #tpu.memory_space<vmem>>) target_semaphore(%run_scoped3A : memref<!tpu.dma_semaphore, #tpu.memory_space<semaphore_mem>>)
      %dma_wait3A_44 = tpu.memref_slice %arg5[%add3A_12] : memref<393216xi32, #tpu.memory_space<hbm>> -> memref<128xi32, #tpu.memory_space<hbm>>
      %dma_wait3A_45 = tpu.memref_slice %arg5[%add3A_12] : memref<393216xi32, #tpu.memory_space<hbm>> -> memref<128xi32, #tpu.memory_space<hbm>>
      tpu.wait_dma2 semaphore(%run_scoped3A : memref<!tpu.dma_semaphore, #tpu.memory_space<semaphore_mem>>) src(%dma_wait3A_45 : memref<128xi32, #tpu.memory_space<hbm>>) dst(%arg12 : memref<128xi32, #tpu.memory_space<vmem>>)
      tpu.yield
    }) : () -> ()
    %dma_start3A_13 = arith.constant 0 : i32
    %dma_start3A_14 = arith.constant 0 : i32
    %dma_start3A_15 = tpu.memref_slice %arg2[%dma_start3A_13, %dma_start3A_14] : memref<100000x128xi32, #tpu.memory_space<hbm>> -> memref<100000x128xi32, #tpu.memory_space<hbm>>
    tpu.enqueue_indirect_dma source(%dma_start3A_15 : memref<100000x128xi32, #tpu.memory_space<hbm>>) target(%arg13 : memref<128x128xi32, #tpu.memory_space<vmem>>) offsets(%arg12 : memref<128xi32, #tpu.memory_space<vmem>>) semaphore(%arg18 : memref<!tpu.dma_semaphore, #tpu.memory_space<semaphore_mem>>)
    %scan3A = arith.constant 0 : i32
    %scan3A_16 = arith.constant 0 : i32
    %scan3A_17 = arith.constant 16 : i32
    %scan3A_18 = arith.addi %scan3A_16, %scan3A_17 : i32
    %scan3A_19 = arith.constant 1 : i32
    scf.for %scan3A_42 = %scan3A_16 to %scan3A_18 step %scan3A_19  : i32 {
      %mul3A_43 = arith.constant 2 : i32
      %mul3A_44 = arith.muli %mul3A_43, %scan3A_42 : i32
      %dma_wait3A_45 = arith.constant 0 : i32
      %dma_wait3A_46 = arith.constant 0 : i32
      %dma_wait3A_47 = tpu.memref_slice %arg2[%dma_wait3A_45, %dma_wait3A_46] : memref<100000x128xi32, #tpu.memory_space<hbm>> -> memref<100000x128xi32, #tpu.memory_space<hbm>>
      tpu.wait_indirect_dma semaphore(%arg17 : memref<!tpu.dma_semaphore, #tpu.memory_space<semaphore_mem>>) src(%dma_wait3A_47 : memref<100000x128xi32, #tpu.memory_space<hbm>>) dst(%arg11 : memref<128x128xi32, #tpu.memory_space<vmem>>)
      %mul3A_48 = arith.constant 128 : i32
      %mul3A_49 = arith.muli %mul3A_44, %mul3A_48 : i32
      %add3A_50 = arith.addi %mul3A_2, %mul3A_49 : i32
      "tpu.region"() ({
        %run_scoped3A = tpu.sem_alloc : memref<!tpu.dma_semaphore, #tpu.memory_space<semaphore_mem>>
        %dma_start3A_68 = arith.constant 0 : i32
        %dma_start3A_69 = tpu.memref_slice %arg7[%add3A_50, %dma_start3A_68] : memref<131072x128xi32, #tpu.memory_space<hbm>> -> memref<128x128xi32, #tpu.memory_space<hbm>>
        %dma_start3A_70 = arith.constant 0 : i32
        %dma_start3A_71 = tpu.memref_slice %arg7[%add3A_50, %dma_start3A_70] : memref<131072x128xi32, #tpu.memory_space<hbm>> -> memref<128x128xi32, #tpu.memory_space<hbm>>
        tpu.enqueue_dma source(%arg11 : memref<128x128xi32, #tpu.memory_space<vmem>>) target(%dma_start3A_71 : memref<128x128xi32, #tpu.memory_space<hbm>>) target_semaphore(%run_scoped3A : memref<!tpu.dma_semaphore, #tpu.memory_space<semaphore_mem>>)
        %dma_wait3A_72 = arith.constant 0 : i32
        %dma_wait3A_73 = tpu.memref_slice %arg7[%add3A_50, %dma_wait3A_72] : memref<131072x128xi32, #tpu.memory_space<hbm>> -> memref<128x128xi32, #tpu.memory_space<hbm>>
        %dma_wait3A_74 = arith.constant 0 : i32
        %dma_wait3A_75 = tpu.memref_slice %arg7[%add3A_50, %dma_wait3A_74] : memref<131072x128xi32, #tpu.memory_space<hbm>> -> memref<128x128xi32, #tpu.memory_space<hbm>>
        tpu.wait_dma2 semaphore(%run_scoped3A : memref<!tpu.dma_semaphore, #tpu.memory_space<semaphore_mem>>) src(%arg11 : memref<128x128xi32, #tpu.memory_space<vmem>>) dst(%dma_wait3A_75 : memref<128x128xi32, #tpu.memory_space<hbm>>)
        tpu.yield
      }) : () -> ()
      %lt3A = arith.constant 15 : i32
      %lt3A_51 = arith.cmpi slt, %scan3A_42, %lt3A : i32
      %convert_element_type3A = arith.extui %lt3A_51 : i1 to i32
      %cond3A = arith.constant 0 : i32
      %cond3A_52 = arith.cmpi ne, %convert_element_type3A, %cond3A : i32
      scf.if %cond3A_52 {
        %mul3A_68 = arith.constant 2 : i32
        %mul3A_69 = arith.muli %mul3A_68, %scan3A_42 : i32
        %add3A_70 = arith.constant 2 : i32
        %add3A_71 = arith.addi %mul3A_69, %add3A_70 : i32
        %add3A_72 = arith.constant 262144 : i32
        %add3A_73 = arith.addi %add3A_72, %mul3A_2 : i32
        %mul3A_74 = arith.constant 128 : i32
        %mul3A_75 = arith.muli %add3A_71, %mul3A_74 : i32
        %add3A_76 = arith.addi %add3A_73, %mul3A_75 : i32
        "tpu.region"() ({
          %run_scoped3A = tpu.sem_alloc : memref<!tpu.dma_semaphore, #tpu.memory_space<semaphore_mem>>
          %dma_start3A_80 = tpu.memref_slice %arg5[%add3A_76] : memref<393216xi32, #tpu.memory_space<hbm>> -> memref<128xi32, #tpu.memory_space<hbm>>
          %dma_start3A_81 = tpu.memref_slice %arg5[%add3A_76] : memref<393216xi32, #tpu.memory_space<hbm>> -> memref<128xi32, #tpu.memory_space<hbm>>
          tpu.enqueue_dma source(%dma_start3A_81 : memref<128xi32, #tpu.memory_space<hbm>>) target(%arg10 : memref<128xi32, #tpu.memory_space<vmem>>) target_semaphore(%run_scoped3A : memref<!tpu.dma_semaphore, #tpu.memory_space<semaphore_mem>>)
          %dma_wait3A_82 = tpu.memref_slice %arg5[%add3A_76] : memref<393216xi32, #tpu.memory_space<hbm>> -> memref<128xi32, #tpu.memory_space<hbm>>
          %dma_wait3A_83 = tpu.memref_slice %arg5[%add3A_76] : memref<393216xi32, #tpu.memory_space<hbm>> -> memref<128xi32, #tpu.memory_space<hbm>>
          tpu.wait_dma2 semaphore(%run_scoped3A : memref<!tpu.dma_semaphore, #tpu.memory_space<semaphore_mem>>) src(%dma_wait3A_83 : memref<128xi32, #tpu.memory_space<hbm>>) dst(%arg10 : memref<128xi32, #tpu.memory_space<vmem>>)
          tpu.yield
        }) : () -> ()
        %dma_start3A_77 = arith.constant 0 : i32
        %dma_start3A_78 = arith.constant 0 : i32
        %dma_start3A_79 = tpu.memref_slice %arg2[%dma_start3A_77, %dma_start3A_78] : memref<100000x128xi32, #tpu.memory_space<hbm>> -> memref<100000x128xi32, #tpu.memory_space<hbm>>
        tpu.enqueue_indirect_dma source(%dma_start3A_79 : memref<100000x128xi32, #tpu.memory_space<hbm>>) target(%arg11 : memref<128x128xi32, #tpu.memory_space<vmem>>) offsets(%arg10 : memref<128xi32, #tpu.memory_space<vmem>>) semaphore(%arg17 : memref<!tpu.dma_semaphore, #tpu.memory_space<semaphore_mem>>)
      } else {
      }
      %mul3A_53 = arith.constant 2 : i32
      %mul3A_54 = arith.muli %mul3A_53, %scan3A_42 : i32
      %add3A_55 = arith.constant 1 : i32
      %add3A_56 = arith.addi %mul3A_54, %add3A_55 : i32
      %dma_wait3A_57 = arith.constant 0 : i32
      %dma_wait3A_58 = arith.constant 0 : i32
      %dma_wait3A_59 = tpu.memref_slice %arg2[%dma_wait3A_57, %dma_wait3A_58] : memref<100000x128xi32, #tpu.memory_space<hbm>> -> memref<100000x128xi32, #tpu.memory_space<hbm>>
      tpu.wait_indirect_dma semaphore(%arg18 : memref<!tpu.dma_semaphore, #tpu.memory_space<semaphore_mem>>) src(%dma_wait3A_59 : memref<100000x128xi32, #tpu.memory_space<hbm>>) dst(%arg13 : memref<128x128xi32, #tpu.memory_space<vmem>>)
      %mul3A_60 = arith.constant 128 : i32
      %mul3A_61 = arith.muli %add3A_56, %mul3A_60 : i32
      %add3A_62 = arith.addi %mul3A_2, %mul3A_61 : i32
      "tpu.region"() ({
        %run_scoped3A = tpu.sem_alloc : memref<!tpu.dma_semaphore, #tpu.memory_space<semaphore_mem>>
        %dma_start3A_68 = arith.constant 0 : i32
        %dma_start3A_69 = tpu.memref_slice %arg7[%add3A_62, %dma_start3A_68] : memref<131072x128xi32, #tpu.memory_space<hbm>> -> memref<128x128xi32, #tpu.memory_space<hbm>>
        %dma_start3A_70 = arith.constant 0 : i32
        %dma_start3A_71 = tpu.memref_slice %arg7[%add3A_62, %dma_start3A_70] : memref<131072x128xi32, #tpu.memory_space<hbm>> -> memref<128x128xi32, #tpu.memory_space<hbm>>
        tpu.enqueue_dma source(%arg13 : memref<128x128xi32, #tpu.memory_space<vmem>>) target(%dma_start3A_71 : memref<128x128xi32, #tpu.memory_space<hbm>>) target_semaphore(%run_scoped3A : memref<!tpu.dma_semaphore, #tpu.memory_space<semaphore_mem>>)
        %dma_wait3A_72 = arith.constant 0 : i32
        %dma_wait3A_73 = tpu.memref_slice %arg7[%add3A_62, %dma_wait3A_72] : memref<131072x128xi32, #tpu.memory_space<hbm>> -> memref<128x128xi32, #tpu.memory_space<hbm>>
        %dma_wait3A_74 = arith.constant 0 : i32
        %dma_wait3A_75 = tpu.memref_slice %arg7[%add3A_62, %dma_wait3A_74] : memref<131072x128xi32, #tpu.memory_space<hbm>> -> memref<128x128xi32, #tpu.memory_space<hbm>>
        tpu.wait_dma2 semaphore(%run_scoped3A : memref<!tpu.dma_semaphore, #tpu.memory_space<semaphore_mem>>) src(%arg13 : memref<128x128xi32, #tpu.memory_space<vmem>>) dst(%dma_wait3A_75 : memref<128x128xi32, #tpu.memory_space<hbm>>)
        tpu.yield
      }) : () -> ()
      %lt3A_63 = arith.constant 15 : i32
      %lt3A_64 = arith.cmpi slt, %scan3A_42, %lt3A_63 : i32
      %convert_element_type3A_65 = arith.extui %lt3A_64 : i1 to i32
      %cond3A_66 = arith.constant 0 : i32
      %cond3A_67 = arith.cmpi ne, %convert_element_type3A_65, %cond3A_66 : i32
      scf.if %cond3A_67 {
        %mul3A_68 = arith.constant 2 : i32
        %mul3A_69 = arith.muli %mul3A_68, %scan3A_42 : i32
        %add3A_70 = arith.constant 3 : i32
        %add3A_71 = arith.addi %mul3A_69, %add3A_70 : i32
        %add3A_72 = arith.constant 262144 : i32
        %add3A_73 = arith.addi %add3A_72, %mul3A_2 : i32
        %mul3A_74 = arith.constant 128 : i32
        %mul3A_75 = arith.muli %add3A_71, %mul3A_74 : i32
        %add3A_76 = arith.addi %add3A_73, %mul3A_75 : i32
        "tpu.region"() ({
          %run_scoped3A = tpu.sem_alloc : memref<!tpu.dma_semaphore, #tpu.memory_space<semaphore_mem>>
          %dma_start3A_80 = tpu.memref_slice %arg5[%add3A_76] : memref<393216xi32, #tpu.memory_space<hbm>> -> memref<128xi32, #tpu.memory_space<hbm>>
          %dma_start3A_81 = tpu.memref_slice %arg5[%add3A_76] : memref<393216xi32, #tpu.memory_space<hbm>> -> memref<128xi32, #tpu.memory_space<hbm>>
          tpu.enqueue_dma source(%dma_start3A_81 : memref<128xi32, #tpu.memory_space<hbm>>) target(%arg12 : memref<128xi32, #tpu.memory_space<vmem>>) target_semaphore(%run_scoped3A : memref<!tpu.dma_semaphore, #tpu.memory_space<semaphore_mem>>)
          %dma_wait3A_82 = tpu.memref_slice %arg5[%add3A_76] : memref<393216xi32, #tpu.memory_space<hbm>> -> memref<128xi32, #tpu.memory_space<hbm>>
          %dma_wait3A_83 = tpu.memref_slice %arg5[%add3A_76] : memref<393216xi32, #tpu.memory_space<hbm>> -> memref<128xi32, #tpu.memory_space<hbm>>
          tpu.wait_dma2 semaphore(%run_scoped3A : memref<!tpu.dma_semaphore, #tpu.memory_space<semaphore_mem>>) src(%dma_wait3A_83 : memref<128xi32, #tpu.memory_space<hbm>>) dst(%arg12 : memref<128xi32, #tpu.memory_space<vmem>>)
          tpu.yield
        }) : () -> ()
        %dma_start3A_77 = arith.constant 0 : i32
        %dma_start3A_78 = arith.constant 0 : i32
        %dma_start3A_79 = tpu.memref_slice %arg2[%dma_start3A_77, %dma_start3A_78] : memref<100000x128xi32, #tpu.memory_space<hbm>> -> memref<100000x128xi32, #tpu.memory_space<hbm>>
        tpu.enqueue_indirect_dma source(%dma_start3A_79 : memref<100000x128xi32, #tpu.memory_space<hbm>>) target(%arg13 : memref<128x128xi32, #tpu.memory_space<vmem>>) offsets(%arg12 : memref<128xi32, #tpu.memory_space<vmem>>) semaphore(%arg18 : memref<!tpu.dma_semaphore, #tpu.memory_space<semaphore_mem>>)
      } else {
      }
    }
    %scan3A_20 = arith.constant 16 : i32
    %mul3A_21 = arith.constant 128 : i32
    %mul3A_22 = arith.muli %add3A, %mul3A_21 : i32
    %scan3A_23 = arith.constant 0 : i32
    %scan3A_24 = arith.constant 0 : i32
    %mul3A_25 = arith.constant 128 : i32
    %mul3A_26 = arith.muli %scan3A_24, %mul3A_25 : i32
    %add3A_27 = arith.addi %mul3A_22, %mul3A_26 : i32
    %add3A_28 = arith.constant 8192 : i32
    %add3A_29 = arith.addi %add3A_28, %add3A_27 : i32
    "tpu.region"() ({
      %run_scoped3A = tpu.sem_alloc : memref<!tpu.dma_semaphore, #tpu.memory_space<semaphore_mem>>
      %dma_start3A_42 = tpu.memref_slice %arg6[%add3A_29] : memref<12288xi32, #tpu.memory_space<hbm>> -> memref<128xi32, #tpu.memory_space<hbm>>
      %dma_start3A_43 = tpu.memref_slice %arg6[%add3A_29] : memref<12288xi32, #tpu.memory_space<hbm>> -> memref<128xi32, #tpu.memory_space<hbm>>
      tpu.enqueue_dma source(%dma_start3A_43 : memref<128xi32, #tpu.memory_space<hbm>>) target(%arg14 : memref<128xi32, #tpu.memory_space<vmem>>) target_semaphore(%run_scoped3A : memref<!tpu.dma_semaphore, #tpu.memory_space<semaphore_mem>>)
      %dma_wait3A_44 = tpu.memref_slice %arg6[%add3A_29] : memref<12288xi32, #tpu.memory_space<hbm>> -> memref<128xi32, #tpu.memory_space<hbm>>
      %dma_wait3A_45 = tpu.memref_slice %arg6[%add3A_29] : memref<12288xi32, #tpu.memory_space<hbm>> -> memref<128xi32, #tpu.memory_space<hbm>>
      tpu.wait_dma2 semaphore(%run_scoped3A : memref<!tpu.dma_semaphore, #tpu.memory_space<semaphore_mem>>) src(%dma_wait3A_45 : memref<128xi32, #tpu.memory_space<hbm>>) dst(%arg14 : memref<128xi32, #tpu.memory_space<vmem>>)
      tpu.yield
    }) : () -> ()
    %dma_start3A_30 = arith.constant 0 : i32
    %dma_start3A_31 = arith.constant 0 : i32
    %dma_start3A_32 = tpu.memref_slice %arg3[%dma_start3A_30, %dma_start3A_31] : memref<100000x128xf32, #tpu.memory_space<hbm>> -> memref<100000x128xf32, #tpu.memory_space<hbm>>
    tpu.enqueue_indirect_dma source(%dma_start3A_32 : memref<100000x128xf32, #tpu.memory_space<hbm>>) target(%arg15 : memref<128x128xf32, #tpu.memory_space<vmem>>) offsets(%arg14 : memref<128xi32, #tpu.memory_space<vmem>>) semaphore(%arg17 : memref<!tpu.dma_semaphore, #tpu.memory_space<semaphore_mem>>)
    %dma_start3A_33 = arith.constant 0 : i32
    %dma_start3A_34 = arith.constant 0 : i32
    %dma_start3A_35 = tpu.memref_slice %arg4[%dma_start3A_33, %dma_start3A_34] : memref<100000x128xf32, #tpu.memory_space<hbm>> -> memref<100000x128xf32, #tpu.memory_space<hbm>>
    tpu.enqueue_indirect_dma source(%dma_start3A_35 : memref<100000x128xf32, #tpu.memory_space<hbm>>) target(%arg16 : memref<128x128xf32, #tpu.memory_space<vmem>>) offsets(%arg14 : memref<128xi32, #tpu.memory_space<vmem>>) semaphore(%arg18 : memref<!tpu.dma_semaphore, #tpu.memory_space<semaphore_mem>>)
    %dma_wait3A = arith.constant 0 : i32
    %dma_wait3A_36 = arith.constant 0 : i32
    %dma_wait3A_37 = tpu.memref_slice %arg3[%dma_wait3A, %dma_wait3A_36] : memref<100000x128xf32, #tpu.memory_space<hbm>> -> memref<100000x128xf32, #tpu.memory_space<hbm>>
    tpu.wait_indirect_dma semaphore(%arg17 : memref<!tpu.dma_semaphore, #tpu.memory_space<semaphore_mem>>) src(%dma_wait3A_37 : memref<100000x128xf32, #tpu.memory_space<hbm>>) dst(%arg15 : memref<128x128xf32, #tpu.memory_space<vmem>>)
    %dma_wait3A_38 = arith.constant 0 : i32
    %dma_wait3A_39 = arith.constant 0 : i32
    %dma_wait3A_40 = tpu.memref_slice %arg4[%dma_wait3A_38, %dma_wait3A_39] : memref<100000x128xf32, #tpu.memory_space<hbm>> -> memref<100000x128xf32, #tpu.memory_space<hbm>>
    tpu.wait_indirect_dma semaphore(%arg18 : memref<!tpu.dma_semaphore, #tpu.memory_space<semaphore_mem>>) src(%dma_wait3A_40 : memref<100000x128xf32, #tpu.memory_space<hbm>>) dst(%arg16 : memref<128x128xf32, #tpu.memory_space<vmem>>)
    "tpu.region"() ({
      %run_scoped3A = tpu.sem_alloc : memref<!tpu.dma_semaphore, #tpu.memory_space<semaphore_mem>>
      %dma_start3A_42 = arith.constant 0 : i32
      %dma_start3A_43 = tpu.memref_slice %arg8[%add3A_27, %dma_start3A_42] : memref<4096x128xf32, #tpu.memory_space<hbm>> -> memref<128x128xf32, #tpu.memory_space<hbm>>
      %dma_start3A_44 = arith.constant 0 : i32
      %dma_start3A_45 = tpu.memref_slice %arg8[%add3A_27, %dma_start3A_44] : memref<4096x128xf32, #tpu.memory_space<hbm>> -> memref<128x128xf32, #tpu.memory_space<hbm>>
      tpu.enqueue_dma source(%arg15 : memref<128x128xf32, #tpu.memory_space<vmem>>) target(%dma_start3A_45 : memref<128x128xf32, #tpu.memory_space<hbm>>) target_semaphore(%run_scoped3A : memref<!tpu.dma_semaphore, #tpu.memory_space<semaphore_mem>>)
      %dma_wait3A_46 = arith.constant 0 : i32
      %dma_wait3A_47 = tpu.memref_slice %arg8[%add3A_27, %dma_wait3A_46] : memref<4096x128xf32, #tpu.memory_space<hbm>> -> memref<128x128xf32, #tpu.memory_space<hbm>>
      %dma_wait3A_48 = arith.constant 0 : i32
      %dma_wait3A_49 = tpu.memref_slice %arg8[%add3A_27, %dma_wait3A_48] : memref<4096x128xf32, #tpu.memory_space<hbm>> -> memref<128x128xf32, #tpu.memory_space<hbm>>
      tpu.wait_dma2 semaphore(%run_scoped3A : memref<!tpu.dma_semaphore, #tpu.memory_space<semaphore_mem>>) src(%arg15 : memref<128x128xf32, #tpu.memory_space<vmem>>) dst(%dma_wait3A_49 : memref<128x128xf32, #tpu.memory_space<hbm>>)
      tpu.yield
    }) : () -> ()
    "tpu.region"() ({
      %run_scoped3A = tpu.sem_alloc : memref<!tpu.dma_semaphore, #tpu.memory_space<semaphore_mem>>
      %dma_start3A_42 = arith.constant 0 : i32
      %dma_start3A_43 = tpu.memref_slice %arg9[%add3A_27, %dma_start3A_42] : memref<4096x128xf32, #tpu.memory_space<hbm>> -> memref<128x128xf32, #tpu.memory_space<hbm>>
      %dma_start3A_44 = arith.constant 0 : i32
      %dma_start3A_45 = tpu.memref_slice %arg9[%add3A_27, %dma_start3A_44] : memref<4096x128xf32, #tpu.memory_space<hbm>> -> memref<128x128xf32, #tpu.memory_space<hbm>>
      tpu.enqueue_dma source(%arg16 : memref<128x128xf32, #tpu.memory_space<vmem>>) target(%dma_start3A_45 : memref<128x128xf32, #tpu.memory_space<hbm>>) target_semaphore(%run_scoped3A : memref<!tpu.dma_semaphore, #tpu.memory_space<semaphore_mem>>)
      %dma_wait3A_46 = arith.constant 0 : i32
      %dma_wait3A_47 = tpu.memref_slice %arg9[%add3A_27, %dma_wait3A_46] : memref<4096x128xf32, #tpu.memory_space<hbm>> -> memref<128x128xf32, #tpu.memory_space<hbm>>
      %dma_wait3A_48 = arith.constant 0 : i32
      %dma_wait3A_49 = tpu.memref_slice %arg9[%add3A_27, %dma_wait3A_48] : memref<4096x128xf32, #tpu.memory_space<hbm>> -> memref<128x128xf32, #tpu.memory_space<hbm>>
      tpu.wait_dma2 semaphore(%run_scoped3A : memref<!tpu.dma_semaphore, #tpu.memory_space<semaphore_mem>>) src(%arg16 : memref<128x128xf32, #tpu.memory_space<vmem>>) dst(%dma_wait3A_49 : memref<128x128xf32, #tpu.memory_space<hbm>>)
      tpu.yield
    }) : () -> ()
    %scan3A_41 = arith.constant 1 : i32
    return
  }
}

#map = affine_map<(d0, d1) -> (0, 0)>
#map1 = affine_map<(d0, d1) -> (0)>
module attributes {stable_mosaic.version = 14 : i64} {
  func.func @gather_k(%arg0: i32, %arg1: i32, %arg2: memref<100000x128xi32, #tpu.memory_space<hbm>>, %arg3: memref<100000x128xf32, #tpu.memory_space<hbm>>, %arg4: memref<100000x128xf32, #tpu.memory_space<hbm>>, %arg5: memref<393216xi32, #tpu.memory_space<hbm>>, %arg6: memref<12288xi32, #tpu.memory_space<hbm>>, %arg7: memref<131072x128xi32, #tpu.memory_space<hbm>>, %arg8: memref<4096x128xf32, #tpu.memory_space<hbm>>, %arg9: memref<4096x128xf32, #tpu.memory_space<hbm>>, %arg10: memref<128xi32, #tpu.memory_space<vmem>>, %arg11: memref<128x128xi32, #tpu.memory_space<vmem>>, %arg12: memref<128xi32, #tpu.memory_space<vmem>>, %arg13: memref<128x128xi32, #tpu.memory_space<vmem>>, %arg14: memref<128xi32, #tpu.memory_space<vmem>>, %arg15: memref<128x128xf32, #tpu.memory_space<vmem>>, %arg16: memref<128x128xf32, #tpu.memory_space<vmem>>, %arg17: memref<!tpu.dma_semaphore, #tpu.memory_space<semaphore_mem>>, %arg18: memref<!tpu.dma_semaphore, #tpu.memory_space<semaphore_mem>>) attributes {dimension_semantics = [#tpu.dimension_semantics<core_parallel>, #tpu.dimension_semantics<subcore_parallel>], iteration_bounds = array<i64: 2, 16>, scalar_prefetch = 0 : i64, scratch_operands = 9 : i64, tpu.core_type = #tpu.core_type<sc_vector_subcore>, window_params = [{transform_indices = #map}, {transform_indices = #map}, {transform_indices = #map}, {transform_indices = #map1}, {transform_indices = #map1}, {transform_indices = #map}, {transform_indices = #map}, {transform_indices = #map}]} {
    %mul3A = arith.constant 2 : i32
    %mul3A_0 = arith.muli %arg1, %mul3A : i32
    %add3A = arith.addi %mul3A_0, %arg0 : i32
    %mul3A_1 = arith.constant 4096 : i32
    %mul3A_2 = arith.muli %add3A, %mul3A_1 : i32
    %add3A_3 = arith.constant 0 : i32
    %add3A_4 = arith.addi %add3A_3, %mul3A_2 : i32
    %add3A_5 = arith.constant 0 : i32
    %add3A_6 = arith.addi %add3A_4, %add3A_5 : i32
    "tpu.region"() ({
      %run_scoped3A = tpu.sem_alloc : memref<!tpu.dma_semaphore, #tpu.memory_space<semaphore_mem>>
      %dma_start3A_42 = tpu.memref_slice %arg5[%add3A_6] : memref<393216xi32, #tpu.memory_space<hbm>> -> memref<128xi32, #tpu.memory_space<hbm>>
      %dma_start3A_43 = tpu.memref_slice %arg5[%add3A_6] : memref<393216xi32, #tpu.memory_space<hbm>> -> memref<128xi32, #tpu.memory_space<hbm>>
      tpu.enqueue_dma source(%dma_start3A_43 : memref<128xi32, #tpu.memory_space<hbm>>) target(%arg10 : memref<128xi32, #tpu.memory_space<vmem>>) target_semaphore(%run_scoped3A : memref<!tpu.dma_semaphore, #tpu.memory_space<semaphore_mem>>)
      %dma_wait3A_44 = tpu.memref_slice %arg5[%add3A_6] : memref<393216xi32, #tpu.memory_space<hbm>> -> memref<128xi32, #tpu.memory_space<hbm>>
      %dma_wait3A_45 = tpu.memref_slice %arg5[%add3A_6] : memref<393216xi32, #tpu.memory_space<hbm>> -> memref<128xi32, #tpu.memory_space<hbm>>
      tpu.wait_dma2 semaphore(%run_scoped3A : memref<!tpu.dma_semaphore, #tpu.memory_space<semaphore_mem>>) src(%dma_wait3A_45 : memref<128xi32, #tpu.memory_space<hbm>>) dst(%arg10 : memref<128xi32, #tpu.memory_space<vmem>>)
      tpu.yield
    }) : () -> ()
    %dma_start3A = arith.constant 0 : i32
    %dma_start3A_7 = arith.constant 0 : i32
    %dma_start3A_8 = tpu.memref_slice %arg2[%dma_start3A, %dma_start3A_7] : memref<100000x128xi32, #tpu.memory_space<hbm>> -> memref<100000x128xi32, #tpu.memory_space<hbm>>
    tpu.enqueue_indirect_dma source(%dma_start3A_8 : memref<100000x128xi32, #tpu.memory_space<hbm>>) target(%arg11 : memref<128x128xi32, #tpu.memory_space<vmem>>) offsets(%arg10 : memref<128xi32, #tpu.memory_space<vmem>>) semaphore(%arg17 : memref<!tpu.dma_semaphore, #tpu.memory_space<semaphore_mem>>)
    %add3A_9 = arith.constant 0 : i32
    %add3A_10 = arith.addi %add3A_9, %mul3A_2 : i32
    %add3A_11 = arith.constant 128 : i32
    %add3A_12 = arith.addi %add3A_10, %add3A_11 : i32
    "tpu.region"() ({
      %run_scoped3A = tpu.sem_alloc : memref<!tpu.dma_semaphore, #tpu.memory_space<semaphore_mem>>
      %dma_start3A_42 = tpu.memref_slice %arg5[%add3A_12] : memref<393216xi32, #tpu.memory_space<hbm>> -> memref<128xi32, #tpu.memory_space<hbm>>
      %dma_start3A_43 = tpu.memref_slice %arg5[%add3A_12] : memref<393216xi32, #tpu.memory_space<hbm>> -> memref<128xi32, #tpu.memory_space<hbm>>
      tpu.enqueue_dma source(%dma_start3A_43 : memref<128xi32, #tpu.memory_space<hbm>>) target(%arg12 : memref<128xi32, #tpu.memory_space<vmem>>) target_semaphore(%run_scoped3A : memref<!tpu.dma_semaphore, #tpu.memory_space<semaphore_mem>>)
      %dma_wait3A_44 = tpu.memref_slice %arg5[%add3A_12] : memref<393216xi32, #tpu.memory_space<hbm>> -> memref<128xi32, #tpu.memory_space<hbm>>
      %dma_wait3A_45 = tpu.memref_slice %arg5[%add3A_12] : memref<393216xi32, #tpu.memory_space<hbm>> -> memref<128xi32, #tpu.memory_space<hbm>>
      tpu.wait_dma2 semaphore(%run_scoped3A : memref<!tpu.dma_semaphore, #tpu.memory_space<semaphore_mem>>) src(%dma_wait3A_45 : memref<128xi32, #tpu.memory_space<hbm>>) dst(%arg12 : memref<128xi32, #tpu.memory_space<vmem>>)
      tpu.yield
    }) : () -> ()
    %dma_start3A_13 = arith.constant 0 : i32
    %dma_start3A_14 = arith.constant 0 : i32
    %dma_start3A_15 = tpu.memref_slice %arg2[%dma_start3A_13, %dma_start3A_14] : memref<100000x128xi32, #tpu.memory_space<hbm>> -> memref<100000x128xi32, #tpu.memory_space<hbm>>
    tpu.enqueue_indirect_dma source(%dma_start3A_15 : memref<100000x128xi32, #tpu.memory_space<hbm>>) target(%arg13 : memref<128x128xi32, #tpu.memory_space<vmem>>) offsets(%arg12 : memref<128xi32, #tpu.memory_space<vmem>>) semaphore(%arg18 : memref<!tpu.dma_semaphore, #tpu.memory_space<semaphore_mem>>)
    %scan3A = arith.constant 0 : i32
    %scan3A_16 = arith.constant 0 : i32
    %scan3A_17 = arith.constant 16 : i32
    %scan3A_18 = arith.addi %scan3A_16, %scan3A_17 : i32
    %scan3A_19 = arith.constant 1 : i32
    scf.for %scan3A_42 = %scan3A_16 to %scan3A_18 step %scan3A_19  : i32 {
      %mul3A_43 = arith.constant 2 : i32
      %mul3A_44 = arith.muli %mul3A_43, %scan3A_42 : i32
      %dma_wait3A_45 = arith.constant 0 : i32
      %dma_wait3A_46 = arith.constant 0 : i32
      %dma_wait3A_47 = tpu.memref_slice %arg2[%dma_wait3A_45, %dma_wait3A_46] : memref<100000x128xi32, #tpu.memory_space<hbm>> -> memref<100000x128xi32, #tpu.memory_space<hbm>>
      tpu.wait_indirect_dma semaphore(%arg17 : memref<!tpu.dma_semaphore, #tpu.memory_space<semaphore_mem>>) src(%dma_wait3A_47 : memref<100000x128xi32, #tpu.memory_space<hbm>>) dst(%arg11 : memref<128x128xi32, #tpu.memory_space<vmem>>)
      %mul3A_48 = arith.constant 128 : i32
      %mul3A_49 = arith.muli %mul3A_44, %mul3A_48 : i32
      %add3A_50 = arith.addi %mul3A_2, %mul3A_49 : i32
      "tpu.region"() ({
        %run_scoped3A = tpu.sem_alloc : memref<!tpu.dma_semaphore, #tpu.memory_space<semaphore_mem>>
        %dma_start3A_68 = arith.constant 0 : i32
        %dma_start3A_69 = tpu.memref_slice %arg7[%add3A_50, %dma_start3A_68] : memref<131072x128xi32, #tpu.memory_space<hbm>> -> memref<128x128xi32, #tpu.memory_space<hbm>>
        %dma_start3A_70 = arith.constant 0 : i32
        %dma_start3A_71 = tpu.memref_slice %arg7[%add3A_50, %dma_start3A_70] : memref<131072x128xi32, #tpu.memory_space<hbm>> -> memref<128x128xi32, #tpu.memory_space<hbm>>
        tpu.enqueue_dma source(%arg11 : memref<128x128xi32, #tpu.memory_space<vmem>>) target(%dma_start3A_71 : memref<128x128xi32, #tpu.memory_space<hbm>>) target_semaphore(%run_scoped3A : memref<!tpu.dma_semaphore, #tpu.memory_space<semaphore_mem>>)
        %dma_wait3A_72 = arith.constant 0 : i32
        %dma_wait3A_73 = tpu.memref_slice %arg7[%add3A_50, %dma_wait3A_72] : memref<131072x128xi32, #tpu.memory_space<hbm>> -> memref<128x128xi32, #tpu.memory_space<hbm>>
        %dma_wait3A_74 = arith.constant 0 : i32
        %dma_wait3A_75 = tpu.memref_slice %arg7[%add3A_50, %dma_wait3A_74] : memref<131072x128xi32, #tpu.memory_space<hbm>> -> memref<128x128xi32, #tpu.memory_space<hbm>>
        tpu.wait_dma2 semaphore(%run_scoped3A : memref<!tpu.dma_semaphore, #tpu.memory_space<semaphore_mem>>) src(%arg11 : memref<128x128xi32, #tpu.memory_space<vmem>>) dst(%dma_wait3A_75 : memref<128x128xi32, #tpu.memory_space<hbm>>)
        tpu.yield
      }) : () -> ()
      %lt3A = arith.constant 15 : i32
      %lt3A_51 = arith.cmpi slt, %scan3A_42, %lt3A : i32
      %convert_element_type3A = arith.extui %lt3A_51 : i1 to i32
      %cond3A = arith.constant 0 : i32
      %cond3A_52 = arith.cmpi ne, %convert_element_type3A, %cond3A : i32
      scf.if %cond3A_52 {
        %mul3A_68 = arith.constant 2 : i32
        %mul3A_69 = arith.muli %mul3A_68, %scan3A_42 : i32
        %add3A_70 = arith.constant 2 : i32
        %add3A_71 = arith.addi %mul3A_69, %add3A_70 : i32
        %add3A_72 = arith.constant 0 : i32
        %add3A_73 = arith.addi %add3A_72, %mul3A_2 : i32
        %mul3A_74 = arith.constant 128 : i32
        %mul3A_75 = arith.muli %add3A_71, %mul3A_74 : i32
        %add3A_76 = arith.addi %add3A_73, %mul3A_75 : i32
        "tpu.region"() ({
          %run_scoped3A = tpu.sem_alloc : memref<!tpu.dma_semaphore, #tpu.memory_space<semaphore_mem>>
          %dma_start3A_80 = tpu.memref_slice %arg5[%add3A_76] : memref<393216xi32, #tpu.memory_space<hbm>> -> memref<128xi32, #tpu.memory_space<hbm>>
          %dma_start3A_81 = tpu.memref_slice %arg5[%add3A_76] : memref<393216xi32, #tpu.memory_space<hbm>> -> memref<128xi32, #tpu.memory_space<hbm>>
          tpu.enqueue_dma source(%dma_start3A_81 : memref<128xi32, #tpu.memory_space<hbm>>) target(%arg10 : memref<128xi32, #tpu.memory_space<vmem>>) target_semaphore(%run_scoped3A : memref<!tpu.dma_semaphore, #tpu.memory_space<semaphore_mem>>)
          %dma_wait3A_82 = tpu.memref_slice %arg5[%add3A_76] : memref<393216xi32, #tpu.memory_space<hbm>> -> memref<128xi32, #tpu.memory_space<hbm>>
          %dma_wait3A_83 = tpu.memref_slice %arg5[%add3A_76] : memref<393216xi32, #tpu.memory_space<hbm>> -> memref<128xi32, #tpu.memory_space<hbm>>
          tpu.wait_dma2 semaphore(%run_scoped3A : memref<!tpu.dma_semaphore, #tpu.memory_space<semaphore_mem>>) src(%dma_wait3A_83 : memref<128xi32, #tpu.memory_space<hbm>>) dst(%arg10 : memref<128xi32, #tpu.memory_space<vmem>>)
          tpu.yield
        }) : () -> ()
        %dma_start3A_77 = arith.constant 0 : i32
        %dma_start3A_78 = arith.constant 0 : i32
        %dma_start3A_79 = tpu.memref_slice %arg2[%dma_start3A_77, %dma_start3A_78] : memref<100000x128xi32, #tpu.memory_space<hbm>> -> memref<100000x128xi32, #tpu.memory_space<hbm>>
        tpu.enqueue_indirect_dma source(%dma_start3A_79 : memref<100000x128xi32, #tpu.memory_space<hbm>>) target(%arg11 : memref<128x128xi32, #tpu.memory_space<vmem>>) offsets(%arg10 : memref<128xi32, #tpu.memory_space<vmem>>) semaphore(%arg17 : memref<!tpu.dma_semaphore, #tpu.memory_space<semaphore_mem>>)
      } else {
      }
      %mul3A_53 = arith.constant 2 : i32
      %mul3A_54 = arith.muli %mul3A_53, %scan3A_42 : i32
      %add3A_55 = arith.constant 1 : i32
      %add3A_56 = arith.addi %mul3A_54, %add3A_55 : i32
      %dma_wait3A_57 = arith.constant 0 : i32
      %dma_wait3A_58 = arith.constant 0 : i32
      %dma_wait3A_59 = tpu.memref_slice %arg2[%dma_wait3A_57, %dma_wait3A_58] : memref<100000x128xi32, #tpu.memory_space<hbm>> -> memref<100000x128xi32, #tpu.memory_space<hbm>>
      tpu.wait_indirect_dma semaphore(%arg18 : memref<!tpu.dma_semaphore, #tpu.memory_space<semaphore_mem>>) src(%dma_wait3A_59 : memref<100000x128xi32, #tpu.memory_space<hbm>>) dst(%arg13 : memref<128x128xi32, #tpu.memory_space<vmem>>)
      %mul3A_60 = arith.constant 128 : i32
      %mul3A_61 = arith.muli %add3A_56, %mul3A_60 : i32
      %add3A_62 = arith.addi %mul3A_2, %mul3A_61 : i32
      "tpu.region"() ({
        %run_scoped3A = tpu.sem_alloc : memref<!tpu.dma_semaphore, #tpu.memory_space<semaphore_mem>>
        %dma_start3A_68 = arith.constant 0 : i32
        %dma_start3A_69 = tpu.memref_slice %arg7[%add3A_62, %dma_start3A_68] : memref<131072x128xi32, #tpu.memory_space<hbm>> -> memref<128x128xi32, #tpu.memory_space<hbm>>
        %dma_start3A_70 = arith.constant 0 : i32
        %dma_start3A_71 = tpu.memref_slice %arg7[%add3A_62, %dma_start3A_70] : memref<131072x128xi32, #tpu.memory_space<hbm>> -> memref<128x128xi32, #tpu.memory_space<hbm>>
        tpu.enqueue_dma source(%arg13 : memref<128x128xi32, #tpu.memory_space<vmem>>) target(%dma_start3A_71 : memref<128x128xi32, #tpu.memory_space<hbm>>) target_semaphore(%run_scoped3A : memref<!tpu.dma_semaphore, #tpu.memory_space<semaphore_mem>>)
        %dma_wait3A_72 = arith.constant 0 : i32
        %dma_wait3A_73 = tpu.memref_slice %arg7[%add3A_62, %dma_wait3A_72] : memref<131072x128xi32, #tpu.memory_space<hbm>> -> memref<128x128xi32, #tpu.memory_space<hbm>>
        %dma_wait3A_74 = arith.constant 0 : i32
        %dma_wait3A_75 = tpu.memref_slice %arg7[%add3A_62, %dma_wait3A_74] : memref<131072x128xi32, #tpu.memory_space<hbm>> -> memref<128x128xi32, #tpu.memory_space<hbm>>
        tpu.wait_dma2 semaphore(%run_scoped3A : memref<!tpu.dma_semaphore, #tpu.memory_space<semaphore_mem>>) src(%arg13 : memref<128x128xi32, #tpu.memory_space<vmem>>) dst(%dma_wait3A_75 : memref<128x128xi32, #tpu.memory_space<hbm>>)
        tpu.yield
      }) : () -> ()
      %lt3A_63 = arith.constant 15 : i32
      %lt3A_64 = arith.cmpi slt, %scan3A_42, %lt3A_63 : i32
      %convert_element_type3A_65 = arith.extui %lt3A_64 : i1 to i32
      %cond3A_66 = arith.constant 0 : i32
      %cond3A_67 = arith.cmpi ne, %convert_element_type3A_65, %cond3A_66 : i32
      scf.if %cond3A_67 {
        %mul3A_68 = arith.constant 2 : i32
        %mul3A_69 = arith.muli %mul3A_68, %scan3A_42 : i32
        %add3A_70 = arith.constant 3 : i32
        %add3A_71 = arith.addi %mul3A_69, %add3A_70 : i32
        %add3A_72 = arith.constant 0 : i32
        %add3A_73 = arith.addi %add3A_72, %mul3A_2 : i32
        %mul3A_74 = arith.constant 128 : i32
        %mul3A_75 = arith.muli %add3A_71, %mul3A_74 : i32
        %add3A_76 = arith.addi %add3A_73, %mul3A_75 : i32
        "tpu.region"() ({
          %run_scoped3A = tpu.sem_alloc : memref<!tpu.dma_semaphore, #tpu.memory_space<semaphore_mem>>
          %dma_start3A_80 = tpu.memref_slice %arg5[%add3A_76] : memref<393216xi32, #tpu.memory_space<hbm>> -> memref<128xi32, #tpu.memory_space<hbm>>
          %dma_start3A_81 = tpu.memref_slice %arg5[%add3A_76] : memref<393216xi32, #tpu.memory_space<hbm>> -> memref<128xi32, #tpu.memory_space<hbm>>
          tpu.enqueue_dma source(%dma_start3A_81 : memref<128xi32, #tpu.memory_space<hbm>>) target(%arg12 : memref<128xi32, #tpu.memory_space<vmem>>) target_semaphore(%run_scoped3A : memref<!tpu.dma_semaphore, #tpu.memory_space<semaphore_mem>>)
          %dma_wait3A_82 = tpu.memref_slice %arg5[%add3A_76] : memref<393216xi32, #tpu.memory_space<hbm>> -> memref<128xi32, #tpu.memory_space<hbm>>
          %dma_wait3A_83 = tpu.memref_slice %arg5[%add3A_76] : memref<393216xi32, #tpu.memory_space<hbm>> -> memref<128xi32, #tpu.memory_space<hbm>>
          tpu.wait_dma2 semaphore(%run_scoped3A : memref<!tpu.dma_semaphore, #tpu.memory_space<semaphore_mem>>) src(%dma_wait3A_83 : memref<128xi32, #tpu.memory_space<hbm>>) dst(%arg12 : memref<128xi32, #tpu.memory_space<vmem>>)
          tpu.yield
        }) : () -> ()
        %dma_start3A_77 = arith.constant 0 : i32
        %dma_start3A_78 = arith.constant 0 : i32
        %dma_start3A_79 = tpu.memref_slice %arg2[%dma_start3A_77, %dma_start3A_78] : memref<100000x128xi32, #tpu.memory_space<hbm>> -> memref<100000x128xi32, #tpu.memory_space<hbm>>
        tpu.enqueue_indirect_dma source(%dma_start3A_79 : memref<100000x128xi32, #tpu.memory_space<hbm>>) target(%arg13 : memref<128x128xi32, #tpu.memory_space<vmem>>) offsets(%arg12 : memref<128xi32, #tpu.memory_space<vmem>>) semaphore(%arg18 : memref<!tpu.dma_semaphore, #tpu.memory_space<semaphore_mem>>)
      } else {
      }
    }
    %scan3A_20 = arith.constant 16 : i32
    %mul3A_21 = arith.constant 128 : i32
    %mul3A_22 = arith.muli %add3A, %mul3A_21 : i32
    %scan3A_23 = arith.constant 0 : i32
    %scan3A_24 = arith.constant 0 : i32
    %mul3A_25 = arith.constant 128 : i32
    %mul3A_26 = arith.muli %scan3A_24, %mul3A_25 : i32
    %add3A_27 = arith.addi %mul3A_22, %mul3A_26 : i32
    %add3A_28 = arith.constant 0 : i32
    %add3A_29 = arith.addi %add3A_28, %add3A_27 : i32
    "tpu.region"() ({
      %run_scoped3A = tpu.sem_alloc : memref<!tpu.dma_semaphore, #tpu.memory_space<semaphore_mem>>
      %dma_start3A_42 = tpu.memref_slice %arg6[%add3A_29] : memref<12288xi32, #tpu.memory_space<hbm>> -> memref<128xi32, #tpu.memory_space<hbm>>
      %dma_start3A_43 = tpu.memref_slice %arg6[%add3A_29] : memref<12288xi32, #tpu.memory_space<hbm>> -> memref<128xi32, #tpu.memory_space<hbm>>
      tpu.enqueue_dma source(%dma_start3A_43 : memref<128xi32, #tpu.memory_space<hbm>>) target(%arg14 : memref<128xi32, #tpu.memory_space<vmem>>) target_semaphore(%run_scoped3A : memref<!tpu.dma_semaphore, #tpu.memory_space<semaphore_mem>>)
      %dma_wait3A_44 = tpu.memref_slice %arg6[%add3A_29] : memref<12288xi32, #tpu.memory_space<hbm>> -> memref<128xi32, #tpu.memory_space<hbm>>
      %dma_wait3A_45 = tpu.memref_slice %arg6[%add3A_29] : memref<12288xi32, #tpu.memory_space<hbm>> -> memref<128xi32, #tpu.memory_space<hbm>>
      tpu.wait_dma2 semaphore(%run_scoped3A : memref<!tpu.dma_semaphore, #tpu.memory_space<semaphore_mem>>) src(%dma_wait3A_45 : memref<128xi32, #tpu.memory_space<hbm>>) dst(%arg14 : memref<128xi32, #tpu.memory_space<vmem>>)
      tpu.yield
    }) : () -> ()
    %dma_start3A_30 = arith.constant 0 : i32
    %dma_start3A_31 = arith.constant 0 : i32
    %dma_start3A_32 = tpu.memref_slice %arg3[%dma_start3A_30, %dma_start3A_31] : memref<100000x128xf32, #tpu.memory_space<hbm>> -> memref<100000x128xf32, #tpu.memory_space<hbm>>
    tpu.enqueue_indirect_dma source(%dma_start3A_32 : memref<100000x128xf32, #tpu.memory_space<hbm>>) target(%arg15 : memref<128x128xf32, #tpu.memory_space<vmem>>) offsets(%arg14 : memref<128xi32, #tpu.memory_space<vmem>>) semaphore(%arg17 : memref<!tpu.dma_semaphore, #tpu.memory_space<semaphore_mem>>)
    %dma_start3A_33 = arith.constant 0 : i32
    %dma_start3A_34 = arith.constant 0 : i32
    %dma_start3A_35 = tpu.memref_slice %arg4[%dma_start3A_33, %dma_start3A_34] : memref<100000x128xf32, #tpu.memory_space<hbm>> -> memref<100000x128xf32, #tpu.memory_space<hbm>>
    tpu.enqueue_indirect_dma source(%dma_start3A_35 : memref<100000x128xf32, #tpu.memory_space<hbm>>) target(%arg16 : memref<128x128xf32, #tpu.memory_space<vmem>>) offsets(%arg14 : memref<128xi32, #tpu.memory_space<vmem>>) semaphore(%arg18 : memref<!tpu.dma_semaphore, #tpu.memory_space<semaphore_mem>>)
    %dma_wait3A = arith.constant 0 : i32
    %dma_wait3A_36 = arith.constant 0 : i32
    %dma_wait3A_37 = tpu.memref_slice %arg3[%dma_wait3A, %dma_wait3A_36] : memref<100000x128xf32, #tpu.memory_space<hbm>> -> memref<100000x128xf32, #tpu.memory_space<hbm>>
    tpu.wait_indirect_dma semaphore(%arg17 : memref<!tpu.dma_semaphore, #tpu.memory_space<semaphore_mem>>) src(%dma_wait3A_37 : memref<100000x128xf32, #tpu.memory_space<hbm>>) dst(%arg15 : memref<128x128xf32, #tpu.memory_space<vmem>>)
    %dma_wait3A_38 = arith.constant 0 : i32
    %dma_wait3A_39 = arith.constant 0 : i32
    %dma_wait3A_40 = tpu.memref_slice %arg4[%dma_wait3A_38, %dma_wait3A_39] : memref<100000x128xf32, #tpu.memory_space<hbm>> -> memref<100000x128xf32, #tpu.memory_space<hbm>>
    tpu.wait_indirect_dma semaphore(%arg18 : memref<!tpu.dma_semaphore, #tpu.memory_space<semaphore_mem>>) src(%dma_wait3A_40 : memref<100000x128xf32, #tpu.memory_space<hbm>>) dst(%arg16 : memref<128x128xf32, #tpu.memory_space<vmem>>)
    "tpu.region"() ({
      %run_scoped3A = tpu.sem_alloc : memref<!tpu.dma_semaphore, #tpu.memory_space<semaphore_mem>>
      %dma_start3A_42 = arith.constant 0 : i32
      %dma_start3A_43 = tpu.memref_slice %arg8[%add3A_27, %dma_start3A_42] : memref<4096x128xf32, #tpu.memory_space<hbm>> -> memref<128x128xf32, #tpu.memory_space<hbm>>
      %dma_start3A_44 = arith.constant 0 : i32
      %dma_start3A_45 = tpu.memref_slice %arg8[%add3A_27, %dma_start3A_44] : memref<4096x128xf32, #tpu.memory_space<hbm>> -> memref<128x128xf32, #tpu.memory_space<hbm>>
      tpu.enqueue_dma source(%arg15 : memref<128x128xf32, #tpu.memory_space<vmem>>) target(%dma_start3A_45 : memref<128x128xf32, #tpu.memory_space<hbm>>) target_semaphore(%run_scoped3A : memref<!tpu.dma_semaphore, #tpu.memory_space<semaphore_mem>>)
      %dma_wait3A_46 = arith.constant 0 : i32
      %dma_wait3A_47 = tpu.memref_slice %arg8[%add3A_27, %dma_wait3A_46] : memref<4096x128xf32, #tpu.memory_space<hbm>> -> memref<128x128xf32, #tpu.memory_space<hbm>>
      %dma_wait3A_48 = arith.constant 0 : i32
      %dma_wait3A_49 = tpu.memref_slice %arg8[%add3A_27, %dma_wait3A_48] : memref<4096x128xf32, #tpu.memory_space<hbm>> -> memref<128x128xf32, #tpu.memory_space<hbm>>
      tpu.wait_dma2 semaphore(%run_scoped3A : memref<!tpu.dma_semaphore, #tpu.memory_space<semaphore_mem>>) src(%arg15 : memref<128x128xf32, #tpu.memory_space<vmem>>) dst(%dma_wait3A_49 : memref<128x128xf32, #tpu.memory_space<hbm>>)
      tpu.yield
    }) : () -> ()
    "tpu.region"() ({
      %run_scoped3A = tpu.sem_alloc : memref<!tpu.dma_semaphore, #tpu.memory_space<semaphore_mem>>
      %dma_start3A_42 = arith.constant 0 : i32
      %dma_start3A_43 = tpu.memref_slice %arg9[%add3A_27, %dma_start3A_42] : memref<4096x128xf32, #tpu.memory_space<hbm>> -> memref<128x128xf32, #tpu.memory_space<hbm>>
      %dma_start3A_44 = arith.constant 0 : i32
      %dma_start3A_45 = tpu.memref_slice %arg9[%add3A_27, %dma_start3A_44] : memref<4096x128xf32, #tpu.memory_space<hbm>> -> memref<128x128xf32, #tpu.memory_space<hbm>>
      tpu.enqueue_dma source(%arg16 : memref<128x128xf32, #tpu.memory_space<vmem>>) target(%dma_start3A_45 : memref<128x128xf32, #tpu.memory_space<hbm>>) target_semaphore(%run_scoped3A : memref<!tpu.dma_semaphore, #tpu.memory_space<semaphore_mem>>)
      %dma_wait3A_46 = arith.constant 0 : i32
      %dma_wait3A_47 = tpu.memref_slice %arg9[%add3A_27, %dma_wait3A_46] : memref<4096x128xf32, #tpu.memory_space<hbm>> -> memref<128x128xf32, #tpu.memory_space<hbm>>
      %dma_wait3A_48 = arith.constant 0 : i32
      %dma_wait3A_49 = tpu.memref_slice %arg9[%add3A_27, %dma_wait3A_48] : memref<4096x128xf32, #tpu.memory_space<hbm>> -> memref<128x128xf32, #tpu.memory_space<hbm>>
      tpu.wait_dma2 semaphore(%run_scoped3A : memref<!tpu.dma_semaphore, #tpu.memory_space<semaphore_mem>>) src(%arg16 : memref<128x128xf32, #tpu.memory_space<vmem>>) dst(%dma_wait3A_49 : memref<128x128xf32, #tpu.memory_space<hbm>>)
      tpu.yield
    }) : () -> ()
    %scan3A_41 = arith.constant 1 : i32
    return
  }
}

#map = affine_map<(d0, d1) -> (0, 0)>
#map1 = affine_map<(d0, d1) -> (0)>
module attributes {stable_mosaic.version = 14 : i64} {
  func.func @gather_k(%arg0: i32, %arg1: i32, %arg2: memref<100000x128xi32, #tpu.memory_space<hbm>>, %arg3: memref<100000x128xf32, #tpu.memory_space<hbm>>, %arg4: memref<100000x128xf32, #tpu.memory_space<hbm>>, %arg5: memref<393216xi32, #tpu.memory_space<hbm>>, %arg6: memref<12288xi32, #tpu.memory_space<hbm>>, %arg7: memref<131072x128xi32, #tpu.memory_space<hbm>>, %arg8: memref<4096x128xf32, #tpu.memory_space<hbm>>, %arg9: memref<4096x128xf32, #tpu.memory_space<hbm>>, %arg10: memref<128xi32, #tpu.memory_space<vmem>>, %arg11: memref<128x128xi32, #tpu.memory_space<vmem>>, %arg12: memref<128xi32, #tpu.memory_space<vmem>>, %arg13: memref<128x128xi32, #tpu.memory_space<vmem>>, %arg14: memref<128xi32, #tpu.memory_space<vmem>>, %arg15: memref<128x128xf32, #tpu.memory_space<vmem>>, %arg16: memref<128x128xf32, #tpu.memory_space<vmem>>, %arg17: memref<!tpu.dma_semaphore, #tpu.memory_space<semaphore_mem>>, %arg18: memref<!tpu.dma_semaphore, #tpu.memory_space<semaphore_mem>>) attributes {dimension_semantics = [#tpu.dimension_semantics<core_parallel>, #tpu.dimension_semantics<subcore_parallel>], iteration_bounds = array<i64: 2, 16>, scalar_prefetch = 0 : i64, scratch_operands = 9 : i64, tpu.core_type = #tpu.core_type<sc_vector_subcore>, window_params = [{transform_indices = #map}, {transform_indices = #map}, {transform_indices = #map}, {transform_indices = #map1}, {transform_indices = #map1}, {transform_indices = #map}, {transform_indices = #map}, {transform_indices = #map}]} {
    %mul3A = arith.constant 2 : i32
    %mul3A_0 = arith.muli %arg1, %mul3A : i32
    %add3A = arith.addi %mul3A_0, %arg0 : i32
    %mul3A_1 = arith.constant 4096 : i32
    %mul3A_2 = arith.muli %add3A, %mul3A_1 : i32
    %add3A_3 = arith.constant 131072 : i32
    %add3A_4 = arith.addi %add3A_3, %mul3A_2 : i32
    %add3A_5 = arith.constant 0 : i32
    %add3A_6 = arith.addi %add3A_4, %add3A_5 : i32
    "tpu.region"() ({
      %run_scoped3A = tpu.sem_alloc : memref<!tpu.dma_semaphore, #tpu.memory_space<semaphore_mem>>
      %dma_start3A_42 = tpu.memref_slice %arg5[%add3A_6] : memref<393216xi32, #tpu.memory_space<hbm>> -> memref<128xi32, #tpu.memory_space<hbm>>
      %dma_start3A_43 = tpu.memref_slice %arg5[%add3A_6] : memref<393216xi32, #tpu.memory_space<hbm>> -> memref<128xi32, #tpu.memory_space<hbm>>
      tpu.enqueue_dma source(%dma_start3A_43 : memref<128xi32, #tpu.memory_space<hbm>>) target(%arg10 : memref<128xi32, #tpu.memory_space<vmem>>) target_semaphore(%run_scoped3A : memref<!tpu.dma_semaphore, #tpu.memory_space<semaphore_mem>>)
      %dma_wait3A_44 = tpu.memref_slice %arg5[%add3A_6] : memref<393216xi32, #tpu.memory_space<hbm>> -> memref<128xi32, #tpu.memory_space<hbm>>
      %dma_wait3A_45 = tpu.memref_slice %arg5[%add3A_6] : memref<393216xi32, #tpu.memory_space<hbm>> -> memref<128xi32, #tpu.memory_space<hbm>>
      tpu.wait_dma2 semaphore(%run_scoped3A : memref<!tpu.dma_semaphore, #tpu.memory_space<semaphore_mem>>) src(%dma_wait3A_45 : memref<128xi32, #tpu.memory_space<hbm>>) dst(%arg10 : memref<128xi32, #tpu.memory_space<vmem>>)
      tpu.yield
    }) : () -> ()
    %dma_start3A = arith.constant 0 : i32
    %dma_start3A_7 = arith.constant 0 : i32
    %dma_start3A_8 = tpu.memref_slice %arg2[%dma_start3A, %dma_start3A_7] : memref<100000x128xi32, #tpu.memory_space<hbm>> -> memref<100000x128xi32, #tpu.memory_space<hbm>>
    tpu.enqueue_indirect_dma source(%dma_start3A_8 : memref<100000x128xi32, #tpu.memory_space<hbm>>) target(%arg11 : memref<128x128xi32, #tpu.memory_space<vmem>>) offsets(%arg10 : memref<128xi32, #tpu.memory_space<vmem>>) semaphore(%arg17 : memref<!tpu.dma_semaphore, #tpu.memory_space<semaphore_mem>>)
    %add3A_9 = arith.constant 131072 : i32
    %add3A_10 = arith.addi %add3A_9, %mul3A_2 : i32
    %add3A_11 = arith.constant 128 : i32
    %add3A_12 = arith.addi %add3A_10, %add3A_11 : i32
    "tpu.region"() ({
      %run_scoped3A = tpu.sem_alloc : memref<!tpu.dma_semaphore, #tpu.memory_space<semaphore_mem>>
      %dma_start3A_42 = tpu.memref_slice %arg5[%add3A_12] : memref<393216xi32, #tpu.memory_space<hbm>> -> memref<128xi32, #tpu.memory_space<hbm>>
      %dma_start3A_43 = tpu.memref_slice %arg5[%add3A_12] : memref<393216xi32, #tpu.memory_space<hbm>> -> memref<128xi32, #tpu.memory_space<hbm>>
      tpu.enqueue_dma source(%dma_start3A_43 : memref<128xi32, #tpu.memory_space<hbm>>) target(%arg12 : memref<128xi32, #tpu.memory_space<vmem>>) target_semaphore(%run_scoped3A : memref<!tpu.dma_semaphore, #tpu.memory_space<semaphore_mem>>)
      %dma_wait3A_44 = tpu.memref_slice %arg5[%add3A_12] : memref<393216xi32, #tpu.memory_space<hbm>> -> memref<128xi32, #tpu.memory_space<hbm>>
      %dma_wait3A_45 = tpu.memref_slice %arg5[%add3A_12] : memref<393216xi32, #tpu.memory_space<hbm>> -> memref<128xi32, #tpu.memory_space<hbm>>
      tpu.wait_dma2 semaphore(%run_scoped3A : memref<!tpu.dma_semaphore, #tpu.memory_space<semaphore_mem>>) src(%dma_wait3A_45 : memref<128xi32, #tpu.memory_space<hbm>>) dst(%arg12 : memref<128xi32, #tpu.memory_space<vmem>>)
      tpu.yield
    }) : () -> ()
    %dma_start3A_13 = arith.constant 0 : i32
    %dma_start3A_14 = arith.constant 0 : i32
    %dma_start3A_15 = tpu.memref_slice %arg2[%dma_start3A_13, %dma_start3A_14] : memref<100000x128xi32, #tpu.memory_space<hbm>> -> memref<100000x128xi32, #tpu.memory_space<hbm>>
    tpu.enqueue_indirect_dma source(%dma_start3A_15 : memref<100000x128xi32, #tpu.memory_space<hbm>>) target(%arg13 : memref<128x128xi32, #tpu.memory_space<vmem>>) offsets(%arg12 : memref<128xi32, #tpu.memory_space<vmem>>) semaphore(%arg18 : memref<!tpu.dma_semaphore, #tpu.memory_space<semaphore_mem>>)
    %scan3A = arith.constant 0 : i32
    %scan3A_16 = arith.constant 0 : i32
    %scan3A_17 = arith.constant 16 : i32
    %scan3A_18 = arith.addi %scan3A_16, %scan3A_17 : i32
    %scan3A_19 = arith.constant 1 : i32
    scf.for %scan3A_42 = %scan3A_16 to %scan3A_18 step %scan3A_19  : i32 {
      %mul3A_43 = arith.constant 2 : i32
      %mul3A_44 = arith.muli %mul3A_43, %scan3A_42 : i32
      %dma_wait3A_45 = arith.constant 0 : i32
      %dma_wait3A_46 = arith.constant 0 : i32
      %dma_wait3A_47 = tpu.memref_slice %arg2[%dma_wait3A_45, %dma_wait3A_46] : memref<100000x128xi32, #tpu.memory_space<hbm>> -> memref<100000x128xi32, #tpu.memory_space<hbm>>
      tpu.wait_indirect_dma semaphore(%arg17 : memref<!tpu.dma_semaphore, #tpu.memory_space<semaphore_mem>>) src(%dma_wait3A_47 : memref<100000x128xi32, #tpu.memory_space<hbm>>) dst(%arg11 : memref<128x128xi32, #tpu.memory_space<vmem>>)
      %mul3A_48 = arith.constant 128 : i32
      %mul3A_49 = arith.muli %mul3A_44, %mul3A_48 : i32
      %add3A_50 = arith.addi %mul3A_2, %mul3A_49 : i32
      "tpu.region"() ({
        %run_scoped3A = tpu.sem_alloc : memref<!tpu.dma_semaphore, #tpu.memory_space<semaphore_mem>>
        %dma_start3A_68 = arith.constant 0 : i32
        %dma_start3A_69 = tpu.memref_slice %arg7[%add3A_50, %dma_start3A_68] : memref<131072x128xi32, #tpu.memory_space<hbm>> -> memref<128x128xi32, #tpu.memory_space<hbm>>
        %dma_start3A_70 = arith.constant 0 : i32
        %dma_start3A_71 = tpu.memref_slice %arg7[%add3A_50, %dma_start3A_70] : memref<131072x128xi32, #tpu.memory_space<hbm>> -> memref<128x128xi32, #tpu.memory_space<hbm>>
        tpu.enqueue_dma source(%arg11 : memref<128x128xi32, #tpu.memory_space<vmem>>) target(%dma_start3A_71 : memref<128x128xi32, #tpu.memory_space<hbm>>) target_semaphore(%run_scoped3A : memref<!tpu.dma_semaphore, #tpu.memory_space<semaphore_mem>>)
        %dma_wait3A_72 = arith.constant 0 : i32
        %dma_wait3A_73 = tpu.memref_slice %arg7[%add3A_50, %dma_wait3A_72] : memref<131072x128xi32, #tpu.memory_space<hbm>> -> memref<128x128xi32, #tpu.memory_space<hbm>>
        %dma_wait3A_74 = arith.constant 0 : i32
        %dma_wait3A_75 = tpu.memref_slice %arg7[%add3A_50, %dma_wait3A_74] : memref<131072x128xi32, #tpu.memory_space<hbm>> -> memref<128x128xi32, #tpu.memory_space<hbm>>
        tpu.wait_dma2 semaphore(%run_scoped3A : memref<!tpu.dma_semaphore, #tpu.memory_space<semaphore_mem>>) src(%arg11 : memref<128x128xi32, #tpu.memory_space<vmem>>) dst(%dma_wait3A_75 : memref<128x128xi32, #tpu.memory_space<hbm>>)
        tpu.yield
      }) : () -> ()
      %lt3A = arith.constant 15 : i32
      %lt3A_51 = arith.cmpi slt, %scan3A_42, %lt3A : i32
      %convert_element_type3A = arith.extui %lt3A_51 : i1 to i32
      %cond3A = arith.constant 0 : i32
      %cond3A_52 = arith.cmpi ne, %convert_element_type3A, %cond3A : i32
      scf.if %cond3A_52 {
        %mul3A_68 = arith.constant 2 : i32
        %mul3A_69 = arith.muli %mul3A_68, %scan3A_42 : i32
        %add3A_70 = arith.constant 2 : i32
        %add3A_71 = arith.addi %mul3A_69, %add3A_70 : i32
        %add3A_72 = arith.constant 131072 : i32
        %add3A_73 = arith.addi %add3A_72, %mul3A_2 : i32
        %mul3A_74 = arith.constant 128 : i32
        %mul3A_75 = arith.muli %add3A_71, %mul3A_74 : i32
        %add3A_76 = arith.addi %add3A_73, %mul3A_75 : i32
        "tpu.region"() ({
          %run_scoped3A = tpu.sem_alloc : memref<!tpu.dma_semaphore, #tpu.memory_space<semaphore_mem>>
          %dma_start3A_80 = tpu.memref_slice %arg5[%add3A_76] : memref<393216xi32, #tpu.memory_space<hbm>> -> memref<128xi32, #tpu.memory_space<hbm>>
          %dma_start3A_81 = tpu.memref_slice %arg5[%add3A_76] : memref<393216xi32, #tpu.memory_space<hbm>> -> memref<128xi32, #tpu.memory_space<hbm>>
          tpu.enqueue_dma source(%dma_start3A_81 : memref<128xi32, #tpu.memory_space<hbm>>) target(%arg10 : memref<128xi32, #tpu.memory_space<vmem>>) target_semaphore(%run_scoped3A : memref<!tpu.dma_semaphore, #tpu.memory_space<semaphore_mem>>)
          %dma_wait3A_82 = tpu.memref_slice %arg5[%add3A_76] : memref<393216xi32, #tpu.memory_space<hbm>> -> memref<128xi32, #tpu.memory_space<hbm>>
          %dma_wait3A_83 = tpu.memref_slice %arg5[%add3A_76] : memref<393216xi32, #tpu.memory_space<hbm>> -> memref<128xi32, #tpu.memory_space<hbm>>
          tpu.wait_dma2 semaphore(%run_scoped3A : memref<!tpu.dma_semaphore, #tpu.memory_space<semaphore_mem>>) src(%dma_wait3A_83 : memref<128xi32, #tpu.memory_space<hbm>>) dst(%arg10 : memref<128xi32, #tpu.memory_space<vmem>>)
          tpu.yield
        }) : () -> ()
        %dma_start3A_77 = arith.constant 0 : i32
        %dma_start3A_78 = arith.constant 0 : i32
        %dma_start3A_79 = tpu.memref_slice %arg2[%dma_start3A_77, %dma_start3A_78] : memref<100000x128xi32, #tpu.memory_space<hbm>> -> memref<100000x128xi32, #tpu.memory_space<hbm>>
        tpu.enqueue_indirect_dma source(%dma_start3A_79 : memref<100000x128xi32, #tpu.memory_space<hbm>>) target(%arg11 : memref<128x128xi32, #tpu.memory_space<vmem>>) offsets(%arg10 : memref<128xi32, #tpu.memory_space<vmem>>) semaphore(%arg17 : memref<!tpu.dma_semaphore, #tpu.memory_space<semaphore_mem>>)
      } else {
      }
      %mul3A_53 = arith.constant 2 : i32
      %mul3A_54 = arith.muli %mul3A_53, %scan3A_42 : i32
      %add3A_55 = arith.constant 1 : i32
      %add3A_56 = arith.addi %mul3A_54, %add3A_55 : i32
      %dma_wait3A_57 = arith.constant 0 : i32
      %dma_wait3A_58 = arith.constant 0 : i32
      %dma_wait3A_59 = tpu.memref_slice %arg2[%dma_wait3A_57, %dma_wait3A_58] : memref<100000x128xi32, #tpu.memory_space<hbm>> -> memref<100000x128xi32, #tpu.memory_space<hbm>>
      tpu.wait_indirect_dma semaphore(%arg18 : memref<!tpu.dma_semaphore, #tpu.memory_space<semaphore_mem>>) src(%dma_wait3A_59 : memref<100000x128xi32, #tpu.memory_space<hbm>>) dst(%arg13 : memref<128x128xi32, #tpu.memory_space<vmem>>)
      %mul3A_60 = arith.constant 128 : i32
      %mul3A_61 = arith.muli %add3A_56, %mul3A_60 : i32
      %add3A_62 = arith.addi %mul3A_2, %mul3A_61 : i32
      "tpu.region"() ({
        %run_scoped3A = tpu.sem_alloc : memref<!tpu.dma_semaphore, #tpu.memory_space<semaphore_mem>>
        %dma_start3A_68 = arith.constant 0 : i32
        %dma_start3A_69 = tpu.memref_slice %arg7[%add3A_62, %dma_start3A_68] : memref<131072x128xi32, #tpu.memory_space<hbm>> -> memref<128x128xi32, #tpu.memory_space<hbm>>
        %dma_start3A_70 = arith.constant 0 : i32
        %dma_start3A_71 = tpu.memref_slice %arg7[%add3A_62, %dma_start3A_70] : memref<131072x128xi32, #tpu.memory_space<hbm>> -> memref<128x128xi32, #tpu.memory_space<hbm>>
        tpu.enqueue_dma source(%arg13 : memref<128x128xi32, #tpu.memory_space<vmem>>) target(%dma_start3A_71 : memref<128x128xi32, #tpu.memory_space<hbm>>) target_semaphore(%run_scoped3A : memref<!tpu.dma_semaphore, #tpu.memory_space<semaphore_mem>>)
        %dma_wait3A_72 = arith.constant 0 : i32
        %dma_wait3A_73 = tpu.memref_slice %arg7[%add3A_62, %dma_wait3A_72] : memref<131072x128xi32, #tpu.memory_space<hbm>> -> memref<128x128xi32, #tpu.memory_space<hbm>>
        %dma_wait3A_74 = arith.constant 0 : i32
        %dma_wait3A_75 = tpu.memref_slice %arg7[%add3A_62, %dma_wait3A_74] : memref<131072x128xi32, #tpu.memory_space<hbm>> -> memref<128x128xi32, #tpu.memory_space<hbm>>
        tpu.wait_dma2 semaphore(%run_scoped3A : memref<!tpu.dma_semaphore, #tpu.memory_space<semaphore_mem>>) src(%arg13 : memref<128x128xi32, #tpu.memory_space<vmem>>) dst(%dma_wait3A_75 : memref<128x128xi32, #tpu.memory_space<hbm>>)
        tpu.yield
      }) : () -> ()
      %lt3A_63 = arith.constant 15 : i32
      %lt3A_64 = arith.cmpi slt, %scan3A_42, %lt3A_63 : i32
      %convert_element_type3A_65 = arith.extui %lt3A_64 : i1 to i32
      %cond3A_66 = arith.constant 0 : i32
      %cond3A_67 = arith.cmpi ne, %convert_element_type3A_65, %cond3A_66 : i32
      scf.if %cond3A_67 {
        %mul3A_68 = arith.constant 2 : i32
        %mul3A_69 = arith.muli %mul3A_68, %scan3A_42 : i32
        %add3A_70 = arith.constant 3 : i32
        %add3A_71 = arith.addi %mul3A_69, %add3A_70 : i32
        %add3A_72 = arith.constant 131072 : i32
        %add3A_73 = arith.addi %add3A_72, %mul3A_2 : i32
        %mul3A_74 = arith.constant 128 : i32
        %mul3A_75 = arith.muli %add3A_71, %mul3A_74 : i32
        %add3A_76 = arith.addi %add3A_73, %mul3A_75 : i32
        "tpu.region"() ({
          %run_scoped3A = tpu.sem_alloc : memref<!tpu.dma_semaphore, #tpu.memory_space<semaphore_mem>>
          %dma_start3A_80 = tpu.memref_slice %arg5[%add3A_76] : memref<393216xi32, #tpu.memory_space<hbm>> -> memref<128xi32, #tpu.memory_space<hbm>>
          %dma_start3A_81 = tpu.memref_slice %arg5[%add3A_76] : memref<393216xi32, #tpu.memory_space<hbm>> -> memref<128xi32, #tpu.memory_space<hbm>>
          tpu.enqueue_dma source(%dma_start3A_81 : memref<128xi32, #tpu.memory_space<hbm>>) target(%arg12 : memref<128xi32, #tpu.memory_space<vmem>>) target_semaphore(%run_scoped3A : memref<!tpu.dma_semaphore, #tpu.memory_space<semaphore_mem>>)
          %dma_wait3A_82 = tpu.memref_slice %arg5[%add3A_76] : memref<393216xi32, #tpu.memory_space<hbm>> -> memref<128xi32, #tpu.memory_space<hbm>>
          %dma_wait3A_83 = tpu.memref_slice %arg5[%add3A_76] : memref<393216xi32, #tpu.memory_space<hbm>> -> memref<128xi32, #tpu.memory_space<hbm>>
          tpu.wait_dma2 semaphore(%run_scoped3A : memref<!tpu.dma_semaphore, #tpu.memory_space<semaphore_mem>>) src(%dma_wait3A_83 : memref<128xi32, #tpu.memory_space<hbm>>) dst(%arg12 : memref<128xi32, #tpu.memory_space<vmem>>)
          tpu.yield
        }) : () -> ()
        %dma_start3A_77 = arith.constant 0 : i32
        %dma_start3A_78 = arith.constant 0 : i32
        %dma_start3A_79 = tpu.memref_slice %arg2[%dma_start3A_77, %dma_start3A_78] : memref<100000x128xi32, #tpu.memory_space<hbm>> -> memref<100000x128xi32, #tpu.memory_space<hbm>>
        tpu.enqueue_indirect_dma source(%dma_start3A_79 : memref<100000x128xi32, #tpu.memory_space<hbm>>) target(%arg13 : memref<128x128xi32, #tpu.memory_space<vmem>>) offsets(%arg12 : memref<128xi32, #tpu.memory_space<vmem>>) semaphore(%arg18 : memref<!tpu.dma_semaphore, #tpu.memory_space<semaphore_mem>>)
      } else {
      }
    }
    %scan3A_20 = arith.constant 16 : i32
    %mul3A_21 = arith.constant 128 : i32
    %mul3A_22 = arith.muli %add3A, %mul3A_21 : i32
    %scan3A_23 = arith.constant 0 : i32
    %scan3A_24 = arith.constant 0 : i32
    %mul3A_25 = arith.constant 128 : i32
    %mul3A_26 = arith.muli %scan3A_24, %mul3A_25 : i32
    %add3A_27 = arith.addi %mul3A_22, %mul3A_26 : i32
    %add3A_28 = arith.constant 4096 : i32
    %add3A_29 = arith.addi %add3A_28, %add3A_27 : i32
    "tpu.region"() ({
      %run_scoped3A = tpu.sem_alloc : memref<!tpu.dma_semaphore, #tpu.memory_space<semaphore_mem>>
      %dma_start3A_42 = tpu.memref_slice %arg6[%add3A_29] : memref<12288xi32, #tpu.memory_space<hbm>> -> memref<128xi32, #tpu.memory_space<hbm>>
      %dma_start3A_43 = tpu.memref_slice %arg6[%add3A_29] : memref<12288xi32, #tpu.memory_space<hbm>> -> memref<128xi32, #tpu.memory_space<hbm>>
      tpu.enqueue_dma source(%dma_start3A_43 : memref<128xi32, #tpu.memory_space<hbm>>) target(%arg14 : memref<128xi32, #tpu.memory_space<vmem>>) target_semaphore(%run_scoped3A : memref<!tpu.dma_semaphore, #tpu.memory_space<semaphore_mem>>)
      %dma_wait3A_44 = tpu.memref_slice %arg6[%add3A_29] : memref<12288xi32, #tpu.memory_space<hbm>> -> memref<128xi32, #tpu.memory_space<hbm>>
      %dma_wait3A_45 = tpu.memref_slice %arg6[%add3A_29] : memref<12288xi32, #tpu.memory_space<hbm>> -> memref<128xi32, #tpu.memory_space<hbm>>
      tpu.wait_dma2 semaphore(%run_scoped3A : memref<!tpu.dma_semaphore, #tpu.memory_space<semaphore_mem>>) src(%dma_wait3A_45 : memref<128xi32, #tpu.memory_space<hbm>>) dst(%arg14 : memref<128xi32, #tpu.memory_space<vmem>>)
      tpu.yield
    }) : () -> ()
    %dma_start3A_30 = arith.constant 0 : i32
    %dma_start3A_31 = arith.constant 0 : i32
    %dma_start3A_32 = tpu.memref_slice %arg3[%dma_start3A_30, %dma_start3A_31] : memref<100000x128xf32, #tpu.memory_space<hbm>> -> memref<100000x128xf32, #tpu.memory_space<hbm>>
    tpu.enqueue_indirect_dma source(%dma_start3A_32 : memref<100000x128xf32, #tpu.memory_space<hbm>>) target(%arg15 : memref<128x128xf32, #tpu.memory_space<vmem>>) offsets(%arg14 : memref<128xi32, #tpu.memory_space<vmem>>) semaphore(%arg17 : memref<!tpu.dma_semaphore, #tpu.memory_space<semaphore_mem>>)
    %dma_start3A_33 = arith.constant 0 : i32
    %dma_start3A_34 = arith.constant 0 : i32
    %dma_start3A_35 = tpu.memref_slice %arg4[%dma_start3A_33, %dma_start3A_34] : memref<100000x128xf32, #tpu.memory_space<hbm>> -> memref<100000x128xf32, #tpu.memory_space<hbm>>
    tpu.enqueue_indirect_dma source(%dma_start3A_35 : memref<100000x128xf32, #tpu.memory_space<hbm>>) target(%arg16 : memref<128x128xf32, #tpu.memory_space<vmem>>) offsets(%arg14 : memref<128xi32, #tpu.memory_space<vmem>>) semaphore(%arg18 : memref<!tpu.dma_semaphore, #tpu.memory_space<semaphore_mem>>)
    %dma_wait3A = arith.constant 0 : i32
    %dma_wait3A_36 = arith.constant 0 : i32
    %dma_wait3A_37 = tpu.memref_slice %arg3[%dma_wait3A, %dma_wait3A_36] : memref<100000x128xf32, #tpu.memory_space<hbm>> -> memref<100000x128xf32, #tpu.memory_space<hbm>>
    tpu.wait_indirect_dma semaphore(%arg17 : memref<!tpu.dma_semaphore, #tpu.memory_space<semaphore_mem>>) src(%dma_wait3A_37 : memref<100000x128xf32, #tpu.memory_space<hbm>>) dst(%arg15 : memref<128x128xf32, #tpu.memory_space<vmem>>)
    %dma_wait3A_38 = arith.constant 0 : i32
    %dma_wait3A_39 = arith.constant 0 : i32
    %dma_wait3A_40 = tpu.memref_slice %arg4[%dma_wait3A_38, %dma_wait3A_39] : memref<100000x128xf32, #tpu.memory_space<hbm>> -> memref<100000x128xf32, #tpu.memory_space<hbm>>
    tpu.wait_indirect_dma semaphore(%arg18 : memref<!tpu.dma_semaphore, #tpu.memory_space<semaphore_mem>>) src(%dma_wait3A_40 : memref<100000x128xf32, #tpu.memory_space<hbm>>) dst(%arg16 : memref<128x128xf32, #tpu.memory_space<vmem>>)
    "tpu.region"() ({
      %run_scoped3A = tpu.sem_alloc : memref<!tpu.dma_semaphore, #tpu.memory_space<semaphore_mem>>
      %dma_start3A_42 = arith.constant 0 : i32
      %dma_start3A_43 = tpu.memref_slice %arg8[%add3A_27, %dma_start3A_42] : memref<4096x128xf32, #tpu.memory_space<hbm>> -> memref<128x128xf32, #tpu.memory_space<hbm>>
      %dma_start3A_44 = arith.constant 0 : i32
      %dma_start3A_45 = tpu.memref_slice %arg8[%add3A_27, %dma_start3A_44] : memref<4096x128xf32, #tpu.memory_space<hbm>> -> memref<128x128xf32, #tpu.memory_space<hbm>>
      tpu.enqueue_dma source(%arg15 : memref<128x128xf32, #tpu.memory_space<vmem>>) target(%dma_start3A_45 : memref<128x128xf32, #tpu.memory_space<hbm>>) target_semaphore(%run_scoped3A : memref<!tpu.dma_semaphore, #tpu.memory_space<semaphore_mem>>)
      %dma_wait3A_46 = arith.constant 0 : i32
      %dma_wait3A_47 = tpu.memref_slice %arg8[%add3A_27, %dma_wait3A_46] : memref<4096x128xf32, #tpu.memory_space<hbm>> -> memref<128x128xf32, #tpu.memory_space<hbm>>
      %dma_wait3A_48 = arith.constant 0 : i32
      %dma_wait3A_49 = tpu.memref_slice %arg8[%add3A_27, %dma_wait3A_48] : memref<4096x128xf32, #tpu.memory_space<hbm>> -> memref<128x128xf32, #tpu.memory_space<hbm>>
      tpu.wait_dma2 semaphore(%run_scoped3A : memref<!tpu.dma_semaphore, #tpu.memory_space<semaphore_mem>>) src(%arg15 : memref<128x128xf32, #tpu.memory_space<vmem>>) dst(%dma_wait3A_49 : memref<128x128xf32, #tpu.memory_space<hbm>>)
      tpu.yield
    }) : () -> ()
    "tpu.region"() ({
      %run_scoped3A = tpu.sem_alloc : memref<!tpu.dma_semaphore, #tpu.memory_space<semaphore_mem>>
      %dma_start3A_42 = arith.constant 0 : i32
      %dma_start3A_43 = tpu.memref_slice %arg9[%add3A_27, %dma_start3A_42] : memref<4096x128xf32, #tpu.memory_space<hbm>> -> memref<128x128xf32, #tpu.memory_space<hbm>>
      %dma_start3A_44 = arith.constant 0 : i32
      %dma_start3A_45 = tpu.memref_slice %arg9[%add3A_27, %dma_start3A_44] : memref<4096x128xf32, #tpu.memory_space<hbm>> -> memref<128x128xf32, #tpu.memory_space<hbm>>
      tpu.enqueue_dma source(%arg16 : memref<128x128xf32, #tpu.memory_space<vmem>>) target(%dma_start3A_45 : memref<128x128xf32, #tpu.memory_space<hbm>>) target_semaphore(%run_scoped3A : memref<!tpu.dma_semaphore, #tpu.memory_space<semaphore_mem>>)
      %dma_wait3A_46 = arith.constant 0 : i32
      %dma_wait3A_47 = tpu.memref_slice %arg9[%add3A_27, %dma_wait3A_46] : memref<4096x128xf32, #tpu.memory_space<hbm>> -> memref<128x128xf32, #tpu.memory_space<hbm>>
      %dma_wait3A_48 = arith.constant 0 : i32
      %dma_wait3A_49 = tpu.memref_slice %arg9[%add3A_27, %dma_wait3A_48] : memref<4096x128xf32, #tpu.memory_space<hbm>> -> memref<128x128xf32, #tpu.memory_space<hbm>>
      tpu.wait_dma2 semaphore(%run_scoped3A : memref<!tpu.dma_semaphore, #tpu.memory_space<semaphore_mem>>) src(%arg16 : memref<128x128xf32, #tpu.memory_space<vmem>>) dst(%dma_wait3A_49 : memref<128x128xf32, #tpu.memory_space<hbm>>)
      tpu.yield
    }) : () -> ()
    %scan3A_41 = arith.constant 1 : i32
    return
  }
}

module attributes {stable_mosaic.version = 14 : i64} {
  func.func @_precompute_body(%arg0: i32, %arg1: memref<1000x128xf32, #tpu.memory_space<vmem>>, %arg2: memref<1000x100xf32, #tpu.memory_space<vmem>>, %arg3: memref<128x128xf32, #tpu.memory_space<vmem>>, %arg4: memref<100x128xf32, #tpu.memory_space<vmem>>, %arg5: memref<128x128xf32, #tpu.memory_space<vmem>>, %arg6: memref<100x128xf32, #tpu.memory_space<vmem>>, %arg7: memref<128x128xf32, #tpu.memory_space<vmem>>, %arg8: memref<100x128xf32, #tpu.memory_space<vmem>>, %arg9: memref<1x128xf32, #tpu.memory_space<vmem>>, %arg10: memref<1000x128xi32, #tpu.memory_space<vmem>>, %arg11: memref<1000x128xf32, #tpu.memory_space<vmem>>) attributes {dimension_semantics = [#tpu.dimension_semantics<arbitrary>], iteration_bounds = array<i64: 100>, scalar_prefetch = 0 : i64, scratch_operands = 0 : i64, tpu.core_type = #tpu.core_type<tc>, window_params = [{transform_indices = @transform_0, window_bounds = array<i64: 1000, 128>}, {transform_indices = @transform_1, window_bounds = array<i64: 1000, 100>}, {pipeline_mode = #tpu.pipeline_mode<synchronous>, transform_indices = @transform_2, window_bounds = array<i64: 128, 128>}, {pipeline_mode = #tpu.pipeline_mode<synchronous>, transform_indices = @transform_3, window_bounds = array<i64: 100, 128>}, {pipeline_mode = #tpu.pipeline_mode<synchronous>, transform_indices = @transform_4, window_bounds = array<i64: 128, 128>}, {pipeline_mode = #tpu.pipeline_mode<synchronous>, transform_indices = @transform_5, window_bounds = array<i64: 100, 128>}, {pipeline_mode = #tpu.pipeline_mode<synchronous>, transform_indices = @transform_6, window_bounds = array<i64: 128, 128>}, {pipeline_mode = #tpu.pipeline_mode<synchronous>, transform_indices = @transform_7, window_bounds = array<i64: 100, 128>}, {pipeline_mode = #tpu.pipeline_mode<synchronous>, transform_indices = @transform_8, window_bounds = array<i64: 1, 128>}, {transform_indices = @transform_9, window_bounds = array<i64: 1000, 128>}, {transform_indices = @transform_10, window_bounds = array<i64: 1000, 128>}]} {
    %get3A = arith.constant 0 : index
    %get3A_0 = arith.constant 0 : index
    %get3A_1 = vector.load %arg1[%get3A, %get3A_0] : memref<1000x128xf32, #tpu.memory_space<vmem>>, vector<1000x128xf32>
    %get3A_2 = arith.constant 0 : index
    %get3A_3 = arith.constant 0 : index
    %get3A_4 = vector.load %arg2[%get3A_2, %get3A_3] : memref<1000x100xf32, #tpu.memory_space<vmem>>, vector<1000x100xf32>
    %get3A_5 = arith.constant 0 : index
    %get3A_6 = arith.constant 0 : index
    %get3A_7 = vector.load %arg3[%get3A_5, %get3A_6] : memref<128x128xf32, #tpu.memory_space<vmem>>, vector<128x128xf32>
    %dot_general3A = arith.constant dense<0.000000e+00> : vector<1000x128xf32>
    %dot_general3A_8 = tpu.matmul %get3A_1, %get3A_7, %dot_general3A {dimension_numbers = #tpu.dot_dimension_numbers<[1], [0], [0], [1], [0, 0, 1, 1], [], []>, transpose_lhs_hint = false} : vector<1000x128xf32>, vector<128x128xf32>, vector<1000x128xf32> -> vector<1000x128xf32>
    %get3A_9 = arith.constant 0 : index
    %get3A_10 = arith.constant 0 : index
    %get3A_11 = vector.load %arg4[%get3A_9, %get3A_10] : memref<100x128xf32, #tpu.memory_space<vmem>>, vector<100x128xf32>
    %dot_general3A_12 = arith.constant dense<0.000000e+00> : vector<1000x128xf32>
    %dot_general3A_13 = tpu.matmul %get3A_4, %get3A_11, %dot_general3A_12 {dimension_numbers = #tpu.dot_dimension_numbers<[1], [0], [0], [1], [0, 0, 1, 1], [], []>, transpose_lhs_hint = false} : vector<1000x100xf32>, vector<100x128xf32>, vector<1000x128xf32> -> vector<1000x128xf32>
    %add3A = arith.addf %dot_general3A_8, %dot_general3A_13 : vector<1000x128xf32>
    %get3A_14 = arith.constant 0 : index
    %get3A_15 = arith.constant 0 : index
    %get3A_16 = vector.load %arg5[%get3A_14, %get3A_15] : memref<128x128xf32, #tpu.memory_space<vmem>>, vector<128x128xf32>
    %dot_general3A_17 = arith.constant dense<0.000000e+00> : vector<1000x128xf32>
    %dot_general3A_18 = tpu.matmul %get3A_1, %get3A_16, %dot_general3A_17 {dimension_numbers = #tpu.dot_dimension_numbers<[1], [0], [0], [1], [0, 0, 1, 1], [], []>, transpose_lhs_hint = false} : vector<1000x128xf32>, vector<128x128xf32>, vector<1000x128xf32> -> vector<1000x128xf32>
    %get3A_19 = arith.constant 0 : index
    %get3A_20 = arith.constant 0 : index
    %get3A_21 = vector.load %arg6[%get3A_19, %get3A_20] : memref<100x128xf32, #tpu.memory_space<vmem>>, vector<100x128xf32>
    %dot_general3A_22 = arith.constant dense<0.000000e+00> : vector<1000x128xf32>
    %dot_general3A_23 = tpu.matmul %get3A_4, %get3A_21, %dot_general3A_22 {dimension_numbers = #tpu.dot_dimension_numbers<[1], [0], [0], [1], [0, 0, 1, 1], [], []>, transpose_lhs_hint = false} : vector<1000x100xf32>, vector<100x128xf32>, vector<1000x128xf32> -> vector<1000x128xf32>
    %add3A_24 = arith.addf %dot_general3A_18, %dot_general3A_23 : vector<1000x128xf32>
    %bitcast_convert_type3A = tpu.bitcast %add3A : vector<1000x128xf32> -> vector<1000x128xi32>
    %add3A_25 = arith.constant 32767 : i32
    %add3A_26 = vector.broadcast %add3A_25 : i32 to vector<1000x128xi32>
    %add3A_27 = arith.addi %bitcast_convert_type3A, %add3A_26 : vector<1000x128xi32>
    %shift_right_logical3A = arith.constant 16 : i32
    %shift_right_logical3A_28 = vector.broadcast %shift_right_logical3A : i32 to vector<1000x128xi32>
    %shift_right_logical3A_29 = arith.shrui %bitcast_convert_type3A, %shift_right_logical3A_28 : vector<1000x128xi32>
    %and3A = arith.constant 1 : i32
    %and3A_30 = vector.broadcast %and3A : i32 to vector<1000x128xi32>
    %and3A_31 = arith.andi %shift_right_logical3A_29, %and3A_30 : vector<1000x128xi32>
    %add3A_32 = arith.addi %add3A_27, %and3A_31 : vector<1000x128xi32>
    %shift_right_logical3A_33 = arith.constant 16 : i32
    %shift_right_logical3A_34 = vector.broadcast %shift_right_logical3A_33 : i32 to vector<1000x128xi32>
    %shift_right_logical3A_35 = arith.shrui %add3A_32, %shift_right_logical3A_34 : vector<1000x128xi32>
    %bitcast_convert_type3A_36 = tpu.bitcast %add3A_24 : vector<1000x128xf32> -> vector<1000x128xi32>
    %add3A_37 = arith.constant 32767 : i32
    %add3A_38 = vector.broadcast %add3A_37 : i32 to vector<1000x128xi32>
    %add3A_39 = arith.addi %bitcast_convert_type3A_36, %add3A_38 : vector<1000x128xi32>
    %shift_right_logical3A_40 = arith.constant 16 : i32
    %shift_right_logical3A_41 = vector.broadcast %shift_right_logical3A_40 : i32 to vector<1000x128xi32>
    %shift_right_logical3A_42 = arith.shrui %bitcast_convert_type3A_36, %shift_right_logical3A_41 : vector<1000x128xi32>
    %and3A_43 = arith.constant 1 : i32
    %and3A_44 = vector.broadcast %and3A_43 : i32 to vector<1000x128xi32>
    %and3A_45 = arith.andi %shift_right_logical3A_42, %and3A_44 : vector<1000x128xi32>
    %add3A_46 = arith.addi %add3A_39, %and3A_45 : vector<1000x128xi32>
    %shift_right_logical3A_47 = arith.constant 16 : i32
    %shift_right_logical3A_48 = vector.broadcast %shift_right_logical3A_47 : i32 to vector<1000x128xi32>
    %shift_right_logical3A_49 = arith.shrui %add3A_46, %shift_right_logical3A_48 : vector<1000x128xi32>
    %shift_left3A = arith.constant 16 : i32
    %shift_left3A_50 = vector.broadcast %shift_left3A : i32 to vector<1000x128xi32>
    %shift_left3A_51 = arith.shli %shift_right_logical3A_35, %shift_left3A_50 : vector<1000x128xi32>
    %or3A = arith.ori %shift_left3A_51, %shift_right_logical3A_49 : vector<1000x128xi32>
    %swap3A = arith.constant 0 : index
    %swap3A_52 = arith.constant 0 : index
    %swap3A_53 = vector.load %arg10[%swap3A, %swap3A_52] : memref<1000x128xi32, #tpu.memory_space<vmem>>, vector<1000x128xi32>
    tpu.vector_store %arg10[%swap3A, %swap3A_52], %or3A {strides = array<i32>} : memref<1000x128xi32, #tpu.memory_space<vmem>>, vector<1000x128xi32>,
    %get3A_54 = arith.constant 0 : index
    %get3A_55 = arith.constant 0 : index
    %get3A_56 = vector.load %arg7[%get3A_54, %get3A_55] : memref<128x128xf32, #tpu.memory_space<vmem>>, vector<128x128xf32>
    %dot_general3A_57 = arith.constant dense<0.000000e+00> : vector<1000x128xf32>
    %dot_general3A_58 = tpu.matmul %get3A_1, %get3A_56, %dot_general3A_57 {dimension_numbers = #tpu.dot_dimension_numbers<[1], [0], [0], [1], [0, 0, 1, 1], [], []>, transpose_lhs_hint = false} : vector<1000x128xf32>, vector<128x128xf32>, vector<1000x128xf32> -> vector<1000x128xf32>
    %get3A_59 = arith.constant 0 : index
    %get3A_60 = arith.constant 0 : index
    %get3A_61 = vector.load %arg8[%get3A_59, %get3A_60] : memref<100x128xf32, #tpu.memory_space<vmem>>, vector<100x128xf32>
    %dot_general3A_62 = arith.constant dense<0.000000e+00> : vector<1000x128xf32>
    %dot_general3A_63 = tpu.matmul %get3A_4, %get3A_61, %dot_general3A_62 {dimension_numbers = #tpu.dot_dimension_numbers<[1], [0], [0], [1], [0, 0, 1, 1], [], []>, transpose_lhs_hint = false} : vector<1000x100xf32>, vector<100x128xf32>, vector<1000x128xf32> -> vector<1000x128xf32>
    %add3A_64 = arith.addf %dot_general3A_58, %dot_general3A_63 : vector<1000x128xf32>
    %get3A_65 = arith.constant 0 : index
    %get3A_66 = arith.constant 0 : index
    %get3A_67 = vector.load %arg9[%get3A_65, %get3A_66] : memref<1x128xf32, #tpu.memory_space<vmem>>, vector<1x128xf32>
    %add3A_68 = vector.broadcast %get3A_67 : vector<1x128xf32> to vector<1000x128xf32>
    %add3A_69 = arith.addf %add3A_64, %add3A_68 : vector<1000x128xf32>
    %swap3A_70 = arith.constant 0 : index
    %swap3A_71 = arith.constant 0 : index
    %swap3A_72 = vector.load %arg11[%swap3A_70, %swap3A_71] : memref<1000x128xf32, #tpu.memory_space<vmem>>, vector<1000x128xf32>
    tpu.vector_store %arg11[%swap3A_70, %swap3A_71], %add3A_69 {strides = array<i32>} : memref<1000x128xf32, #tpu.memory_space<vmem>>, vector<1000x128xf32>,
    return
  }
  func.func @transform_0(%arg0: i32) -> (i32, i32) {
    %c0_i32 = arith.constant 0 : i32
    %c0_i32_0 = arith.constant 0 : i32
    return %arg0, %c0_i32 : i32, i32
  }
  func.func @transform_1(%arg0: i32) -> (i32, i32) {
    %c0_i32 = arith.constant 0 : i32
    %c0_i32_0 = arith.constant 0 : i32
    return %arg0, %c0_i32 : i32, i32
  }
  func.func @transform_2(%arg0: i32) -> (i32, i32) {
    %c0_i32 = arith.constant 0 : i32
    %c0_i32_0 = arith.constant 0 : i32
    %c0_i32_1 = arith.constant 0 : i32
    return %c0_i32, %c0_i32_0 : i32, i32
  }
  func.func @transform_3(%arg0: i32) -> (i32, i32) {
    %c0_i32 = arith.constant 0 : i32
    %c0_i32_0 = arith.constant 0 : i32
    %c0_i32_1 = arith.constant 0 : i32
    return %c0_i32, %c0_i32_0 : i32, i32
  }
  func.func @transform_4(%arg0: i32) -> (i32, i32) {
    %c0_i32 = arith.constant 0 : i32
    %c0_i32_0 = arith.constant 0 : i32
    %c0_i32_1 = arith.constant 0 : i32
    return %c0_i32, %c0_i32_0 : i32, i32
  }
  func.func @transform_5(%arg0: i32) -> (i32, i32) {
    %c0_i32 = arith.constant 0 : i32
    %c0_i32_0 = arith.constant 0 : i32
    %c0_i32_1 = arith.constant 0 : i32
    return %c0_i32, %c0_i32_0 : i32, i32
  }
  func.func @transform_6(%arg0: i32) -> (i32, i32) {
    %c0_i32 = arith.constant 0 : i32
    %c0_i32_0 = arith.constant 0 : i32
    %c0_i32_1 = arith.constant 0 : i32
    return %c0_i32, %c0_i32_0 : i32, i32
  }
  func.func @transform_7(%arg0: i32) -> (i32, i32) {
    %c0_i32 = arith.constant 0 : i32
    %c0_i32_0 = arith.constant 0 : i32
    %c0_i32_1 = arith.constant 0 : i32
    return %c0_i32, %c0_i32_0 : i32, i32
  }
  func.func @transform_8(%arg0: i32) -> (i32, i32) {
    %c0_i32 = arith.constant 0 : i32
    %c0_i32_0 = arith.constant 0 : i32
    %c0_i32_1 = arith.constant 0 : i32
    return %c0_i32, %c0_i32_0 : i32, i32
  }
  func.func @transform_9(%arg0: i32) -> (i32, i32) {
    %c0_i32 = arith.constant 0 : i32
    %c0_i32_0 = arith.constant 0 : i32
    return %arg0, %c0_i32 : i32, i32
  }
  func.func @transform_10(%arg0: i32) -> (i32, i32) {
    %c0_i32 = arith.constant 0 : i32
    %c0_i32_0 = arith.constant 0 : i32
    return %arg0, %c0_i32 : i32, i32
  }
}

module attributes {stable_mosaic.version = 14 : i64} {
  func.func @_attn_body(%arg0: i32, %arg1: memref<4096x128xi32, #tpu.memory_space<vmem>>, %arg2: memref<128x128xf32, #tpu.memory_space<vmem>>, %arg3: memref<128x128xf32, #tpu.memory_space<vmem>>, %arg4: memref<128x1xf32, #tpu.memory_space<vmem>>, %arg5: memref<128x32xf32, #tpu.memory_space<vmem>>, %arg6: memref<4096x16xf32, #tpu.memory_space<vmem>>, %arg7: memref<1x128xf32, #tpu.memory_space<vmem>>, %arg8: memref<16x128xf32, #tpu.memory_space<vmem>>, %arg9: memref<128x128xf32, #tpu.memory_space<vmem>>, %arg10: memref<16x128xf32, #tpu.memory_space<vmem>>, %arg11: memref<128x128xf32, #tpu.memory_space<vmem>>, %arg12: memref<128x128xf32, #tpu.memory_space<vmem>>, %arg13: memref<128x128xf32, #tpu.memory_space<vmem>>, %arg14: memref<128x8xf32, #tpu.memory_space<vmem>>, %arg15: memref<8x128xf32, #tpu.memory_space<vmem>>, %arg16: memref<128x4096xf32, #tpu.memory_space<vmem>>, %arg17: memref<4096x128xf32, #tpu.memory_space<vmem>>, %arg18: memref<128x128xf32, #tpu.memory_space<vmem>>) attributes {dimension_semantics = [#tpu.dimension_semantics<arbitrary>], iteration_bounds = array<i64: 32>, scalar_prefetch = 0 : i64, scratch_operands = 0 : i64, tpu.core_type = #tpu.core_type<tc>, window_params = [{transform_indices = @transform_0, window_bounds = array<i64: 4096, 128>}, {transform_indices = @transform_1, window_bounds = array<i64: 128, 128>}, {transform_indices = @transform_2, window_bounds = array<i64: 128, 128>}, {transform_indices = @transform_3, window_bounds = array<i64: 128, 1>}, {transform_indices = @transform_4, window_bounds = array<i64: 128, 32>}, {transform_indices = @transform_5, window_bounds = array<i64: 4096, 16>}, {pipeline_mode = #tpu.pipeline_mode<synchronous>, transform_indices = @transform_6, window_bounds = array<i64: 1, 128>}, {pipeline_mode = #tpu.pipeline_mode<synchronous>, transform_indices = @transform_7, window_bounds = array<i64: 16, 128>}, {pipeline_mode = #tpu.pipeline_mode<synchronous>, transform_indices = @transform_8, window_bounds = array<i64: 128, 128>}, {pipeline_mode = #tpu.pipeline_mode<synchronous>, transform_indices = @transform_9, window_bounds = array<i64: 16, 128>}, {pipeline_mode = #tpu.pipeline_mode<synchronous>, transform_indices = @transform_10, window_bounds = array<i64: 128, 128>}, {pipeline_mode = #tpu.pipeline_mode<synchronous>, transform_indices = @transform_11, window_bounds = array<i64: 128, 128>}, {pipeline_mode = #tpu.pipeline_mode<synchronous>, transform_indices = @transform_12, window_bounds = array<i64: 128, 128>}, {pipeline_mode = #tpu.pipeline_mode<synchronous>, transform_indices = @transform_13, window_bounds = array<i64: 128, 8>}, {pipeline_mode = #tpu.pipeline_mode<synchronous>, transform_indices = @transform_14, window_bounds = array<i64: 8, 128>}, {pipeline_mode = #tpu.pipeline_mode<synchronous>, transform_indices = @transform_15, window_bounds = array<i64: 128, 4096>}, {pipeline_mode = #tpu.pipeline_mode<synchronous>, transform_indices = @transform_16, window_bounds = array<i64: 4096, 128>}, {transform_indices = @transform_17, window_bounds = array<i64: 128, 128>}]} {
    %get3A = arith.constant 0 : index
    %get3A_0 = arith.constant 0 : index
    %get3A_1 = vector.load %arg1[%get3A, %get3A_0] : memref<4096x128xi32, #tpu.memory_space<vmem>>, vector<4096x128xi32>
    %and3A = arith.constant -65536 : i32
    %and3A_2 = vector.broadcast %and3A : i32 to vector<4096x128xi32>
    %and3A_3 = arith.andi %get3A_1, %and3A_2 : vector<4096x128xi32>
    %bitcast_convert_type3A = tpu.bitcast %and3A_3 : vector<4096x128xi32> -> vector<4096x128xf32>
    %shift_left3A = arith.constant 16 : i32
    %shift_left3A_4 = vector.broadcast %shift_left3A : i32 to vector<4096x128xi32>
    %shift_left3A_5 = arith.shli %get3A_1, %shift_left3A_4 : vector<4096x128xi32>
    %bitcast_convert_type3A_6 = tpu.bitcast %shift_left3A_5 : vector<4096x128xi32> -> vector<4096x128xf32>
    %get3A_7 = arith.constant 0 : index
    %get3A_8 = arith.constant 0 : index
    %get3A_9 = vector.load %arg4[%get3A_7, %get3A_8] : memref<128x1xf32, #tpu.memory_space<vmem>>, vector<128x1xf32>
    %get3A_10 = arith.constant 0 : index
    %get3A_11 = arith.constant 0 : index
    %get3A_12 = vector.load %arg5[%get3A_10, %get3A_11] : memref<128x32xf32, #tpu.memory_space<vmem>>, vector<128x32xf32>
    %sub3A = vector.broadcast %get3A_9 : vector<128x1xf32> to vector<128x32xf32>
    %sub3A_13 = arith.subf %sub3A, %get3A_12 : vector<128x32xf32>
    %broadcast_in_dim3A = vector.shape_cast %sub3A_13 : vector<128x32xf32> to vector<128x32x1xf32>
    %get3A_14 = arith.constant 0 : index
    %get3A_15 = arith.constant 0 : index
    %get3A_16 = vector.load %arg7[%get3A_14, %get3A_15] : memref<1x128xf32, #tpu.memory_space<vmem>>, vector<1x128xf32>
    %reshape3A = vector.shape_cast %get3A_16 : vector<1x128xf32> to vector<1x1x128xf32>
    %mul3A = vector.broadcast %broadcast_in_dim3A : vector<128x32x1xf32> to vector<128x32x128xf32>
    %mul3A_17 = vector.broadcast %reshape3A : vector<1x1x128xf32> to vector<128x32x128xf32>
    %mul3A_18 = arith.mulf %mul3A, %mul3A_17 : vector<128x32x128xf32>
    %mul3A_19 = arith.constant 0.159154937 : f32
    %mul3A_20 = vector.broadcast %mul3A_19 : f32 to vector<128x32x128xf32>
    %mul3A_21 = arith.mulf %mul3A_18, %mul3A_20 : vector<128x32x128xf32>
    %add3A = arith.constant 0x4B400000 : f32
    %add3A_22 = vector.broadcast %add3A : f32 to vector<128x32x128xf32>
    %add3A_23 = arith.addf %mul3A_21, %add3A_22 : vector<128x32x128xf32>
    %sub3A_24 = arith.constant 0x4B400000 : f32
    %sub3A_25 = vector.broadcast %sub3A_24 : f32 to vector<128x32x128xf32>
    %sub3A_26 = arith.subf %add3A_23, %sub3A_25 : vector<128x32x128xf32>
    %mul3A_27 = arith.constant 6.281250e+00 : f32
    %mul3A_28 = vector.broadcast %mul3A_27 : f32 to vector<128x32x128xf32>
    %mul3A_29 = arith.mulf %sub3A_26, %mul3A_28 : vector<128x32x128xf32>
    %sub3A_30 = arith.subf %mul3A_18, %mul3A_29 : vector<128x32x128xf32>
    %mul3A_31 = arith.constant 0.00193530717 : f32
    %mul3A_32 = vector.broadcast %mul3A_31 : f32 to vector<128x32x128xf32>
    %mul3A_33 = arith.mulf %sub3A_26, %mul3A_32 : vector<128x32x128xf32>
    %sub3A_34 = arith.subf %sub3A_30, %mul3A_33 : vector<128x32x128xf32>
    %mul3A_35 = arith.mulf %sub3A_34, %sub3A_34 : vector<128x32x128xf32>
    %mul3A_36 = arith.constant -2.21941292E-7 : f32
    %mul3A_37 = vector.broadcast %mul3A_36 : f32 to vector<128x32x128xf32>
    %mul3A_38 = arith.mulf %mul3A_37, %mul3A_35 : vector<128x32x128xf32>
    %add3A_39 = arith.constant 2.42532296E-5 : f32
    %add3A_40 = vector.broadcast %add3A_39 : f32 to vector<128x32x128xf32>
    %add3A_41 = arith.addf %mul3A_38, %add3A_40 : vector<128x32x128xf32>
    %mul3A_42 = arith.mulf %add3A_41, %mul3A_35 : vector<128x32x128xf32>
    %add3A_43 = arith.constant -0.00138627505 : f32
    %add3A_44 = vector.broadcast %add3A_43 : f32 to vector<128x32x128xf32>
    %add3A_45 = arith.addf %mul3A_42, %add3A_44 : vector<128x32x128xf32>
    %mul3A_46 = arith.mulf %add3A_45, %mul3A_35 : vector<128x32x128xf32>
    %add3A_47 = arith.constant 0.0416610353 : f32
    %add3A_48 = vector.broadcast %add3A_47 : f32 to vector<128x32x128xf32>
    %add3A_49 = arith.addf %mul3A_46, %add3A_48 : vector<128x32x128xf32>
    %mul3A_50 = arith.mulf %add3A_49, %mul3A_35 : vector<128x32x128xf32>
    %add3A_51 = arith.constant -0.499995589 : f32
    %add3A_52 = vector.broadcast %add3A_51 : f32 to vector<128x32x128xf32>
    %add3A_53 = arith.addf %mul3A_50, %add3A_52 : vector<128x32x128xf32>
    %mul3A_54 = arith.mulf %add3A_53, %mul3A_35 : vector<128x32x128xf32>
    %add3A_55 = arith.constant 0.999999463 : f32
    %add3A_56 = vector.broadcast %add3A_55 : f32 to vector<128x32x128xf32>
    %add3A_57 = arith.addf %mul3A_54, %add3A_56 : vector<128x32x128xf32>
    %reshape3A_58 = vector.shape_cast %add3A_57 : vector<128x32x128xf32> to vector<4096x128xf32>
    %get3A_59 = arith.constant 0 : index
    %get3A_60 = arith.constant 0 : index
    %get3A_61 = vector.load %arg6[%get3A_59, %get3A_60] : memref<4096x16xf32, #tpu.memory_space<vmem>>, vector<4096x16xf32>
    %get3A_62 = arith.constant 0 : index
    %get3A_63 = arith.constant 0 : index
    %get3A_64 = vector.load %arg9[%get3A_62, %get3A_63] : memref<128x128xf32, #tpu.memory_space<vmem>>, vector<128x128xf32>
    %dot_general3A = arith.constant dense<0.000000e+00> : vector<4096x128xf32>
    %dot_general3A_65 = tpu.matmul %reshape3A_58, %get3A_64, %dot_general3A {dimension_numbers = #tpu.dot_dimension_numbers<[1], [0], [0], [1], [0, 0, 1, 1], [], []>, transpose_lhs_hint = false} : vector<4096x128xf32>, vector<128x128xf32>, vector<4096x128xf32> -> vector<4096x128xf32>
    %add3A_66 = arith.addf %bitcast_convert_type3A, %dot_general3A_65 : vector<4096x128xf32>
    %get3A_67 = arith.constant 0 : index
    %get3A_68 = arith.constant 0 : index
    %get3A_69 = vector.load %arg8[%get3A_67, %get3A_68] : memref<16x128xf32, #tpu.memory_space<vmem>>, vector<16x128xf32>
    %dot_general3A_70 = arith.constant dense<0.000000e+00> : vector<4096x128xf32>
    %dot_general3A_71 = tpu.matmul %get3A_61, %get3A_69, %dot_general3A_70 {dimension_numbers = #tpu.dot_dimension_numbers<[1], [0], [0], [1], [0, 0, 1, 1], [], []>, transpose_lhs_hint = false} : vector<4096x16xf32>, vector<16x128xf32>, vector<4096x128xf32> -> vector<4096x128xf32>
    %add3A_72 = arith.addf %add3A_66, %dot_general3A_71 : vector<4096x128xf32>
    %get3A_73 = arith.constant 0 : index
    %get3A_74 = arith.constant 0 : index
    %get3A_75 = vector.load %arg11[%get3A_73, %get3A_74] : memref<128x128xf32, #tpu.memory_space<vmem>>, vector<128x128xf32>
    %dot_general3A_76 = arith.constant dense<0.000000e+00> : vector<4096x128xf32>
    %dot_general3A_77 = tpu.matmul %reshape3A_58, %get3A_75, %dot_general3A_76 {dimension_numbers = #tpu.dot_dimension_numbers<[1], [0], [0], [1], [0, 0, 1, 1], [], []>, transpose_lhs_hint = false} : vector<4096x128xf32>, vector<128x128xf32>, vector<4096x128xf32> -> vector<4096x128xf32>
    %add3A_78 = arith.addf %bitcast_convert_type3A_6, %dot_general3A_77 : vector<4096x128xf32>
    %get3A_79 = arith.constant 0 : index
    %get3A_80 = arith.constant 0 : index
    %get3A_81 = vector.load %arg10[%get3A_79, %get3A_80] : memref<16x128xf32, #tpu.memory_space<vmem>>, vector<16x128xf32>
    %dot_general3A_82 = arith.constant dense<0.000000e+00> : vector<4096x128xf32>
    %dot_general3A_83 = tpu.matmul %get3A_61, %get3A_81, %dot_general3A_82 {dimension_numbers = #tpu.dot_dimension_numbers<[1], [0], [0], [1], [0, 0, 1, 1], [], []>, transpose_lhs_hint = false} : vector<4096x16xf32>, vector<16x128xf32>, vector<4096x128xf32> -> vector<4096x128xf32>
    %add3A_84 = arith.addf %add3A_78, %dot_general3A_83 : vector<4096x128xf32>
    %get3A_85 = arith.constant 0 : index
    %get3A_86 = arith.constant 0 : index
    %get3A_87 = vector.load %arg2[%get3A_85, %get3A_86] : memref<128x128xf32, #tpu.memory_space<vmem>>, vector<128x128xf32>
    %reshape3A_88 = vector.shape_cast %add3A_72 : vector<4096x128xf32> to vector<128x32x128xf32>
    %broadcast_in_dim3A_89 = vector.shape_cast %get3A_87 : vector<128x128xf32> to vector<128x1x128xf32>
    %mul3A_90 = vector.broadcast %broadcast_in_dim3A_89 : vector<128x1x128xf32> to vector<128x32x128xf32>
    %mul3A_91 = arith.mulf %reshape3A_88, %mul3A_90 : vector<128x32x128xf32>
    %reshape3A_92 = vector.shape_cast %mul3A_91 : vector<128x32x128xf32> to vector<4096x128xf32>
    %get3A_93 = arith.constant 0 : index
    %get3A_94 = arith.constant 0 : index
    %get3A_95 = vector.load %arg14[%get3A_93, %get3A_94] : memref<128x8xf32, #tpu.memory_space<vmem>>, vector<128x8xf32>
    %dot_general3A_96 = arith.constant dense<0.000000e+00> : vector<4096x8xf32>
    %dot_general3A_97 = tpu.matmul %reshape3A_92, %get3A_95, %dot_general3A_96 {dimension_numbers = #tpu.dot_dimension_numbers<[1], [0], [0], [1], [0, 0, 1, 1], [], []>, transpose_lhs_hint = false} : vector<4096x128xf32>, vector<128x8xf32>, vector<4096x8xf32> -> vector<4096x8xf32>
    %jit3A = arith.constant -1.000000e+01 : f32
    %jit3A_98 = arith.constant 1.000000e+01 : f32
    %max3A = vector.broadcast %jit3A : f32 to vector<4096x8xf32>
    %max3A_99 = arith.maximumf %max3A, %dot_general3A_97 : vector<4096x8xf32>
    %min3A = vector.broadcast %jit3A_98 : f32 to vector<4096x8xf32>
    %min3A_100 = arith.minimumf %min3A, %max3A_99 : vector<4096x8xf32>
    %exp3A = math.exp %min3A_100 : vector<4096x8xf32>
    %get3A_101 = arith.constant 0 : index
    %get3A_102 = arith.constant 0 : index
    %get3A_103 = vector.load %arg16[%get3A_101, %get3A_102] : memref<128x4096xf32, #tpu.memory_space<vmem>>, vector<128x4096xf32>
    %dot_general3A_104 = arith.constant dense<0.000000e+00> : vector<128x8xf32>
    %dot_general3A_105 = tpu.matmul %get3A_103, %exp3A, %dot_general3A_104 {dimension_numbers = #tpu.dot_dimension_numbers<[1], [0], [0], [1], [0, 0, 1, 1], [], []>, transpose_lhs_hint = false} : vector<128x4096xf32>, vector<4096x8xf32>, vector<128x8xf32> -> vector<128x8xf32>
    %get3A_106 = arith.constant 0 : index
    %get3A_107 = arith.constant 0 : index
    %get3A_108 = vector.load %arg17[%get3A_106, %get3A_107] : memref<4096x128xf32, #tpu.memory_space<vmem>>, vector<4096x128xf32>
    %div3A = arith.constant 1.000000e+00 : f32
    %div3A_109 = vector.broadcast %div3A : f32 to vector<128x8xf32>
    %div3A_110 = arith.divf %div3A_109, %dot_general3A_105 : vector<128x8xf32>
    %dot_general3A_111 = arith.constant dense<0.000000e+00> : vector<4096x8xf32>
    %dot_general3A_112 = tpu.matmul %get3A_108, %div3A_110, %dot_general3A_111 {dimension_numbers = #tpu.dot_dimension_numbers<[1], [0], [0], [1], [0, 0, 1, 1], [], []>, transpose_lhs_hint = false} : vector<4096x128xf32>, vector<128x8xf32>, vector<4096x8xf32> -> vector<4096x8xf32>
    %mul3A_113 = arith.mulf %exp3A, %dot_general3A_112 : vector<4096x8xf32>
    %get3A_114 = arith.constant 0 : index
    %get3A_115 = arith.constant 0 : index
    %get3A_116 = vector.load %arg15[%get3A_114, %get3A_115] : memref<8x128xf32, #tpu.memory_space<vmem>>, vector<8x128xf32>
    %dot_general3A_117 = arith.constant dense<0.000000e+00> : vector<4096x128xf32>
    %dot_general3A_118 = tpu.matmul %mul3A_113, %get3A_116, %dot_general3A_117 {dimension_numbers = #tpu.dot_dimension_numbers<[1], [0], [0], [1], [0, 0, 1, 1], [], []>, transpose_lhs_hint = false} : vector<4096x8xf32>, vector<8x128xf32>, vector<4096x128xf32> -> vector<4096x128xf32>
    %mul3A_119 = arith.mulf %dot_general3A_118, %add3A_84 : vector<4096x128xf32>
    %reshape3A_120 = vector.shape_cast %mul3A_119 : vector<4096x128xf32> to vector<128x32x128xf32>
    %reduce_sum3A = arith.constant dense<0.000000e+00> : vector<128x128xf32>
    %reduce_sum3A_121 = vector.multi_reduction <add>, %reshape3A_120, %reduce_sum3A [1] : vector<128x32x128xf32> to vector<128x128xf32>
    %get3A_122 = arith.constant 0 : index
    %get3A_123 = arith.constant 0 : index
    %get3A_124 = vector.load %arg3[%get3A_122, %get3A_123] : memref<128x128xf32, #tpu.memory_space<vmem>>, vector<128x128xf32>
    %get3A_125 = arith.constant 0 : index
    %get3A_126 = arith.constant 0 : index
    %get3A_127 = vector.load %arg12[%get3A_125, %get3A_126] : memref<128x128xf32, #tpu.memory_space<vmem>>, vector<128x128xf32>
    %dot_general3A_128 = arith.constant dense<0.000000e+00> : vector<128x128xf32>
    %dot_general3A_129 = tpu.matmul %get3A_124, %get3A_127, %dot_general3A_128 {dimension_numbers = #tpu.dot_dimension_numbers<[1], [0], [0], [1], [0, 0, 1, 1], [], []>, transpose_lhs_hint = false} : vector<128x128xf32>, vector<128x128xf32>, vector<128x128xf32> -> vector<128x128xf32>
    %get3A_130 = arith.constant 0 : index
    %get3A_131 = arith.constant 0 : index
    %get3A_132 = vector.load %arg13[%get3A_130, %get3A_131] : memref<128x128xf32, #tpu.memory_space<vmem>>, vector<128x128xf32>
    %dot_general3A_133 = arith.constant dense<0.000000e+00> : vector<128x128xf32>
    %dot_general3A_134 = tpu.matmul %reduce_sum3A_121, %get3A_132, %dot_general3A_133 {dimension_numbers = #tpu.dot_dimension_numbers<[1], [0], [0], [1], [0, 0, 1, 1], [], []>, transpose_lhs_hint = false} : vector<128x128xf32>, vector<128x128xf32>, vector<128x128xf32> -> vector<128x128xf32>
    %add3A_135 = arith.addf %dot_general3A_129, %dot_general3A_134 : vector<128x128xf32>
    %max3A_136 = arith.constant 0.000000e+00 : f32
    %max3A_137 = vector.broadcast %max3A_136 : f32 to vector<128x128xf32>
    %max3A_138 = arith.maximumf %add3A_135, %max3A_137 : vector<128x128xf32>
    %swap3A = arith.constant 0 : index
    %swap3A_139 = arith.constant 0 : index
    %swap3A_140 = vector.load %arg18[%swap3A, %swap3A_139] : memref<128x128xf32, #tpu.memory_space<vmem>>, vector<128x128xf32>
    tpu.vector_store %arg18[%swap3A, %swap3A_139], %max3A_138 {strides = array<i32>} : memref<128x128xf32, #tpu.memory_space<vmem>>, vector<128x128xf32>,
    return
  }
  func.func @transform_0(%arg0: i32) -> (i32, i32) {
    %c0_i32 = arith.constant 0 : i32
    %c0_i32_0 = arith.constant 0 : i32
    return %arg0, %c0_i32 : i32, i32
  }
  func.func @transform_1(%arg0: i32) -> (i32, i32) {
    %c0_i32 = arith.constant 0 : i32
    %c0_i32_0 = arith.constant 0 : i32
    return %arg0, %c0_i32 : i32, i32
  }
  func.func @transform_2(%arg0: i32) -> (i32, i32) {
    %c0_i32 = arith.constant 0 : i32
    %c0_i32_0 = arith.constant 0 : i32
    return %arg0, %c0_i32 : i32, i32
  }
  func.func @transform_3(%arg0: i32) -> (i32, i32) {
    %add3A = arith.constant 64 : i32
    %add3A_0 = arith.addi %add3A, %arg0 : i32
    %c0_i32 = arith.constant 0 : i32
    %c0_i32_1 = arith.constant 0 : i32
    return %add3A_0, %c0_i32 : i32, i32
  }
  func.func @transform_4(%arg0: i32) -> (i32, i32) {
    %add3A = arith.constant 64 : i32
    %add3A_0 = arith.addi %add3A, %arg0 : i32
    %c0_i32 = arith.constant 0 : i32
    %c0_i32_1 = arith.constant 0 : i32
    return %add3A_0, %c0_i32 : i32, i32
  }
  func.func @transform_5(%arg0: i32) -> (i32, i32) {
    %add3A = arith.constant 64 : i32
    %add3A_0 = arith.addi %add3A, %arg0 : i32
    %c0_i32 = arith.constant 0 : i32
    %c0_i32_1 = arith.constant 0 : i32
    return %add3A_0, %c0_i32 : i32, i32
  }
  func.func @transform_6(%arg0: i32) -> (i32, i32) {
    %c0_i32 = arith.constant 0 : i32
    %c0_i32_0 = arith.constant 0 : i32
    %c0_i32_1 = arith.constant 0 : i32
    return %c0_i32, %c0_i32_0 : i32, i32
  }
  func.func @transform_7(%arg0: i32) -> (i32, i32) {
    %c0_i32 = arith.constant 0 : i32
    %c0_i32_0 = arith.constant 0 : i32
    %c0_i32_1 = arith.constant 0 : i32
    return %c0_i32, %c0_i32_0 : i32, i32
  }
  func.func @transform_8(%arg0: i32) -> (i32, i32) {
    %c0_i32 = arith.constant 0 : i32
    %c0_i32_0 = arith.constant 0 : i32
    %c0_i32_1 = arith.constant 0 : i32
    return %c0_i32, %c0_i32_0 : i32, i32
  }
  func.func @transform_9(%arg0: i32) -> (i32, i32) {
    %c0_i32 = arith.constant 0 : i32
    %c0_i32_0 = arith.constant 0 : i32
    %c0_i32_1 = arith.constant 0 : i32
    return %c0_i32, %c0_i32_0 : i32, i32
  }
  func.func @transform_10(%arg0: i32) -> (i32, i32) {
    %c0_i32 = arith.constant 0 : i32
    %c0_i32_0 = arith.constant 0 : i32
    %c0_i32_1 = arith.constant 0 : i32
    return %c0_i32, %c0_i32_0 : i32, i32
  }
  func.func @transform_11(%arg0: i32) -> (i32, i32) {
    %c0_i32 = arith.constant 0 : i32
    %c0_i32_0 = arith.constant 0 : i32
    %c0_i32_1 = arith.constant 0 : i32
    return %c0_i32, %c0_i32_0 : i32, i32
  }
  func.func @transform_12(%arg0: i32) -> (i32, i32) {
    %c0_i32 = arith.constant 0 : i32
    %c0_i32_0 = arith.constant 0 : i32
    %c0_i32_1 = arith.constant 0 : i32
    return %c0_i32, %c0_i32_0 : i32, i32
  }
  func.func @transform_13(%arg0: i32) -> (i32, i32) {
    %c0_i32 = arith.constant 0 : i32
    %c0_i32_0 = arith.constant 0 : i32
    %c0_i32_1 = arith.constant 0 : i32
    return %c0_i32, %c0_i32_0 : i32, i32
  }
  func.func @transform_14(%arg0: i32) -> (i32, i32) {
    %c0_i32 = arith.constant 0 : i32
    %c0_i32_0 = arith.constant 0 : i32
    %c0_i32_1 = arith.constant 0 : i32
    return %c0_i32, %c0_i32_0 : i32, i32
  }
  func.func @transform_15(%arg0: i32) -> (i32, i32) {
    %c0_i32 = arith.constant 0 : i32
    %c0_i32_0 = arith.constant 0 : i32
    %c0_i32_1 = arith.constant 0 : i32
    return %c0_i32, %c0_i32_0 : i32, i32
  }
  func.func @transform_16(%arg0: i32) -> (i32, i32) {
    %c0_i32 = arith.constant 0 : i32
    %c0_i32_0 = arith.constant 0 : i32
    %c0_i32_1 = arith.constant 0 : i32
    return %c0_i32, %c0_i32_0 : i32, i32
  }
  func.func @transform_17(%arg0: i32) -> (i32, i32) {
    %c0_i32 = arith.constant 0 : i32
    %c0_i32_0 = arith.constant 0 : i32
    return %arg0, %c0_i32 : i32, i32
  }
}

module attributes {stable_mosaic.version = 14 : i64} {
  func.func @_attn_body(%arg0: i32, %arg1: memref<4096x128xi32, #tpu.memory_space<vmem>>, %arg2: memref<128x128xf32, #tpu.memory_space<vmem>>, %arg3: memref<128x128xf32, #tpu.memory_space<vmem>>, %arg4: memref<128x1xf32, #tpu.memory_space<vmem>>, %arg5: memref<128x32xf32, #tpu.memory_space<vmem>>, %arg6: memref<4096x16xf32, #tpu.memory_space<vmem>>, %arg7: memref<1x128xf32, #tpu.memory_space<vmem>>, %arg8: memref<16x128xf32, #tpu.memory_space<vmem>>, %arg9: memref<128x128xf32, #tpu.memory_space<vmem>>, %arg10: memref<16x128xf32, #tpu.memory_space<vmem>>, %arg11: memref<128x128xf32, #tpu.memory_space<vmem>>, %arg12: memref<128x128xf32, #tpu.memory_space<vmem>>, %arg13: memref<128x128xf32, #tpu.memory_space<vmem>>, %arg14: memref<128x8xf32, #tpu.memory_space<vmem>>, %arg15: memref<8x128xf32, #tpu.memory_space<vmem>>, %arg16: memref<128x4096xf32, #tpu.memory_space<vmem>>, %arg17: memref<4096x128xf32, #tpu.memory_space<vmem>>, %arg18: memref<128x128xf32, #tpu.memory_space<vmem>>) attributes {dimension_semantics = [#tpu.dimension_semantics<arbitrary>], iteration_bounds = array<i64: 32>, scalar_prefetch = 0 : i64, scratch_operands = 0 : i64, tpu.core_type = #tpu.core_type<tc>, window_params = [{transform_indices = @transform_0, window_bounds = array<i64: 4096, 128>}, {transform_indices = @transform_1, window_bounds = array<i64: 128, 128>}, {transform_indices = @transform_2, window_bounds = array<i64: 128, 128>}, {transform_indices = @transform_3, window_bounds = array<i64: 128, 1>}, {transform_indices = @transform_4, window_bounds = array<i64: 128, 32>}, {transform_indices = @transform_5, window_bounds = array<i64: 4096, 16>}, {pipeline_mode = #tpu.pipeline_mode<synchronous>, transform_indices = @transform_6, window_bounds = array<i64: 1, 128>}, {pipeline_mode = #tpu.pipeline_mode<synchronous>, transform_indices = @transform_7, window_bounds = array<i64: 16, 128>}, {pipeline_mode = #tpu.pipeline_mode<synchronous>, transform_indices = @transform_8, window_bounds = array<i64: 128, 128>}, {pipeline_mode = #tpu.pipeline_mode<synchronous>, transform_indices = @transform_9, window_bounds = array<i64: 16, 128>}, {pipeline_mode = #tpu.pipeline_mode<synchronous>, transform_indices = @transform_10, window_bounds = array<i64: 128, 128>}, {pipeline_mode = #tpu.pipeline_mode<synchronous>, transform_indices = @transform_11, window_bounds = array<i64: 128, 128>}, {pipeline_mode = #tpu.pipeline_mode<synchronous>, transform_indices = @transform_12, window_bounds = array<i64: 128, 128>}, {pipeline_mode = #tpu.pipeline_mode<synchronous>, transform_indices = @transform_13, window_bounds = array<i64: 128, 8>}, {pipeline_mode = #tpu.pipeline_mode<synchronous>, transform_indices = @transform_14, window_bounds = array<i64: 8, 128>}, {pipeline_mode = #tpu.pipeline_mode<synchronous>, transform_indices = @transform_15, window_bounds = array<i64: 128, 4096>}, {pipeline_mode = #tpu.pipeline_mode<synchronous>, transform_indices = @transform_16, window_bounds = array<i64: 4096, 128>}, {transform_indices = @transform_17, window_bounds = array<i64: 128, 128>}]} {
    %get3A = arith.constant 0 : index
    %get3A_0 = arith.constant 0 : index
    %get3A_1 = vector.load %arg1[%get3A, %get3A_0] : memref<4096x128xi32, #tpu.memory_space<vmem>>, vector<4096x128xi32>
    %and3A = arith.constant -65536 : i32
    %and3A_2 = vector.broadcast %and3A : i32 to vector<4096x128xi32>
    %and3A_3 = arith.andi %get3A_1, %and3A_2 : vector<4096x128xi32>
    %bitcast_convert_type3A = tpu.bitcast %and3A_3 : vector<4096x128xi32> -> vector<4096x128xf32>
    %shift_left3A = arith.constant 16 : i32
    %shift_left3A_4 = vector.broadcast %shift_left3A : i32 to vector<4096x128xi32>
    %shift_left3A_5 = arith.shli %get3A_1, %shift_left3A_4 : vector<4096x128xi32>
    %bitcast_convert_type3A_6 = tpu.bitcast %shift_left3A_5 : vector<4096x128xi32> -> vector<4096x128xf32>
    %get3A_7 = arith.constant 0 : index
    %get3A_8 = arith.constant 0 : index
    %get3A_9 = vector.load %arg4[%get3A_7, %get3A_8] : memref<128x1xf32, #tpu.memory_space<vmem>>, vector<128x1xf32>
    %get3A_10 = arith.constant 0 : index
    %get3A_11 = arith.constant 0 : index
    %get3A_12 = vector.load %arg5[%get3A_10, %get3A_11] : memref<128x32xf32, #tpu.memory_space<vmem>>, vector<128x32xf32>
    %sub3A = vector.broadcast %get3A_9 : vector<128x1xf32> to vector<128x32xf32>
    %sub3A_13 = arith.subf %sub3A, %get3A_12 : vector<128x32xf32>
    %broadcast_in_dim3A = vector.shape_cast %sub3A_13 : vector<128x32xf32> to vector<128x32x1xf32>
    %get3A_14 = arith.constant 0 : index
    %get3A_15 = arith.constant 0 : index
    %get3A_16 = vector.load %arg7[%get3A_14, %get3A_15] : memref<1x128xf32, #tpu.memory_space<vmem>>, vector<1x128xf32>
    %reshape3A = vector.shape_cast %get3A_16 : vector<1x128xf32> to vector<1x1x128xf32>
    %mul3A = vector.broadcast %broadcast_in_dim3A : vector<128x32x1xf32> to vector<128x32x128xf32>
    %mul3A_17 = vector.broadcast %reshape3A : vector<1x1x128xf32> to vector<128x32x128xf32>
    %mul3A_18 = arith.mulf %mul3A, %mul3A_17 : vector<128x32x128xf32>
    %mul3A_19 = arith.constant 0.159154937 : f32
    %mul3A_20 = vector.broadcast %mul3A_19 : f32 to vector<128x32x128xf32>
    %mul3A_21 = arith.mulf %mul3A_18, %mul3A_20 : vector<128x32x128xf32>
    %add3A = arith.constant 0x4B400000 : f32
    %add3A_22 = vector.broadcast %add3A : f32 to vector<128x32x128xf32>
    %add3A_23 = arith.addf %mul3A_21, %add3A_22 : vector<128x32x128xf32>
    %sub3A_24 = arith.constant 0x4B400000 : f32
    %sub3A_25 = vector.broadcast %sub3A_24 : f32 to vector<128x32x128xf32>
    %sub3A_26 = arith.subf %add3A_23, %sub3A_25 : vector<128x32x128xf32>
    %mul3A_27 = arith.constant 6.281250e+00 : f32
    %mul3A_28 = vector.broadcast %mul3A_27 : f32 to vector<128x32x128xf32>
    %mul3A_29 = arith.mulf %sub3A_26, %mul3A_28 : vector<128x32x128xf32>
    %sub3A_30 = arith.subf %mul3A_18, %mul3A_29 : vector<128x32x128xf32>
    %mul3A_31 = arith.constant 0.00193530717 : f32
    %mul3A_32 = vector.broadcast %mul3A_31 : f32 to vector<128x32x128xf32>
    %mul3A_33 = arith.mulf %sub3A_26, %mul3A_32 : vector<128x32x128xf32>
    %sub3A_34 = arith.subf %sub3A_30, %mul3A_33 : vector<128x32x128xf32>
    %mul3A_35 = arith.mulf %sub3A_34, %sub3A_34 : vector<128x32x128xf32>
    %mul3A_36 = arith.constant -2.21941292E-7 : f32
    %mul3A_37 = vector.broadcast %mul3A_36 : f32 to vector<128x32x128xf32>
    %mul3A_38 = arith.mulf %mul3A_37, %mul3A_35 : vector<128x32x128xf32>
    %add3A_39 = arith.constant 2.42532296E-5 : f32
    %add3A_40 = vector.broadcast %add3A_39 : f32 to vector<128x32x128xf32>
    %add3A_41 = arith.addf %mul3A_38, %add3A_40 : vector<128x32x128xf32>
    %mul3A_42 = arith.mulf %add3A_41, %mul3A_35 : vector<128x32x128xf32>
    %add3A_43 = arith.constant -0.00138627505 : f32
    %add3A_44 = vector.broadcast %add3A_43 : f32 to vector<128x32x128xf32>
    %add3A_45 = arith.addf %mul3A_42, %add3A_44 : vector<128x32x128xf32>
    %mul3A_46 = arith.mulf %add3A_45, %mul3A_35 : vector<128x32x128xf32>
    %add3A_47 = arith.constant 0.0416610353 : f32
    %add3A_48 = vector.broadcast %add3A_47 : f32 to vector<128x32x128xf32>
    %add3A_49 = arith.addf %mul3A_46, %add3A_48 : vector<128x32x128xf32>
    %mul3A_50 = arith.mulf %add3A_49, %mul3A_35 : vector<128x32x128xf32>
    %add3A_51 = arith.constant -0.499995589 : f32
    %add3A_52 = vector.broadcast %add3A_51 : f32 to vector<128x32x128xf32>
    %add3A_53 = arith.addf %mul3A_50, %add3A_52 : vector<128x32x128xf32>
    %mul3A_54 = arith.mulf %add3A_53, %mul3A_35 : vector<128x32x128xf32>
    %add3A_55 = arith.constant 0.999999463 : f32
    %add3A_56 = vector.broadcast %add3A_55 : f32 to vector<128x32x128xf32>
    %add3A_57 = arith.addf %mul3A_54, %add3A_56 : vector<128x32x128xf32>
    %reshape3A_58 = vector.shape_cast %add3A_57 : vector<128x32x128xf32> to vector<4096x128xf32>
    %get3A_59 = arith.constant 0 : index
    %get3A_60 = arith.constant 0 : index
    %get3A_61 = vector.load %arg6[%get3A_59, %get3A_60] : memref<4096x16xf32, #tpu.memory_space<vmem>>, vector<4096x16xf32>
    %get3A_62 = arith.constant 0 : index
    %get3A_63 = arith.constant 0 : index
    %get3A_64 = vector.load %arg9[%get3A_62, %get3A_63] : memref<128x128xf32, #tpu.memory_space<vmem>>, vector<128x128xf32>
    %dot_general3A = arith.constant dense<0.000000e+00> : vector<4096x128xf32>
    %dot_general3A_65 = tpu.matmul %reshape3A_58, %get3A_64, %dot_general3A {dimension_numbers = #tpu.dot_dimension_numbers<[1], [0], [0], [1], [0, 0, 1, 1], [], []>, transpose_lhs_hint = false} : vector<4096x128xf32>, vector<128x128xf32>, vector<4096x128xf32> -> vector<4096x128xf32>
    %add3A_66 = arith.addf %bitcast_convert_type3A, %dot_general3A_65 : vector<4096x128xf32>
    %get3A_67 = arith.constant 0 : index
    %get3A_68 = arith.constant 0 : index
    %get3A_69 = vector.load %arg8[%get3A_67, %get3A_68] : memref<16x128xf32, #tpu.memory_space<vmem>>, vector<16x128xf32>
    %dot_general3A_70 = arith.constant dense<0.000000e+00> : vector<4096x128xf32>
    %dot_general3A_71 = tpu.matmul %get3A_61, %get3A_69, %dot_general3A_70 {dimension_numbers = #tpu.dot_dimension_numbers<[1], [0], [0], [1], [0, 0, 1, 1], [], []>, transpose_lhs_hint = false} : vector<4096x16xf32>, vector<16x128xf32>, vector<4096x128xf32> -> vector<4096x128xf32>
    %add3A_72 = arith.addf %add3A_66, %dot_general3A_71 : vector<4096x128xf32>
    %get3A_73 = arith.constant 0 : index
    %get3A_74 = arith.constant 0 : index
    %get3A_75 = vector.load %arg11[%get3A_73, %get3A_74] : memref<128x128xf32, #tpu.memory_space<vmem>>, vector<128x128xf32>
    %dot_general3A_76 = arith.constant dense<0.000000e+00> : vector<4096x128xf32>
    %dot_general3A_77 = tpu.matmul %reshape3A_58, %get3A_75, %dot_general3A_76 {dimension_numbers = #tpu.dot_dimension_numbers<[1], [0], [0], [1], [0, 0, 1, 1], [], []>, transpose_lhs_hint = false} : vector<4096x128xf32>, vector<128x128xf32>, vector<4096x128xf32> -> vector<4096x128xf32>
    %add3A_78 = arith.addf %bitcast_convert_type3A_6, %dot_general3A_77 : vector<4096x128xf32>
    %get3A_79 = arith.constant 0 : index
    %get3A_80 = arith.constant 0 : index
    %get3A_81 = vector.load %arg10[%get3A_79, %get3A_80] : memref<16x128xf32, #tpu.memory_space<vmem>>, vector<16x128xf32>
    %dot_general3A_82 = arith.constant dense<0.000000e+00> : vector<4096x128xf32>
    %dot_general3A_83 = tpu.matmul %get3A_61, %get3A_81, %dot_general3A_82 {dimension_numbers = #tpu.dot_dimension_numbers<[1], [0], [0], [1], [0, 0, 1, 1], [], []>, transpose_lhs_hint = false} : vector<4096x16xf32>, vector<16x128xf32>, vector<4096x128xf32> -> vector<4096x128xf32>
    %add3A_84 = arith.addf %add3A_78, %dot_general3A_83 : vector<4096x128xf32>
    %get3A_85 = arith.constant 0 : index
    %get3A_86 = arith.constant 0 : index
    %get3A_87 = vector.load %arg2[%get3A_85, %get3A_86] : memref<128x128xf32, #tpu.memory_space<vmem>>, vector<128x128xf32>
    %reshape3A_88 = vector.shape_cast %add3A_72 : vector<4096x128xf32> to vector<128x32x128xf32>
    %broadcast_in_dim3A_89 = vector.shape_cast %get3A_87 : vector<128x128xf32> to vector<128x1x128xf32>
    %mul3A_90 = vector.broadcast %broadcast_in_dim3A_89 : vector<128x1x128xf32> to vector<128x32x128xf32>
    %mul3A_91 = arith.mulf %reshape3A_88, %mul3A_90 : vector<128x32x128xf32>
    %reshape3A_92 = vector.shape_cast %mul3A_91 : vector<128x32x128xf32> to vector<4096x128xf32>
    %get3A_93 = arith.constant 0 : index
    %get3A_94 = arith.constant 0 : index
    %get3A_95 = vector.load %arg14[%get3A_93, %get3A_94] : memref<128x8xf32, #tpu.memory_space<vmem>>, vector<128x8xf32>
    %dot_general3A_96 = arith.constant dense<0.000000e+00> : vector<4096x8xf32>
    %dot_general3A_97 = tpu.matmul %reshape3A_92, %get3A_95, %dot_general3A_96 {dimension_numbers = #tpu.dot_dimension_numbers<[1], [0], [0], [1], [0, 0, 1, 1], [], []>, transpose_lhs_hint = false} : vector<4096x128xf32>, vector<128x8xf32>, vector<4096x8xf32> -> vector<4096x8xf32>
    %jit3A = arith.constant -1.000000e+01 : f32
    %jit3A_98 = arith.constant 1.000000e+01 : f32
    %max3A = vector.broadcast %jit3A : f32 to vector<4096x8xf32>
    %max3A_99 = arith.maximumf %max3A, %dot_general3A_97 : vector<4096x8xf32>
    %min3A = vector.broadcast %jit3A_98 : f32 to vector<4096x8xf32>
    %min3A_100 = arith.minimumf %min3A, %max3A_99 : vector<4096x8xf32>
    %exp3A = math.exp %min3A_100 : vector<4096x8xf32>
    %get3A_101 = arith.constant 0 : index
    %get3A_102 = arith.constant 0 : index
    %get3A_103 = vector.load %arg16[%get3A_101, %get3A_102] : memref<128x4096xf32, #tpu.memory_space<vmem>>, vector<128x4096xf32>
    %dot_general3A_104 = arith.constant dense<0.000000e+00> : vector<128x8xf32>
    %dot_general3A_105 = tpu.matmul %get3A_103, %exp3A, %dot_general3A_104 {dimension_numbers = #tpu.dot_dimension_numbers<[1], [0], [0], [1], [0, 0, 1, 1], [], []>, transpose_lhs_hint = false} : vector<128x4096xf32>, vector<4096x8xf32>, vector<128x8xf32> -> vector<128x8xf32>
    %get3A_106 = arith.constant 0 : index
    %get3A_107 = arith.constant 0 : index
    %get3A_108 = vector.load %arg17[%get3A_106, %get3A_107] : memref<4096x128xf32, #tpu.memory_space<vmem>>, vector<4096x128xf32>
    %div3A = arith.constant 1.000000e+00 : f32
    %div3A_109 = vector.broadcast %div3A : f32 to vector<128x8xf32>
    %div3A_110 = arith.divf %div3A_109, %dot_general3A_105 : vector<128x8xf32>
    %dot_general3A_111 = arith.constant dense<0.000000e+00> : vector<4096x8xf32>
    %dot_general3A_112 = tpu.matmul %get3A_108, %div3A_110, %dot_general3A_111 {dimension_numbers = #tpu.dot_dimension_numbers<[1], [0], [0], [1], [0, 0, 1, 1], [], []>, transpose_lhs_hint = false} : vector<4096x128xf32>, vector<128x8xf32>, vector<4096x8xf32> -> vector<4096x8xf32>
    %mul3A_113 = arith.mulf %exp3A, %dot_general3A_112 : vector<4096x8xf32>
    %get3A_114 = arith.constant 0 : index
    %get3A_115 = arith.constant 0 : index
    %get3A_116 = vector.load %arg15[%get3A_114, %get3A_115] : memref<8x128xf32, #tpu.memory_space<vmem>>, vector<8x128xf32>
    %dot_general3A_117 = arith.constant dense<0.000000e+00> : vector<4096x128xf32>
    %dot_general3A_118 = tpu.matmul %mul3A_113, %get3A_116, %dot_general3A_117 {dimension_numbers = #tpu.dot_dimension_numbers<[1], [0], [0], [1], [0, 0, 1, 1], [], []>, transpose_lhs_hint = false} : vector<4096x8xf32>, vector<8x128xf32>, vector<4096x128xf32> -> vector<4096x128xf32>
    %mul3A_119 = arith.mulf %dot_general3A_118, %add3A_84 : vector<4096x128xf32>
    %reshape3A_120 = vector.shape_cast %mul3A_119 : vector<4096x128xf32> to vector<128x32x128xf32>
    %reduce_sum3A = arith.constant dense<0.000000e+00> : vector<128x128xf32>
    %reduce_sum3A_121 = vector.multi_reduction <add>, %reshape3A_120, %reduce_sum3A [1] : vector<128x32x128xf32> to vector<128x128xf32>
    %get3A_122 = arith.constant 0 : index
    %get3A_123 = arith.constant 0 : index
    %get3A_124 = vector.load %arg3[%get3A_122, %get3A_123] : memref<128x128xf32, #tpu.memory_space<vmem>>, vector<128x128xf32>
    %get3A_125 = arith.constant 0 : index
    %get3A_126 = arith.constant 0 : index
    %get3A_127 = vector.load %arg12[%get3A_125, %get3A_126] : memref<128x128xf32, #tpu.memory_space<vmem>>, vector<128x128xf32>
    %dot_general3A_128 = arith.constant dense<0.000000e+00> : vector<128x128xf32>
    %dot_general3A_129 = tpu.matmul %get3A_124, %get3A_127, %dot_general3A_128 {dimension_numbers = #tpu.dot_dimension_numbers<[1], [0], [0], [1], [0, 0, 1, 1], [], []>, transpose_lhs_hint = false} : vector<128x128xf32>, vector<128x128xf32>, vector<128x128xf32> -> vector<128x128xf32>
    %get3A_130 = arith.constant 0 : index
    %get3A_131 = arith.constant 0 : index
    %get3A_132 = vector.load %arg13[%get3A_130, %get3A_131] : memref<128x128xf32, #tpu.memory_space<vmem>>, vector<128x128xf32>
    %dot_general3A_133 = arith.constant dense<0.000000e+00> : vector<128x128xf32>
    %dot_general3A_134 = tpu.matmul %reduce_sum3A_121, %get3A_132, %dot_general3A_133 {dimension_numbers = #tpu.dot_dimension_numbers<[1], [0], [0], [1], [0, 0, 1, 1], [], []>, transpose_lhs_hint = false} : vector<128x128xf32>, vector<128x128xf32>, vector<128x128xf32> -> vector<128x128xf32>
    %add3A_135 = arith.addf %dot_general3A_129, %dot_general3A_134 : vector<128x128xf32>
    %max3A_136 = arith.constant 0.000000e+00 : f32
    %max3A_137 = vector.broadcast %max3A_136 : f32 to vector<128x128xf32>
    %max3A_138 = arith.maximumf %add3A_135, %max3A_137 : vector<128x128xf32>
    %swap3A = arith.constant 0 : index
    %swap3A_139 = arith.constant 0 : index
    %swap3A_140 = vector.load %arg18[%swap3A, %swap3A_139] : memref<128x128xf32, #tpu.memory_space<vmem>>, vector<128x128xf32>
    tpu.vector_store %arg18[%swap3A, %swap3A_139], %max3A_138 {strides = array<i32>} : memref<128x128xf32, #tpu.memory_space<vmem>>, vector<128x128xf32>,
    return
  }
  func.func @transform_0(%arg0: i32) -> (i32, i32) {
    %c0_i32 = arith.constant 0 : i32
    %c0_i32_0 = arith.constant 0 : i32
    return %arg0, %c0_i32 : i32, i32
  }
  func.func @transform_1(%arg0: i32) -> (i32, i32) {
    %c0_i32 = arith.constant 0 : i32
    %c0_i32_0 = arith.constant 0 : i32
    return %arg0, %c0_i32 : i32, i32
  }
  func.func @transform_2(%arg0: i32) -> (i32, i32) {
    %c0_i32 = arith.constant 0 : i32
    %c0_i32_0 = arith.constant 0 : i32
    return %arg0, %c0_i32 : i32, i32
  }
  func.func @transform_3(%arg0: i32) -> (i32, i32) {
    %add3A = arith.constant 32 : i32
    %add3A_0 = arith.addi %add3A, %arg0 : i32
    %c0_i32 = arith.constant 0 : i32
    %c0_i32_1 = arith.constant 0 : i32
    return %add3A_0, %c0_i32 : i32, i32
  }
  func.func @transform_4(%arg0: i32) -> (i32, i32) {
    %add3A = arith.constant 32 : i32
    %add3A_0 = arith.addi %add3A, %arg0 : i32
    %c0_i32 = arith.constant 0 : i32
    %c0_i32_1 = arith.constant 0 : i32
    return %add3A_0, %c0_i32 : i32, i32
  }
  func.func @transform_5(%arg0: i32) -> (i32, i32) {
    %add3A = arith.constant 32 : i32
    %add3A_0 = arith.addi %add3A, %arg0 : i32
    %c0_i32 = arith.constant 0 : i32
    %c0_i32_1 = arith.constant 0 : i32
    return %add3A_0, %c0_i32 : i32, i32
  }
  func.func @transform_6(%arg0: i32) -> (i32, i32) {
    %c0_i32 = arith.constant 0 : i32
    %c0_i32_0 = arith.constant 0 : i32
    %c0_i32_1 = arith.constant 0 : i32
    return %c0_i32, %c0_i32_0 : i32, i32
  }
  func.func @transform_7(%arg0: i32) -> (i32, i32) {
    %c0_i32 = arith.constant 0 : i32
    %c0_i32_0 = arith.constant 0 : i32
    %c0_i32_1 = arith.constant 0 : i32
    return %c0_i32, %c0_i32_0 : i32, i32
  }
  func.func @transform_8(%arg0: i32) -> (i32, i32) {
    %c0_i32 = arith.constant 0 : i32
    %c0_i32_0 = arith.constant 0 : i32
    %c0_i32_1 = arith.constant 0 : i32
    return %c0_i32, %c0_i32_0 : i32, i32
  }
  func.func @transform_9(%arg0: i32) -> (i32, i32) {
    %c0_i32 = arith.constant 0 : i32
    %c0_i32_0 = arith.constant 0 : i32
    %c0_i32_1 = arith.constant 0 : i32
    return %c0_i32, %c0_i32_0 : i32, i32
  }
  func.func @transform_10(%arg0: i32) -> (i32, i32) {
    %c0_i32 = arith.constant 0 : i32
    %c0_i32_0 = arith.constant 0 : i32
    %c0_i32_1 = arith.constant 0 : i32
    return %c0_i32, %c0_i32_0 : i32, i32
  }
  func.func @transform_11(%arg0: i32) -> (i32, i32) {
    %c0_i32 = arith.constant 0 : i32
    %c0_i32_0 = arith.constant 0 : i32
    %c0_i32_1 = arith.constant 0 : i32
    return %c0_i32, %c0_i32_0 : i32, i32
  }
  func.func @transform_12(%arg0: i32) -> (i32, i32) {
    %c0_i32 = arith.constant 0 : i32
    %c0_i32_0 = arith.constant 0 : i32
    %c0_i32_1 = arith.constant 0 : i32
    return %c0_i32, %c0_i32_0 : i32, i32
  }
  func.func @transform_13(%arg0: i32) -> (i32, i32) {
    %c0_i32 = arith.constant 0 : i32
    %c0_i32_0 = arith.constant 0 : i32
    %c0_i32_1 = arith.constant 0 : i32
    return %c0_i32, %c0_i32_0 : i32, i32
  }
  func.func @transform_14(%arg0: i32) -> (i32, i32) {
    %c0_i32 = arith.constant 0 : i32
    %c0_i32_0 = arith.constant 0 : i32
    %c0_i32_1 = arith.constant 0 : i32
    return %c0_i32, %c0_i32_0 : i32, i32
  }
  func.func @transform_15(%arg0: i32) -> (i32, i32) {
    %c0_i32 = arith.constant 0 : i32
    %c0_i32_0 = arith.constant 0 : i32
    %c0_i32_1 = arith.constant 0 : i32
    return %c0_i32, %c0_i32_0 : i32, i32
  }
  func.func @transform_16(%arg0: i32) -> (i32, i32) {
    %c0_i32 = arith.constant 0 : i32
    %c0_i32_0 = arith.constant 0 : i32
    %c0_i32_1 = arith.constant 0 : i32
    return %c0_i32, %c0_i32_0 : i32, i32
  }
  func.func @transform_17(%arg0: i32) -> (i32, i32) {
    %c0_i32 = arith.constant 0 : i32
    %c0_i32_0 = arith.constant 0 : i32
    return %arg0, %c0_i32 : i32, i32
  }
}

module attributes {stable_mosaic.version = 14 : i64} {
  func.func @_attn_body(%arg0: i32, %arg1: memref<4096x128xi32, #tpu.memory_space<vmem>>, %arg2: memref<128x128xf32, #tpu.memory_space<vmem>>, %arg3: memref<128x128xf32, #tpu.memory_space<vmem>>, %arg4: memref<128x1xf32, #tpu.memory_space<vmem>>, %arg5: memref<128x32xf32, #tpu.memory_space<vmem>>, %arg6: memref<4096x16xf32, #tpu.memory_space<vmem>>, %arg7: memref<1x128xf32, #tpu.memory_space<vmem>>, %arg8: memref<16x128xf32, #tpu.memory_space<vmem>>, %arg9: memref<128x128xf32, #tpu.memory_space<vmem>>, %arg10: memref<16x128xf32, #tpu.memory_space<vmem>>, %arg11: memref<128x128xf32, #tpu.memory_space<vmem>>, %arg12: memref<128x128xf32, #tpu.memory_space<vmem>>, %arg13: memref<128x128xf32, #tpu.memory_space<vmem>>, %arg14: memref<128x8xf32, #tpu.memory_space<vmem>>, %arg15: memref<8x128xf32, #tpu.memory_space<vmem>>, %arg16: memref<128x4096xf32, #tpu.memory_space<vmem>>, %arg17: memref<4096x128xf32, #tpu.memory_space<vmem>>, %arg18: memref<128x128xf32, #tpu.memory_space<vmem>>) attributes {dimension_semantics = [#tpu.dimension_semantics<arbitrary>], iteration_bounds = array<i64: 32>, scalar_prefetch = 0 : i64, scratch_operands = 0 : i64, tpu.core_type = #tpu.core_type<tc>, window_params = [{transform_indices = @transform_0, window_bounds = array<i64: 4096, 128>}, {transform_indices = @transform_1, window_bounds = array<i64: 128, 128>}, {transform_indices = @transform_2, window_bounds = array<i64: 128, 128>}, {transform_indices = @transform_3, window_bounds = array<i64: 128, 1>}, {transform_indices = @transform_4, window_bounds = array<i64: 128, 32>}, {transform_indices = @transform_5, window_bounds = array<i64: 4096, 16>}, {pipeline_mode = #tpu.pipeline_mode<synchronous>, transform_indices = @transform_6, window_bounds = array<i64: 1, 128>}, {pipeline_mode = #tpu.pipeline_mode<synchronous>, transform_indices = @transform_7, window_bounds = array<i64: 16, 128>}, {pipeline_mode = #tpu.pipeline_mode<synchronous>, transform_indices = @transform_8, window_bounds = array<i64: 128, 128>}, {pipeline_mode = #tpu.pipeline_mode<synchronous>, transform_indices = @transform_9, window_bounds = array<i64: 16, 128>}, {pipeline_mode = #tpu.pipeline_mode<synchronous>, transform_indices = @transform_10, window_bounds = array<i64: 128, 128>}, {pipeline_mode = #tpu.pipeline_mode<synchronous>, transform_indices = @transform_11, window_bounds = array<i64: 128, 128>}, {pipeline_mode = #tpu.pipeline_mode<synchronous>, transform_indices = @transform_12, window_bounds = array<i64: 128, 128>}, {pipeline_mode = #tpu.pipeline_mode<synchronous>, transform_indices = @transform_13, window_bounds = array<i64: 128, 8>}, {pipeline_mode = #tpu.pipeline_mode<synchronous>, transform_indices = @transform_14, window_bounds = array<i64: 8, 128>}, {pipeline_mode = #tpu.pipeline_mode<synchronous>, transform_indices = @transform_15, window_bounds = array<i64: 128, 4096>}, {pipeline_mode = #tpu.pipeline_mode<synchronous>, transform_indices = @transform_16, window_bounds = array<i64: 4096, 128>}, {transform_indices = @transform_17, window_bounds = array<i64: 128, 128>}]} {
    %get3A = arith.constant 0 : index
    %get3A_0 = arith.constant 0 : index
    %get3A_1 = vector.load %arg1[%get3A, %get3A_0] : memref<4096x128xi32, #tpu.memory_space<vmem>>, vector<4096x128xi32>
    %and3A = arith.constant -65536 : i32
    %and3A_2 = vector.broadcast %and3A : i32 to vector<4096x128xi32>
    %and3A_3 = arith.andi %get3A_1, %and3A_2 : vector<4096x128xi32>
    %bitcast_convert_type3A = tpu.bitcast %and3A_3 : vector<4096x128xi32> -> vector<4096x128xf32>
    %shift_left3A = arith.constant 16 : i32
    %shift_left3A_4 = vector.broadcast %shift_left3A : i32 to vector<4096x128xi32>
    %shift_left3A_5 = arith.shli %get3A_1, %shift_left3A_4 : vector<4096x128xi32>
    %bitcast_convert_type3A_6 = tpu.bitcast %shift_left3A_5 : vector<4096x128xi32> -> vector<4096x128xf32>
    %get3A_7 = arith.constant 0 : index
    %get3A_8 = arith.constant 0 : index
    %get3A_9 = vector.load %arg4[%get3A_7, %get3A_8] : memref<128x1xf32, #tpu.memory_space<vmem>>, vector<128x1xf32>
    %get3A_10 = arith.constant 0 : index
    %get3A_11 = arith.constant 0 : index
    %get3A_12 = vector.load %arg5[%get3A_10, %get3A_11] : memref<128x32xf32, #tpu.memory_space<vmem>>, vector<128x32xf32>
    %sub3A = vector.broadcast %get3A_9 : vector<128x1xf32> to vector<128x32xf32>
    %sub3A_13 = arith.subf %sub3A, %get3A_12 : vector<128x32xf32>
    %broadcast_in_dim3A = vector.shape_cast %sub3A_13 : vector<128x32xf32> to vector<128x32x1xf32>
    %get3A_14 = arith.constant 0 : index
    %get3A_15 = arith.constant 0 : index
    %get3A_16 = vector.load %arg7[%get3A_14, %get3A_15] : memref<1x128xf32, #tpu.memory_space<vmem>>, vector<1x128xf32>
    %reshape3A = vector.shape_cast %get3A_16 : vector<1x128xf32> to vector<1x1x128xf32>
    %mul3A = vector.broadcast %broadcast_in_dim3A : vector<128x32x1xf32> to vector<128x32x128xf32>
    %mul3A_17 = vector.broadcast %reshape3A : vector<1x1x128xf32> to vector<128x32x128xf32>
    %mul3A_18 = arith.mulf %mul3A, %mul3A_17 : vector<128x32x128xf32>
    %mul3A_19 = arith.constant 0.159154937 : f32
    %mul3A_20 = vector.broadcast %mul3A_19 : f32 to vector<128x32x128xf32>
    %mul3A_21 = arith.mulf %mul3A_18, %mul3A_20 : vector<128x32x128xf32>
    %add3A = arith.constant 0x4B400000 : f32
    %add3A_22 = vector.broadcast %add3A : f32 to vector<128x32x128xf32>
    %add3A_23 = arith.addf %mul3A_21, %add3A_22 : vector<128x32x128xf32>
    %sub3A_24 = arith.constant 0x4B400000 : f32
    %sub3A_25 = vector.broadcast %sub3A_24 : f32 to vector<128x32x128xf32>
    %sub3A_26 = arith.subf %add3A_23, %sub3A_25 : vector<128x32x128xf32>
    %mul3A_27 = arith.constant 6.281250e+00 : f32
    %mul3A_28 = vector.broadcast %mul3A_27 : f32 to vector<128x32x128xf32>
    %mul3A_29 = arith.mulf %sub3A_26, %mul3A_28 : vector<128x32x128xf32>
    %sub3A_30 = arith.subf %mul3A_18, %mul3A_29 : vector<128x32x128xf32>
    %mul3A_31 = arith.constant 0.00193530717 : f32
    %mul3A_32 = vector.broadcast %mul3A_31 : f32 to vector<128x32x128xf32>
    %mul3A_33 = arith.mulf %sub3A_26, %mul3A_32 : vector<128x32x128xf32>
    %sub3A_34 = arith.subf %sub3A_30, %mul3A_33 : vector<128x32x128xf32>
    %mul3A_35 = arith.mulf %sub3A_34, %sub3A_34 : vector<128x32x128xf32>
    %mul3A_36 = arith.constant -2.21941292E-7 : f32
    %mul3A_37 = vector.broadcast %mul3A_36 : f32 to vector<128x32x128xf32>
    %mul3A_38 = arith.mulf %mul3A_37, %mul3A_35 : vector<128x32x128xf32>
    %add3A_39 = arith.constant 2.42532296E-5 : f32
    %add3A_40 = vector.broadcast %add3A_39 : f32 to vector<128x32x128xf32>
    %add3A_41 = arith.addf %mul3A_38, %add3A_40 : vector<128x32x128xf32>
    %mul3A_42 = arith.mulf %add3A_41, %mul3A_35 : vector<128x32x128xf32>
    %add3A_43 = arith.constant -0.00138627505 : f32
    %add3A_44 = vector.broadcast %add3A_43 : f32 to vector<128x32x128xf32>
    %add3A_45 = arith.addf %mul3A_42, %add3A_44 : vector<128x32x128xf32>
    %mul3A_46 = arith.mulf %add3A_45, %mul3A_35 : vector<128x32x128xf32>
    %add3A_47 = arith.constant 0.0416610353 : f32
    %add3A_48 = vector.broadcast %add3A_47 : f32 to vector<128x32x128xf32>
    %add3A_49 = arith.addf %mul3A_46, %add3A_48 : vector<128x32x128xf32>
    %mul3A_50 = arith.mulf %add3A_49, %mul3A_35 : vector<128x32x128xf32>
    %add3A_51 = arith.constant -0.499995589 : f32
    %add3A_52 = vector.broadcast %add3A_51 : f32 to vector<128x32x128xf32>
    %add3A_53 = arith.addf %mul3A_50, %add3A_52 : vector<128x32x128xf32>
    %mul3A_54 = arith.mulf %add3A_53, %mul3A_35 : vector<128x32x128xf32>
    %add3A_55 = arith.constant 0.999999463 : f32
    %add3A_56 = vector.broadcast %add3A_55 : f32 to vector<128x32x128xf32>
    %add3A_57 = arith.addf %mul3A_54, %add3A_56 : vector<128x32x128xf32>
    %reshape3A_58 = vector.shape_cast %add3A_57 : vector<128x32x128xf32> to vector<4096x128xf32>
    %get3A_59 = arith.constant 0 : index
    %get3A_60 = arith.constant 0 : index
    %get3A_61 = vector.load %arg6[%get3A_59, %get3A_60] : memref<4096x16xf32, #tpu.memory_space<vmem>>, vector<4096x16xf32>
    %get3A_62 = arith.constant 0 : index
    %get3A_63 = arith.constant 0 : index
    %get3A_64 = vector.load %arg9[%get3A_62, %get3A_63] : memref<128x128xf32, #tpu.memory_space<vmem>>, vector<128x128xf32>
    %dot_general3A = arith.constant dense<0.000000e+00> : vector<4096x128xf32>
    %dot_general3A_65 = tpu.matmul %reshape3A_58, %get3A_64, %dot_general3A {dimension_numbers = #tpu.dot_dimension_numbers<[1], [0], [0], [1], [0, 0, 1, 1], [], []>, transpose_lhs_hint = false} : vector<4096x128xf32>, vector<128x128xf32>, vector<4096x128xf32> -> vector<4096x128xf32>
    %add3A_66 = arith.addf %bitcast_convert_type3A, %dot_general3A_65 : vector<4096x128xf32>
    %get3A_67 = arith.constant 0 : index
    %get3A_68 = arith.constant 0 : index
    %get3A_69 = vector.load %arg8[%get3A_67, %get3A_68] : memref<16x128xf32, #tpu.memory_space<vmem>>, vector<16x128xf32>
    %dot_general3A_70 = arith.constant dense<0.000000e+00> : vector<4096x128xf32>
    %dot_general3A_71 = tpu.matmul %get3A_61, %get3A_69, %dot_general3A_70 {dimension_numbers = #tpu.dot_dimension_numbers<[1], [0], [0], [1], [0, 0, 1, 1], [], []>, transpose_lhs_hint = false} : vector<4096x16xf32>, vector<16x128xf32>, vector<4096x128xf32> -> vector<4096x128xf32>
    %add3A_72 = arith.addf %add3A_66, %dot_general3A_71 : vector<4096x128xf32>
    %get3A_73 = arith.constant 0 : index
    %get3A_74 = arith.constant 0 : index
    %get3A_75 = vector.load %arg11[%get3A_73, %get3A_74] : memref<128x128xf32, #tpu.memory_space<vmem>>, vector<128x128xf32>
    %dot_general3A_76 = arith.constant dense<0.000000e+00> : vector<4096x128xf32>
    %dot_general3A_77 = tpu.matmul %reshape3A_58, %get3A_75, %dot_general3A_76 {dimension_numbers = #tpu.dot_dimension_numbers<[1], [0], [0], [1], [0, 0, 1, 1], [], []>, transpose_lhs_hint = false} : vector<4096x128xf32>, vector<128x128xf32>, vector<4096x128xf32> -> vector<4096x128xf32>
    %add3A_78 = arith.addf %bitcast_convert_type3A_6, %dot_general3A_77 : vector<4096x128xf32>
    %get3A_79 = arith.constant 0 : index
    %get3A_80 = arith.constant 0 : index
    %get3A_81 = vector.load %arg10[%get3A_79, %get3A_80] : memref<16x128xf32, #tpu.memory_space<vmem>>, vector<16x128xf32>
    %dot_general3A_82 = arith.constant dense<0.000000e+00> : vector<4096x128xf32>
    %dot_general3A_83 = tpu.matmul %get3A_61, %get3A_81, %dot_general3A_82 {dimension_numbers = #tpu.dot_dimension_numbers<[1], [0], [0], [1], [0, 0, 1, 1], [], []>, transpose_lhs_hint = false} : vector<4096x16xf32>, vector<16x128xf32>, vector<4096x128xf32> -> vector<4096x128xf32>
    %add3A_84 = arith.addf %add3A_78, %dot_general3A_83 : vector<4096x128xf32>
    %get3A_85 = arith.constant 0 : index
    %get3A_86 = arith.constant 0 : index
    %get3A_87 = vector.load %arg2[%get3A_85, %get3A_86] : memref<128x128xf32, #tpu.memory_space<vmem>>, vector<128x128xf32>
    %reshape3A_88 = vector.shape_cast %add3A_72 : vector<4096x128xf32> to vector<128x32x128xf32>
    %broadcast_in_dim3A_89 = vector.shape_cast %get3A_87 : vector<128x128xf32> to vector<128x1x128xf32>
    %mul3A_90 = vector.broadcast %broadcast_in_dim3A_89 : vector<128x1x128xf32> to vector<128x32x128xf32>
    %mul3A_91 = arith.mulf %reshape3A_88, %mul3A_90 : vector<128x32x128xf32>
    %reshape3A_92 = vector.shape_cast %mul3A_91 : vector<128x32x128xf32> to vector<4096x128xf32>
    %get3A_93 = arith.constant 0 : index
    %get3A_94 = arith.constant 0 : index
    %get3A_95 = vector.load %arg14[%get3A_93, %get3A_94] : memref<128x8xf32, #tpu.memory_space<vmem>>, vector<128x8xf32>
    %dot_general3A_96 = arith.constant dense<0.000000e+00> : vector<4096x8xf32>
    %dot_general3A_97 = tpu.matmul %reshape3A_92, %get3A_95, %dot_general3A_96 {dimension_numbers = #tpu.dot_dimension_numbers<[1], [0], [0], [1], [0, 0, 1, 1], [], []>, transpose_lhs_hint = false} : vector<4096x128xf32>, vector<128x8xf32>, vector<4096x8xf32> -> vector<4096x8xf32>
    %jit3A = arith.constant -1.000000e+01 : f32
    %jit3A_98 = arith.constant 1.000000e+01 : f32
    %max3A = vector.broadcast %jit3A : f32 to vector<4096x8xf32>
    %max3A_99 = arith.maximumf %max3A, %dot_general3A_97 : vector<4096x8xf32>
    %min3A = vector.broadcast %jit3A_98 : f32 to vector<4096x8xf32>
    %min3A_100 = arith.minimumf %min3A, %max3A_99 : vector<4096x8xf32>
    %exp3A = math.exp %min3A_100 : vector<4096x8xf32>
    %get3A_101 = arith.constant 0 : index
    %get3A_102 = arith.constant 0 : index
    %get3A_103 = vector.load %arg16[%get3A_101, %get3A_102] : memref<128x4096xf32, #tpu.memory_space<vmem>>, vector<128x4096xf32>
    %dot_general3A_104 = arith.constant dense<0.000000e+00> : vector<128x8xf32>
    %dot_general3A_105 = tpu.matmul %get3A_103, %exp3A, %dot_general3A_104 {dimension_numbers = #tpu.dot_dimension_numbers<[1], [0], [0], [1], [0, 0, 1, 1], [], []>, transpose_lhs_hint = false} : vector<128x4096xf32>, vector<4096x8xf32>, vector<128x8xf32> -> vector<128x8xf32>
    %get3A_106 = arith.constant 0 : index
    %get3A_107 = arith.constant 0 : index
    %get3A_108 = vector.load %arg17[%get3A_106, %get3A_107] : memref<4096x128xf32, #tpu.memory_space<vmem>>, vector<4096x128xf32>
    %div3A = arith.constant 1.000000e+00 : f32
    %div3A_109 = vector.broadcast %div3A : f32 to vector<128x8xf32>
    %div3A_110 = arith.divf %div3A_109, %dot_general3A_105 : vector<128x8xf32>
    %dot_general3A_111 = arith.constant dense<0.000000e+00> : vector<4096x8xf32>
    %dot_general3A_112 = tpu.matmul %get3A_108, %div3A_110, %dot_general3A_111 {dimension_numbers = #tpu.dot_dimension_numbers<[1], [0], [0], [1], [0, 0, 1, 1], [], []>, transpose_lhs_hint = false} : vector<4096x128xf32>, vector<128x8xf32>, vector<4096x8xf32> -> vector<4096x8xf32>
    %mul3A_113 = arith.mulf %exp3A, %dot_general3A_112 : vector<4096x8xf32>
    %get3A_114 = arith.constant 0 : index
    %get3A_115 = arith.constant 0 : index
    %get3A_116 = vector.load %arg15[%get3A_114, %get3A_115] : memref<8x128xf32, #tpu.memory_space<vmem>>, vector<8x128xf32>
    %dot_general3A_117 = arith.constant dense<0.000000e+00> : vector<4096x128xf32>
    %dot_general3A_118 = tpu.matmul %mul3A_113, %get3A_116, %dot_general3A_117 {dimension_numbers = #tpu.dot_dimension_numbers<[1], [0], [0], [1], [0, 0, 1, 1], [], []>, transpose_lhs_hint = false} : vector<4096x8xf32>, vector<8x128xf32>, vector<4096x128xf32> -> vector<4096x128xf32>
    %mul3A_119 = arith.mulf %dot_general3A_118, %add3A_84 : vector<4096x128xf32>
    %reshape3A_120 = vector.shape_cast %mul3A_119 : vector<4096x128xf32> to vector<128x32x128xf32>
    %reduce_sum3A = arith.constant dense<0.000000e+00> : vector<128x128xf32>
    %reduce_sum3A_121 = vector.multi_reduction <add>, %reshape3A_120, %reduce_sum3A [1] : vector<128x32x128xf32> to vector<128x128xf32>
    %get3A_122 = arith.constant 0 : index
    %get3A_123 = arith.constant 0 : index
    %get3A_124 = vector.load %arg3[%get3A_122, %get3A_123] : memref<128x128xf32, #tpu.memory_space<vmem>>, vector<128x128xf32>
    %get3A_125 = arith.constant 0 : index
    %get3A_126 = arith.constant 0 : index
    %get3A_127 = vector.load %arg12[%get3A_125, %get3A_126] : memref<128x128xf32, #tpu.memory_space<vmem>>, vector<128x128xf32>
    %dot_general3A_128 = arith.constant dense<0.000000e+00> : vector<128x128xf32>
    %dot_general3A_129 = tpu.matmul %get3A_124, %get3A_127, %dot_general3A_128 {dimension_numbers = #tpu.dot_dimension_numbers<[1], [0], [0], [1], [0, 0, 1, 1], [], []>, transpose_lhs_hint = false} : vector<128x128xf32>, vector<128x128xf32>, vector<128x128xf32> -> vector<128x128xf32>
    %get3A_130 = arith.constant 0 : index
    %get3A_131 = arith.constant 0 : index
    %get3A_132 = vector.load %arg13[%get3A_130, %get3A_131] : memref<128x128xf32, #tpu.memory_space<vmem>>, vector<128x128xf32>
    %dot_general3A_133 = arith.constant dense<0.000000e+00> : vector<128x128xf32>
    %dot_general3A_134 = tpu.matmul %reduce_sum3A_121, %get3A_132, %dot_general3A_133 {dimension_numbers = #tpu.dot_dimension_numbers<[1], [0], [0], [1], [0, 0, 1, 1], [], []>, transpose_lhs_hint = false} : vector<128x128xf32>, vector<128x128xf32>, vector<128x128xf32> -> vector<128x128xf32>
    %add3A_135 = arith.addf %dot_general3A_129, %dot_general3A_134 : vector<128x128xf32>
    %max3A_136 = arith.constant 0.000000e+00 : f32
    %max3A_137 = vector.broadcast %max3A_136 : f32 to vector<128x128xf32>
    %max3A_138 = arith.maximumf %add3A_135, %max3A_137 : vector<128x128xf32>
    %swap3A = arith.constant 0 : index
    %swap3A_139 = arith.constant 0 : index
    %swap3A_140 = vector.load %arg18[%swap3A, %swap3A_139] : memref<128x128xf32, #tpu.memory_space<vmem>>, vector<128x128xf32>
    tpu.vector_store %arg18[%swap3A, %swap3A_139], %max3A_138 {strides = array<i32>} : memref<128x128xf32, #tpu.memory_space<vmem>>, vector<128x128xf32>,
    return
  }
  func.func @transform_0(%arg0: i32) -> (i32, i32) {
    %c0_i32 = arith.constant 0 : i32
    %c0_i32_0 = arith.constant 0 : i32
    return %arg0, %c0_i32 : i32, i32
  }
  func.func @transform_1(%arg0: i32) -> (i32, i32) {
    %c0_i32 = arith.constant 0 : i32
    %c0_i32_0 = arith.constant 0 : i32
    return %arg0, %c0_i32 : i32, i32
  }
  func.func @transform_2(%arg0: i32) -> (i32, i32) {
    %c0_i32 = arith.constant 0 : i32
    %c0_i32_0 = arith.constant 0 : i32
    return %arg0, %c0_i32 : i32, i32
  }
  func.func @transform_3(%arg0: i32) -> (i32, i32) {
    %add3A = arith.constant 0 : i32
    %add3A_0 = arith.addi %add3A, %arg0 : i32
    %c0_i32 = arith.constant 0 : i32
    %c0_i32_1 = arith.constant 0 : i32
    return %add3A_0, %c0_i32 : i32, i32
  }
  func.func @transform_4(%arg0: i32) -> (i32, i32) {
    %add3A = arith.constant 0 : i32
    %add3A_0 = arith.addi %add3A, %arg0 : i32
    %c0_i32 = arith.constant 0 : i32
    %c0_i32_1 = arith.constant 0 : i32
    return %add3A_0, %c0_i32 : i32, i32
  }
  func.func @transform_5(%arg0: i32) -> (i32, i32) {
    %add3A = arith.constant 0 : i32
    %add3A_0 = arith.addi %add3A, %arg0 : i32
    %c0_i32 = arith.constant 0 : i32
    %c0_i32_1 = arith.constant 0 : i32
    return %add3A_0, %c0_i32 : i32, i32
  }
  func.func @transform_6(%arg0: i32) -> (i32, i32) {
    %c0_i32 = arith.constant 0 : i32
    %c0_i32_0 = arith.constant 0 : i32
    %c0_i32_1 = arith.constant 0 : i32
    return %c0_i32, %c0_i32_0 : i32, i32
  }
  func.func @transform_7(%arg0: i32) -> (i32, i32) {
    %c0_i32 = arith.constant 0 : i32
    %c0_i32_0 = arith.constant 0 : i32
    %c0_i32_1 = arith.constant 0 : i32
    return %c0_i32, %c0_i32_0 : i32, i32
  }
  func.func @transform_8(%arg0: i32) -> (i32, i32) {
    %c0_i32 = arith.constant 0 : i32
    %c0_i32_0 = arith.constant 0 : i32
    %c0_i32_1 = arith.constant 0 : i32
    return %c0_i32, %c0_i32_0 : i32, i32
  }
  func.func @transform_9(%arg0: i32) -> (i32, i32) {
    %c0_i32 = arith.constant 0 : i32
    %c0_i32_0 = arith.constant 0 : i32
    %c0_i32_1 = arith.constant 0 : i32
    return %c0_i32, %c0_i32_0 : i32, i32
  }
  func.func @transform_10(%arg0: i32) -> (i32, i32) {
    %c0_i32 = arith.constant 0 : i32
    %c0_i32_0 = arith.constant 0 : i32
    %c0_i32_1 = arith.constant 0 : i32
    return %c0_i32, %c0_i32_0 : i32, i32
  }
  func.func @transform_11(%arg0: i32) -> (i32, i32) {
    %c0_i32 = arith.constant 0 : i32
    %c0_i32_0 = arith.constant 0 : i32
    %c0_i32_1 = arith.constant 0 : i32
    return %c0_i32, %c0_i32_0 : i32, i32
  }
  func.func @transform_12(%arg0: i32) -> (i32, i32) {
    %c0_i32 = arith.constant 0 : i32
    %c0_i32_0 = arith.constant 0 : i32
    %c0_i32_1 = arith.constant 0 : i32
    return %c0_i32, %c0_i32_0 : i32, i32
  }
  func.func @transform_13(%arg0: i32) -> (i32, i32) {
    %c0_i32 = arith.constant 0 : i32
    %c0_i32_0 = arith.constant 0 : i32
    %c0_i32_1 = arith.constant 0 : i32
    return %c0_i32, %c0_i32_0 : i32, i32
  }
  func.func @transform_14(%arg0: i32) -> (i32, i32) {
    %c0_i32 = arith.constant 0 : i32
    %c0_i32_0 = arith.constant 0 : i32
    %c0_i32_1 = arith.constant 0 : i32
    return %c0_i32, %c0_i32_0 : i32, i32
  }
  func.func @transform_15(%arg0: i32) -> (i32, i32) {
    %c0_i32 = arith.constant 0 : i32
    %c0_i32_0 = arith.constant 0 : i32
    %c0_i32_1 = arith.constant 0 : i32
    return %c0_i32, %c0_i32_0 : i32, i32
  }
  func.func @transform_16(%arg0: i32) -> (i32, i32) {
    %c0_i32 = arith.constant 0 : i32
    %c0_i32_0 = arith.constant 0 : i32
    %c0_i32_1 = arith.constant 0 : i32
    return %c0_i32, %c0_i32_0 : i32, i32
  }
  func.func @transform_17(%arg0: i32) -> (i32, i32) {
    %c0_i32 = arith.constant 0 : i32
    %c0_i32_0 = arith.constant 0 : i32
    return %arg0, %c0_i32 : i32, i32
  }
}

module attributes {stable_mosaic.version = 14 : i64} {
  func.func @_pred_body(%arg0: i32, %arg1: memref<512x128xf32, #tpu.memory_space<vmem>>, %arg2: memref<512x128xf32, #tpu.memory_space<vmem>>, %arg3: memref<512x128xf32, #tpu.memory_space<vmem>>, %arg4: memref<128x128xf32, #tpu.memory_space<vmem>>, %arg5: memref<128x128xf32, #tpu.memory_space<vmem>>, %arg6: memref<128x8xf32, #tpu.memory_space<vmem>>, %arg7: memref<512x8xf32, #tpu.memory_space<vmem>>, %arg8: memref<512x8xf32, #tpu.memory_space<vmem>>) attributes {dimension_semantics = [#tpu.dimension_semantics<arbitrary>], iteration_bounds = array<i64: 8>, scalar_prefetch = 0 : i64, scratch_operands = 0 : i64, tpu.core_type = #tpu.core_type<tc>, window_params = [{transform_indices = @transform_0, window_bounds = array<i64: 512, 128>}, {transform_indices = @transform_1, window_bounds = array<i64: 512, 128>}, {transform_indices = @transform_2, window_bounds = array<i64: 512, 128>}, {pipeline_mode = #tpu.pipeline_mode<synchronous>, transform_indices = @transform_3, window_bounds = array<i64: 128, 128>}, {pipeline_mode = #tpu.pipeline_mode<synchronous>, transform_indices = @transform_4, window_bounds = array<i64: 128, 128>}, {pipeline_mode = #tpu.pipeline_mode<synchronous>, transform_indices = @transform_5, window_bounds = array<i64: 128, 8>}, {transform_indices = @transform_6, window_bounds = array<i64: 512, 8>}, {transform_indices = @transform_7, window_bounds = array<i64: 512, 8>}]} {
    %get3A = arith.constant 0 : index
    %get3A_0 = arith.constant 0 : index
    %get3A_1 = vector.load %arg1[%get3A, %get3A_0] : memref<512x128xf32, #tpu.memory_space<vmem>>, vector<512x128xf32>
    %get3A_2 = arith.constant 0 : index
    %get3A_3 = arith.constant 0 : index
    %get3A_4 = vector.load %arg4[%get3A_2, %get3A_3] : memref<128x128xf32, #tpu.memory_space<vmem>>, vector<128x128xf32>
    %dot_general3A = arith.constant dense<0.000000e+00> : vector<512x128xf32>
    %dot_general3A_5 = tpu.matmul %get3A_1, %get3A_4, %dot_general3A {dimension_numbers = #tpu.dot_dimension_numbers<[1], [0], [0], [1], [0, 0, 1, 1], [], []>, transpose_lhs_hint = false} : vector<512x128xf32>, vector<128x128xf32>, vector<512x128xf32> -> vector<512x128xf32>
    %get3A_6 = arith.constant 0 : index
    %get3A_7 = arith.constant 0 : index
    %get3A_8 = vector.load %arg2[%get3A_6, %get3A_7] : memref<512x128xf32, #tpu.memory_space<vmem>>, vector<512x128xf32>
    %get3A_9 = arith.constant 0 : index
    %get3A_10 = arith.constant 0 : index
    %get3A_11 = vector.load %arg5[%get3A_9, %get3A_10] : memref<128x128xf32, #tpu.memory_space<vmem>>, vector<128x128xf32>
    %dot_general3A_12 = arith.constant dense<0.000000e+00> : vector<512x128xf32>
    %dot_general3A_13 = tpu.matmul %get3A_8, %get3A_11, %dot_general3A_12 {dimension_numbers = #tpu.dot_dimension_numbers<[1], [0], [0], [1], [0, 0, 1, 1], [], []>, transpose_lhs_hint = false} : vector<512x128xf32>, vector<128x128xf32>, vector<512x128xf32> -> vector<512x128xf32>
    %get3A_14 = arith.constant 0 : index
    %get3A_15 = arith.constant 0 : index
    %get3A_16 = vector.load %arg3[%get3A_14, %get3A_15] : memref<512x128xf32, #tpu.memory_space<vmem>>, vector<512x128xf32>
    %get3A_17 = arith.constant 0 : index
    %get3A_18 = arith.constant 0 : index
    %get3A_19 = vector.load %arg5[%get3A_17, %get3A_18] : memref<128x128xf32, #tpu.memory_space<vmem>>, vector<128x128xf32>
    %dot_general3A_20 = arith.constant dense<0.000000e+00> : vector<512x128xf32>
    %dot_general3A_21 = tpu.matmul %get3A_16, %get3A_19, %dot_general3A_20 {dimension_numbers = #tpu.dot_dimension_numbers<[1], [0], [0], [1], [0, 0, 1, 1], [], []>, transpose_lhs_hint = false} : vector<512x128xf32>, vector<128x128xf32>, vector<512x128xf32> -> vector<512x128xf32>
    %add3A = arith.addf %dot_general3A_5, %dot_general3A_13 : vector<512x128xf32>
    %max3A = arith.constant 0.000000e+00 : f32
    %max3A_22 = vector.broadcast %max3A : f32 to vector<512x128xf32>
    %max3A_23 = arith.maximumf %add3A, %max3A_22 : vector<512x128xf32>
    %get3A_24 = arith.constant 0 : index
    %get3A_25 = arith.constant 0 : index
    %get3A_26 = vector.load %arg6[%get3A_24, %get3A_25] : memref<128x8xf32, #tpu.memory_space<vmem>>, vector<128x8xf32>
    %dot_general3A_27 = arith.constant dense<0.000000e+00> : vector<512x8xf32>
    %dot_general3A_28 = tpu.matmul %max3A_23, %get3A_26, %dot_general3A_27 {dimension_numbers = #tpu.dot_dimension_numbers<[1], [0], [0], [1], [0, 0, 1, 1], [], []>, transpose_lhs_hint = false} : vector<512x128xf32>, vector<128x8xf32>, vector<512x8xf32> -> vector<512x8xf32>
    %swap3A = arith.constant 0 : index
    %swap3A_29 = arith.constant 0 : index
    %swap3A_30 = vector.load %arg7[%swap3A, %swap3A_29] : memref<512x8xf32, #tpu.memory_space<vmem>>, vector<512x8xf32>
    tpu.vector_store %arg7[%swap3A, %swap3A_29], %dot_general3A_28 {strides = array<i32>} : memref<512x8xf32, #tpu.memory_space<vmem>>, vector<512x8xf32>,
    %add3A_31 = arith.addf %dot_general3A_5, %dot_general3A_21 : vector<512x128xf32>
    %max3A_32 = arith.constant 0.000000e+00 : f32
    %max3A_33 = vector.broadcast %max3A_32 : f32 to vector<512x128xf32>
    %max3A_34 = arith.maximumf %add3A_31, %max3A_33 : vector<512x128xf32>
    %get3A_35 = arith.constant 0 : index
    %get3A_36 = arith.constant 0 : index
    %get3A_37 = vector.load %arg6[%get3A_35, %get3A_36] : memref<128x8xf32, #tpu.memory_space<vmem>>, vector<128x8xf32>
    %dot_general3A_38 = arith.constant dense<0.000000e+00> : vector<512x8xf32>
    %dot_general3A_39 = tpu.matmul %max3A_34, %get3A_37, %dot_general3A_38 {dimension_numbers = #tpu.dot_dimension_numbers<[1], [0], [0], [1], [0, 0, 1, 1], [], []>, transpose_lhs_hint = false} : vector<512x128xf32>, vector<128x8xf32>, vector<512x8xf32> -> vector<512x8xf32>
    %swap3A_40 = arith.constant 0 : index
    %swap3A_41 = arith.constant 0 : index
    %swap3A_42 = vector.load %arg8[%swap3A_40, %swap3A_41] : memref<512x8xf32, #tpu.memory_space<vmem>>, vector<512x8xf32>
    tpu.vector_store %arg8[%swap3A_40, %swap3A_41], %dot_general3A_39 {strides = array<i32>} : memref<512x8xf32, #tpu.memory_space<vmem>>, vector<512x8xf32>,
    return
  }
  func.func @transform_0(%arg0: i32) -> (i32, i32) {
    %c0_i32 = arith.constant 0 : i32
    %c0_i32_0 = arith.constant 0 : i32
    return %arg0, %c0_i32 : i32, i32
  }
  func.func @transform_1(%arg0: i32) -> (i32, i32) {
    %c0_i32 = arith.constant 0 : i32
    %c0_i32_0 = arith.constant 0 : i32
    return %arg0, %c0_i32 : i32, i32
  }
  func.func @transform_2(%arg0: i32) -> (i32, i32) {
    %c0_i32 = arith.constant 0 : i32
    %c0_i32_0 = arith.constant 0 : i32
    return %arg0, %c0_i32 : i32, i32
  }
  func.func @transform_3(%arg0: i32) -> (i32, i32) {
    %c0_i32 = arith.constant 0 : i32
    %c0_i32_0 = arith.constant 0 : i32
    %c0_i32_1 = arith.constant 0 : i32
    return %c0_i32, %c0_i32_0 : i32, i32
  }
  func.func @transform_4(%arg0: i32) -> (i32, i32) {
    %c0_i32 = arith.constant 0 : i32
    %c0_i32_0 = arith.constant 0 : i32
    %c0_i32_1 = arith.constant 0 : i32
    return %c0_i32, %c0_i32_0 : i32, i32
  }
  func.func @transform_5(%arg0: i32) -> (i32, i32) {
    %c0_i32 = arith.constant 0 : i32
    %c0_i32_0 = arith.constant 0 : i32
    %c0_i32_1 = arith.constant 0 : i32
    return %c0_i32, %c0_i32_0 : i32, i32
  }
  func.func @transform_6(%arg0: i32) -> (i32, i32) {
    %c0_i32 = arith.constant 0 : i32
    %c0_i32_0 = arith.constant 0 : i32
    return %arg0, %c0_i32 : i32, i32
  }
  func.func @transform_7(%arg0: i32) -> (i32, i32) {
    %c0_i32 = arith.constant 0 : i32
    %c0_i32_0 = arith.constant 0 : i32
    return %arg0, %c0_i32 : i32, i32
  }
}

</mosaic_0001>

<sc_bundles>
// kernel: kernel.10.cloned.1.call-start
scs
__scs_entry_jumppad:
0x0: {  	(pc) =	sbr.rel $0x88, $3  }
0x1: {  	(tag) =	ssettag $0x0;
	lr =	simm.s32 $0x1  }
0x2: {  	[smem:$0x3F93] =	sst lr;
	_ =	strace $0xD0000000  }
0x3: {  	_ = 	snop  }
0x4: {  	_ = 	snop  }
0x5: {  	_ = 	snop  }
0x6: {  	_ = 	snop  }
0x7: {  	_ = 	snop  }
__scs_overlays_trampoline_lowered:
0x8: {  	[smem:$0x3FA2] =	sst s0  }
0x9: {  	[smem:$0x3FA3] =	sst s1  }
0xa: {  	[smem:$0x3FA4] =	sst s2  }
0xb: {  	[smem:$0x3FA5] =	sst s3  }
0xc: {  	[smem:$0x3FA6] =	sst s4  }
0xd: {  	[smem:$0x3FA7] =	sst s5  }
0xe: {  	[smem:$0x3FA8] =	sst s6  }
0xf: {  	[smem:$0x3FA9] =	sst s7  }
0x10: {  	[smem:$0x3FAA] =	sst s8  }
0x11: {  	[smem:$0x3FAB] =	sst s9;
	s0 =	simm.s32 @!p0 $0x0  }
0x12: {  	s1 =	sld [smem:$0x3F91];
	s0 =	simm.s32 @p0 $0x1  }
0x13: {  	[smem:$0x3FAC] =	sst s0;
	s0 =	simm.s32 @!p1 $0x0  }
0x14: {  	s2 =	sld [smem:$0x3F90];
	s0 =	simm.s32 @p1 $0x1  }
0x15: {  	[smem:$0x3FAD] =	sst s0;
	s0 =	simm.s32 @!p2 $0x0  }
0x16: {  	s3 =	sld [smem:$0x3FDB];
	s0 =	simm.s32 @p2 $0x1  }
0x17: {  	s4 =	simm.s32 $0x1BF5;
	[smem:$0x3FAF] =	sst s0  }
0x18: {  	s0 =	sld [smem:$0x3F92];
	_ =	swait.ge [sflag:s4], $0x0  }
0x19: {  	s7 =	sld [smem:$0x3F93]  }
0x1a: {  	s8 =	sadd.s32 $0xFFFFE003, lr  }
0x1b: {  	s9 =	sadd.s32 $0xFFFFFEF7, lr;
	s5 =	simm.s32 $0xFFFFFFFF;
	p2 =	slt.u32 s8, $0xFFFFF086  }
0x1c: {  	p1 =	slt.u32 s9, $0xF7A;
	s5 =	simm.s32 @!p2 $0x0  }
0x1d: {  	s5 =	simm.s32 @p1 $0x1;
	p0 =	seq.s32 s7, s2  }
0x1e: {  	s7 =	smul.u32 @!p0 $0xF7A, s2;
	p2 =	seq.s32 @!p0 s5, $0x0  }
0x1f: {  	s9 =	smul.u32 $0xF7A, s1;
	s8 =	simm.s32 @!p0 $0x1BF5;
	p2 =	por !p2, p0  }
0x20: {  	[sflag:s8] =	ssyncset.s32 @!p0 $0xFFFFF086;
	s6 =	sadd.s32 @!p0 s3, s7;
	s7 =	simm.s32 @!p0 $0x108  }
0x21: {  	s3 =	sadd.s32 s3, s9;
	s6 =	sadd.s32 @!p0 $0x88, s6;
	s7 =	simm.s32 @p2 $0x1082  }
0x22: {  	[simem:s7], [sflag:s8] =	dma.local @!p0 [hbm:s6], $0xF7A  }
0x23: {  	s9 =	sor.u32 $0xD0000000, s2;
	s6 =	simm.s32 $0x108;
	_ =	swait.ge @!p0 [sflag:s8], $0x0  }
0x24: {  	s3 =	sadd.s32 $0x88, s3;
	s6 =	simm.s32 @!p1 $0x1082;
	[sflag:s4] =	ssyncset.s32 $0xFFFFF086  }
0x25: {  	[simem:s6], [sflag:s4] =	dma.local [hbm:s3], $0xF7A  }
0x26: {  	[smem:$0x3F93] =	sst s1;
	(tag) =	ssettag s2;
	_ =	strace s9  }
0x27: {  	s1 =	sld [smem:$0x3FA3]  }
0x28: {  	s2 =	sld [smem:$0x3FA4]  }
0x29: {  	s4 =	sld [smem:$0x3FA6]  }
0x2a: {  	p0 =	seq.s32 s5, $0x0;
	s5 =	sld [smem:$0x3FA7]  }
0x2b: {  	s6 =	sld [smem:$0x3FA8]  }
0x2c: {  	s7 =	sld [smem:$0x3FA9]  }
0x2d: {  	s3 =	simm.s32 $0x108;
	s8 =	sld [smem:$0x3FAA]  }
0x2e: {  	s3 =	simm.s32 @!p0 $0x1082;
	s9 =	sld [smem:$0x3FAB]  }
0x2f: {  	lr =	sadd.s32 s0, s3;
	s0 =	sld [smem:$0x3FA2]  }
0x30: {  	s3 =	sld [smem:$0x3FA5]  }
0x31: {  	[smem:$0x3FAE] =	sst s10  }
0x32: {  	s10 =	sld [smem:$0x3FAC];
	_ =	sdelay $0x3  }
0x33: {  	p0 =	seq.s32 s10, $0x1;
	s10 =	sld [smem:$0x3FAE];
	_ =	sdelay $0x3  }
0x34: {  	[smem:$0x3FAE] =	sst s10  }
0x35: {  	s10 =	sld [smem:$0x3FAD];
	_ =	sdelay $0x3  }
0x36: {  	p1 =	seq.s32 s10, $0x1;
	s10 =	sld [smem:$0x3FAE];
	_ =	sdelay $0x3  }
0x37: {  	[smem:$0x3FAE] =	sst s10  }
0x38: {  	s10 =	sld [smem:$0x3FAF]  }
0x39: {  	_ = 	snop;
	(pc) =	sbr.ind lr, $3  }
0x3a: {  	_ = 	snop  }
0x3b: {  	_ = 	snop  }
0x3c: {  	p2 =	seq.s32 s10, $0x1;
	s10 =	sld [smem:$0x3FAE]  }
0x3d: {  	_ =	shalt  }
0x3e: {  	_ =	shalt  }
0x3f: {  	_ =	shalt  }
0x40: {  	_ =	shalt  }
0x41: {  	_ =	shalt  }
0x42: {  	_ =	shalt  }
0x43: {  	_ =	shalt  }
0x44: {  	_ =	shalt  }
0x45: {  	_ =	shalt  }
0x46: {  	_ =	shalt  }
0x47: {  	_ =	shalt  }
0x48: {  	_ =	shalt  }
0x49: {  	_ =	shalt  }
0x4a: {  	_ =	shalt  }
0x4b: {  	_ =	shalt  }
0x4c: {  	_ =	shalt  }
0x4d: {  	_ =	shalt  }
0x4e: {  	_ =	shalt  }
0x4f: {  	_ =	shalt  }
0x50: {  	_ =	shalt  }
0x51: {  	_ =	shalt  }
0x52: {  	_ =	shalt  }
0x53: {  	_ =	shalt  }
0x54: {  	_ =	shalt  }
0x55: {  	_ =	shalt  }
0x56: {  	_ =	shalt  }
0x57: {  	_ =	shalt  }
0x58: {  	_ =	shalt  }
0x59: {  	_ =	shalt  }
0x5a: {  	_ =	shalt  }
0x5b: {  	_ =	shalt  }
0x5c: {  	_ =	shalt  }
0x5d: {  	_ =	shalt  }
0x5e: {  	_ =	shalt  }
0x5f: {  	_ =	shalt  }
0x60: {  	_ =	shalt  }
0x61: {  	_ =	shalt  }
0x62: {  	_ =	shalt  }
0x63: {  	_ =	shalt  }
0x64: {  	_ =	shalt  }
0x65: {  	_ =	shalt  }
0x66: {  	_ =	shalt  }
0x67: {  	_ =	shalt  }
0x68: {  	_ =	shalt  }
0x69: {  	_ =	shalt  }
0x6a: {  	_ =	shalt  }
0x6b: {  	_ =	shalt  }
0x6c: {  	_ =	shalt  }
0x6d: {  	_ =	shalt  }
0x6e: {  	_ =	shalt  }
0x6f: {  	_ =	shalt  }
0x70: {  	_ =	shalt  }
0x71: {  	_ =	shalt  }
0x72: {  	_ =	shalt  }
0x73: {  	_ =	shalt  }
0x74: {  	_ =	shalt  }
0x75: {  	_ =	shalt  }
0x76: {  	_ =	shalt  }
0x77: {  	_ =	shalt  }
0x78: {  	_ =	shalt  }
0x79: {  	_ =	shalt  }
0x7a: {  	_ =	shalt  }
0x7b: {  	_ =	shalt  }
0x7c: {  	_ =	shalt  }
0x7d: {  	_ =	shalt  }
0x7e: {  	_ =	shalt  }
0x7f: {  	_ =	shalt  }
0x80: {  	_ =	shalt  }
0x81: {  	_ =	shalt  }
0x82: {  	_ =	shalt  }
0x83: {  	_ =	shalt  }
0x84: {  	_ =	shalt  }
0x85: {  	_ =	shalt  }
0x86: {  	_ =	shalt  }
0x87: {  	_ =	shalt  }
.Lfunc_end0:
.L_simem_size_0:
called_computation_lowered:
.L_overlay_start_0:
0x88: {  	s2 =	sld [smem:$0x3FD9]  }
0x89: {  	s3 =	sld [smem:$0x3FFE];
	_ =	sdelay $0x1  }
0x8a: {  	s1 =	srdreg.scid  }
0x8b: {  	s0 =	sand.u32 $0x1, s1  }
0x8c: {  	s17 =	sshll.u32 s0, $0xA;
	s2 =	sadd.s32 s3, s2  }
0x8d: {  	s2 =	sadd.s32 s2, s17  }
0x8e: {  	[smem:$0x3FBA] =	sst s2  }
0x8f: {  	_ = 	snop  }
0x90: {  	s18 =	sld [smem:$0x3FC9]  }
0x91: {  	s4 =	sld [smem:$0x3FC7];
	(tm) =	ssettm $0x1  }
0x92: {  	s19 =	sld [smem:$0x3FFB];
	_ =	sdelay $0x3  }
0x93: {  	_ =	strace s19  }
0x94: {  	s2 =	sld [smem:$0x3FFC];
	_ =	sdelay $0x3  }
0x95: {  	_ =	strace s2  }
0x96: {  	s2 =	sld [smem:$0x3FFD];
	_ =	sdelay $0x3  }
0x97: {  	_ =	strace s2  }
0x98: {  	_ =	strace $0x8FFFFFFF  }
0x99: {  	s20 =	sld [smem:$0x3FDB];
	_ =	sdelay $0x1  }
0x9a: {  	s5 =	simm.s32 $_scs_section_size  }
0x9b: {  	s6 =	simm.s32 $_size__tile_overlayer_lowered;
	s7 =	simm.s32 $_tile_overlayer_lowered  }
0x9c: {  	s8 =	simm.s32 $0x1BFF;
	s21 =	sshll.u32 s7, $0x1;
	s5 =	sadd.s32 s5, s20  }
0x9d: {  	s22 =	simm.s32 $0x0;
	s6 =	sshll.u32 s6, $0x1;
	s7 =	sadd.s32 s21, s5  }
0x9e: {  	[timem:s22], [sflag:s8] =	dma.local [hbm:s7], s6  }
0x9f: {  	_ =	swait.ge [sflag:s8], s6  }
0xa0: {  	s6 =	ssub.s32 $0x0, s6;
	[sflag:s8] =	ssyncset.done $0x0  }
0xa1: {  	[sflag:s8] =	ssyncadd.s32 s6;
	_ =	sdelay $0x1  }
0xa2: {  	s23 =	simm.s32 $0x1B8B  }
0xa3: {  	_ =	swait.ge [sflag:s23], $0x1  }
0xa4: {  	[sflag:s23] =	ssyncset.done $0x0  }
0xa5: {  	[sflag:s23] =	ssyncadd.s32 $0xFFFFFFFF  }
0xa6: {  	s6 =	sld [smem:$0x0]  }
0xa7: {  	s7 =	sand.u32 $0xFFFFFFFE, s1  }
0xa8: {  	p0 =	sne.s32 s1, s7  }
0xa9: {  	s7 =	sshll.u32 @p0 s7, $0xE  }
0xaa: {  	s7 =	sadd.s32 @p0 $0x11B8D, s7;
	s8 =	sshll.u32 @p0 s6, $0x11  }
0xab: {  	s7 =	sor.u32 @p0 s8, s7  }
0xac: {  	[sflag:s7] =	ssyncadd.remote.s32 @p0 $0x1;
	_ =	sdelay $0x1  }
0xad: {  	s7 =	simm.s32 @p0 $0x1B8D  }
0xae: {  	_ =	swait.eq @p0 [sflag:s7], $0x1  }
0xaf: {  	[sflag:s7] =	ssyncadd.s32 @p0 $0xFFFFFFFF  }
0xb0: {  	s8 =	sshll.u32 @!p0 s1, $0xE  }
0xb1: {  	s8 =	sor.u32 @!p0 $0x4000, s8;
	s7 =	simm.s32 @!p0 $0x1B8D  }
0xb2: {  	s6 =	sshll.u32 @!p0 s6, $0x11;
	s8 =	sadd.s32 @!p0 $0x11B8D, s8;
	_ =	swait.eq @!p0 [sflag:s7], $0x1  }
0xb3: {  	s6 =	sor.u32 @!p0 s6, s8;
	[sflag:s7] =	ssyncadd.s32 @!p0 $0xFFFFFFFF  }
0xb4: {  	s25 =	simm.s32 $0x1B8E;
	s24 =	sld [smem:$0x3FFE];
	[sflag:s6] =	ssyncadd.remote.s32 @!p0 $0x1  }
0xb5: {  	s26 =	simm.s32 $execute0_lowered;
	[smem:$0x3FD2] =	sst s25  }
0xb6: {  	s7 =	sshll.u32 s26, $0x1;
	_ =	strace $0x8000004C;
	[dreg:$0x1] =	wrdreg $0xFFFFFFFF  }
0xb7: {  	s28 =	simm.s32 $_size_execute0_lowered;
	s5 =	sadd.s32 s5, s7;
	[dreg:$0x0] =	wrdreg $0x0  }
0xb8: {  	s7 =	sshll.u32 s28, $0x1;
	[dreg:$0x2] =	wrdreg s5  }
0xb9: {  	[dreg:$0x3] =	wrdreg s7  }
0xba: {  	[dreg:$0x4] =	wrdreg $0xC0  }
0xbb: {  	_ =	task [dreg:s22], $0x5FFFF  }
0xbc: {  	[dreg:$0x1] =	wrdreg $0xFFFFFFFF  }
0xbd: {  	[dreg:$0x0] =	wrdreg $0x60  }
0xbe: {  	[dreg:$0x2] =	wrdreg s24  }
0xbf: {  	[dreg:$0x3] =	wrdreg s18  }
0xc0: {  	[dreg:$0x4] =	wrdreg s4  }
0xc1: {  	[dreg:$0x5] =	wrdreg $0x9  }
0xc2: {  	_ =	task.clear_ibuf [dreg:s22], $0x6FFFF;
	_ =	strace $0x9000004C  }
0xc3: {  	s29 =	simm.s32 $0x9;
	_ =	strace $0x8000004E  }
0xc4: {  	_ =	swait.ge [sflag:s29], $0x1  }
0xc5: {  	[sflag:s29] =	ssyncadd.s32 $0xFFFFFFFF  }
0xc6: {  	_ =	strace $0x9000004E  }
0xc7: {  	_ =	sfence  }
0xc8: {  	s30 =	sld [smem:$0x0];
	_ =	sdelay $0x2  }
0xc9: {  	s31 =	sshll.u32 s1, $0xD;
	s1 =	sshrl.u32 s1, $0x2  }
0xca: {  	s4 =	sand.u32 $0x4000, s31;
	s1 =	sadd.s32 s1, s30  }
0xcb: {  	s0 =	sor.u32 s4, s0;
	s1 =	sshll.u32 s1, $0x11  }
0xcc: {  	s0 =	sor.u32 s1, s0  }
0xcd: {  	s0 =	sadd.s32 $0x8F2B, s0  }
0xce: {  	[sflag:s0] =	ssyncadd.remote.s32 $0x1  }
0xcf: {  	_ =	sfence.sel $0xFFFF  }
0xd0: {  	[dreg:$0x0] =	wrdreg $0xFFFFFFFF;
	(pc) =	sbr.abs _section_cstart, $3  }
0xd1: {  	[dreg:$0x1] =	wrdreg $0xFFFFFFFF  }
0xd2: {  	_ =	task.clear_ibuf [dreg:s22], $0x2FFFF;
	_ =	strace $0x9FFFFFFF  }
0xd3: {  	(tm) =	ssettm $0x7FFFFFFF  }
tec
execute0_lowered:
.L_overlay_start_1:
0x0: {  	(tag) =	ssettag $0x1  }
0x1: {  	s6 =	rddreg [dreg:$0x0]  }
0x2: {  	s1 =	rddreg [dreg:$0x1]  }
0x3: {  	s8 =	rddreg [dreg:$0x2]  }
0x4: {  	s0 =	rddreg [dreg:$0x3];
	s3 =	simm.s32 $0x0;
	s5 =	srdreg.scid  }
0x5: {  	s2 =	stileid.u32;
	s20 =	simm.s32 $0x4100;
	s21 =	simm.s32 $0x1  }
0x6: {  	s22 =	simm.s32 $0x2;
	s23 =	simm.s32 $0x8100;
	s24 =	simm.s32 $0x8180  }
0x7: {  	s25 =	simm.s32 $0xC180;
	s26 =	simm.s32 $0x0;
	[smem:$0x7FF] =	sst s3  }
0x8: {  	s4 =	sadd.s32 $0x19BE00, s6;
	s14 =	sand.u32 $0x1, s5;
	s5 =	sadd.s32 $0x322800, s6  }
0x9: {  	s7 =	sshll.u32 s2, $0x1;
	s16 =	sadd.s32 $0x18FE00, s6;
	s15 =	sadd.s32 $0x8A9200, s6  }
0xa: {  	s17 =	sshll.u32 s2, $0xD;
	s19 =	sshll.u32 s2, $0x11;
	_ =	strace $0x8000004D  }
0xb: {  	s9 =	sor.u32 s14, s7;
	s10 =	ssub.s32 $0x2, s14;
	s18 =	sshll.u32 s14, $0xC  }
0xc: {  	s31 =	sshll.u32 s14, $0x10;
	s7 =	sshll.u32 s9, $0xB;
	s28 =	sshrl.u32 s10, $0x1  }
0xd: {  	s29 =	sshll.u32 s9, $0x9;
	s30 =	sshll.u32 s9, $0x10;
	s9 =	sshll.u32 s9, $0x4  }
0xe: {  	s17 =	sor.u32 s18, s17;
	s11 =	sadd.s32 s7, s6;
	s12 =	ssub.s32 s10, s28  }
0xf: {  	s6 =	sadd.s32 s16, s29;
	s13 =	sadd.s32 s15, s30;
	s8 =	sadd.s32 s8, s9  }
0x10: {  	s18 =	sor.u32 $0x180, s17;
	s15 =	sadd.s32 s19, s15;
	s17 =	sor.u32 $0x100, s17  }
0x11: {  	s19 =	simm.s32 $0x4080;
	s7 =	sadd.s32 $0x10, s6;
	s9 =	sadd.s32 $0x49400, s11  }
0x12: {  	s10 =	sadd.s32 $0x59400, s11;
	s11 =	smax.u32 s12, $0x1;
	s12 =	sadd.s32 $0xF000, s13  }
0x13: {  	s13 =	sadd.s32 $0xF800, s13;
	s18 =	sshrl.u32 s18, $0x3;
	s15 =	sadd.s32 s31, s15  }
0x14: {  	s17 =	sshrl.u32 s17, $0x3;
	s14 =	sadd.s32 s18, s16;
	s15 =	sadd.s32 $0x800, s15  }
0x15: {  	s16 =	sadd.s32 s17, s16;
	s17 =	simm.s32 $0x3;
	s18 =	simm.s32 $0x80  }
.LBB2_1:
0x16: {  	[tilespmem:s3], [sflag:$0x3] =	stream.linear.gather [hbm4b:s6+s3], $0x80, $0x38;
	[tilespmem:$0x10180] =	vst v63  }
0x17: {  	_ =	swait.ge [sflag:s17], $0x80  }
0x18: {  	[sflag:s17] =	ssyncset.done $0x0  }
0x19: {  	[sflag:s17] =	ssyncadd.s32 $0xFFFFFF80  }
0x1a: {  	[tilespmem:s18], [sflag:$0x1] =	stream.indirect.gather [hbm4b:s4+s18], $0x80, s3, s18, $0xb8;
	[tilespmem:$0x10180] =	vst v63  }
0x1b: {  	_ = 	snop  }
0x1c: {  	[tilespmem:s19], [sflag:$0x3] =	stream.linear.gather [hbm4b:s7+s3], $0x80, $0x38;
	[tilespmem:$0x10180] =	vst v63  }
0x1d: {  	_ =	swait.ge [sflag:s17], $0x80  }
0x1e: {  	[sflag:s17] =	ssyncset.done $0x0  }
0x1f: {  	[sflag:s17] =	ssyncadd.s32 $0xFFFFFF80  }
0x20: {  	[tilespmem:s20], [sflag:$0x2] =	stream.indirect.gather [hbm4b:s4+s18], $0x80, s19, s18, $0xb8;
	[tilespmem:$0x10180] =	vst v63  }
0x21: {  	_ =	swait.ge [sflag:s21], $0x4000  }
0x22: {  	[sflag:s21] =	ssyncset.done $0x0  }
0x23: {  	s28 =	sadd.s32 $0xFFFFF800, s15;
	[sflag:s21] =	ssyncadd.s32 $0xFFFFC000  }
0x24: {  	[hbm4b:s28+s3] =	stream.linear.scatter [tilespmem:s18], [sflag:$0x3], $0x4000, $0x38;
	[tilespmem:$0x10180] =	vst v63  }
0x25: {  	_ =	swait.ge [sflag:s17], $0x4000  }
0x26: {  	[sflag:s17] =	ssyncset.done $0x0  }
0x27: {  	s28 =	sadd.s32 $0x0, s16;
	[sflag:s17] =	ssyncadd.s32 $0xFFFFC000  }
0x28: {  	[tilespmem:s3], [sflag:$0x3] =	stream.linear.gather [hbm4b:s28+s3], $0x80, $0x38;
	[tilespmem:$0x10180] =	vst v63  }
0x29: {  	_ =	swait.ge [sflag:s17], $0x80  }
0x2a: {  	[sflag:s17] =	ssyncset.done $0x0  }
0x2b: {  	[sflag:s17] =	ssyncadd.s32 $0xFFFFFF80  }
0x2c: {  	[tilespmem:s18], [sflag:$0x1] =	stream.indirect.gather [hbm4b:s4+s18], $0x80, s3, s18, $0xb8;
	[tilespmem:$0x10180] =	vst v63  }
0x2d: {  	_ =	swait.ge [sflag:s22], $0x4000  }
0x2e: {  	[sflag:s22] =	ssyncset.done $0x0  }
0x2f: {  	[sflag:s22] =	ssyncadd.s32 $0xFFFFC000  }
0x30: {  	[hbm4b:s15+s3] =	stream.linear.scatter [tilespmem:s20], [sflag:$0x3], $0x4000, $0x38;
	[tilespmem:$0x10180] =	vst v63  }
0x31: {  	_ =	swait.ge [sflag:s17], $0x4000  }
0x32: {  	[sflag:s17] =	ssyncset.done $0x0  }
0x33: {  	s28 =	sadd.s32 $0x0, s14;
	[sflag:s17] =	ssyncadd.s32 $0xFFFFC000  }
0x34: {  	[tilespmem:s19], [sflag:$0x3] =	stream.linear.gather [hbm4b:s28+s3], $0x80, $0x38;
	[tilespmem:$0x10180] =	vst v63  }
0x35: {  	_ =	swait.ge [sflag:s17], $0x80  }
0x36: {  	[sflag:s17] =	ssyncset.done $0x0  }
0x37: {  	s29 =	sadd.s32 $0x1000, s15;
	s28 =	simm.s32 $0x20;
	[sflag:s17] =	ssyncadd.s32 $0xFFFFFF80  }
.LBB2_2:
0x38: {  	[tilespmem:s20], [sflag:$0x2] =	stream.indirect.gather [hbm4b:s4+s18], $0x80, s19, s18, $0xb8;
	[tilespmem:$0x10180] =	vst v63  }
0x39: {  	s30 =	smov.u32 s28  }
0x3a: {  	p0 =	sne.s32 s28, $0x1C0;
	s28 =	sadd.s32 $0x20, s28;
	_ =	swait.ge [sflag:s21], $0x4000  }
0x3b: {  	[sflag:s21] =	ssyncset.done $0x0  }
0x3c: {  	s31 =	sadd.s32 $0xFFFFF800, s29;
	[sflag:s21] =	ssyncadd.s32 $0xFFFFC000  }
0x3d: {  	[hbm4b:s31+s3] =	stream.linear.scatter [tilespmem:s18], [sflag:$0x3], $0x4000, $0x38;
	[tilespmem:$0x10180] =	vst v63  }
0x3e: {  	_ =	swait.ge [sflag:s17], $0x4000  }
0x3f: {  	[sflag:s17] =	ssyncset.done $0x0  }
0x40: {  	s31 =	sadd.s32 s30, s16;
	[sflag:s17] =	ssyncadd.s32 $0xFFFFC000  }
0x41: {  	[tilespmem:s3], [sflag:$0x3] =	stream.linear.gather [hbm4b:s31+s3], $0x80, $0x38;
	[tilespmem:$0x10180] =	vst v63  }
0x42: {  	_ =	swait.ge [sflag:s17], $0x80  }
0x43: {  	[sflag:s17] =	ssyncset.done $0x0  }
0x44: {  	[sflag:s17] =	ssyncadd.s32 $0xFFFFFF80  }
0x45: {  	[tilespmem:s18], [sflag:$0x1] =	stream.indirect.gather [hbm4b:s4+s18], $0x80, s3, s18, $0xb8;
	[tilespmem:$0x10180] =	vst v63  }
0x46: {  	_ =	swait.ge [sflag:s22], $0x4000  }
0x47: {  	[sflag:s22] =	ssyncset.done $0x0  }
0x48: {  	[sflag:s22] =	ssyncadd.s32 $0xFFFFC000  }
0x49: {  	[hbm4b:s29+s3] =	stream.linear.scatter [tilespmem:s20], [sflag:$0x3], $0x4000, $0x38;
	[tilespmem:$0x10180] =	vst v63  }
0x4a: {  	_ =	swait.ge [sflag:s17], $0x4000  }
0x4b: {  	[sflag:s17] =	ssyncset.done $0x0  }
.Ltmp0:
0x4c: {  	s30 =	sadd.s32 s30, s14;
	[sflag:s17] =	ssyncadd.s32 $0xFFFFC000;
	(pc) =	sbr.rel @p0 .LBB2_2-.Ltmp0, $4  }
0x4d: {  	[tilespmem:s19], [sflag:$0x3] =	stream.linear.gather [hbm4b:s30+s3], $0x80, $0x38;
	[tilespmem:$0x10180] =	vst v63  }
0x4e: {  	_ =	swait.ge [sflag:s17], $0x80  }
0x4f: {  	[sflag:s17] =	ssyncset.done $0x0  }
0x50: {  	s29 =	sadd.s32 $0x1000, s29;
	[sflag:s17] =	ssyncadd.s32 $0xFFFFFF80  }
0x51: {  	[tilespmem:s20], [sflag:$0x2] =	stream.indirect.gather [hbm4b:s4+s18], $0x80, s19, s18, $0xb8;
	[tilespmem:$0x10180] =	vst v63  }
0x52: {  	_ =	swait.ge [sflag:s21], $0x4000  }
0x53: {  	[sflag:s21] =	ssyncset.done $0x0  }
0x54: {  	[sflag:s21] =	ssyncadd.s32 $0xFFFFC000  }
0x55: {  	[hbm4b:s12+s3] =	stream.linear.scatter [tilespmem:s18], [sflag:$0x3], $0x4000, $0x38;
	[tilespmem:$0x10180] =	vst v63  }
0x56: {  	_ =	swait.ge [sflag:s17], $0x4000  }
0x57: {  	[sflag:s17] =	ssyncset.done $0x0  }
0x58: {  	[sflag:s17] =	ssyncadd.s32 $0xFFFFC000  }
0x59: {  	_ =	swait.ge [sflag:s22], $0x4000  }
0x5a: {  	[sflag:s22] =	ssyncset.done $0x0  }
0x5b: {  	[sflag:s22] =	ssyncadd.s32 $0xFFFFC000  }
0x5c: {  	[hbm4b:s13+s3] =	stream.linear.scatter [tilespmem:s20], [sflag:$0x3], $0x4000, $0x38;
	[tilespmem:$0x10180] =	vst v63  }
0x5d: {  	_ =	swait.ge [sflag:s17], $0x4000  }
0x5e: {  	[sflag:s17] =	ssyncset.done $0x0  }
0x5f: {  	[sflag:s17] =	ssyncadd.s32 $0xFFFFC000  }
0x60: {  	[tilespmem:s23], [sflag:$0x3] =	stream.linear.gather [hbm4b:s8+s3], $0x80, $0x38;
	[tilespmem:$0x10180] =	vst v63  }
0x61: {  	_ =	swait.ge [sflag:s17], $0x80  }
0x62: {  	[sflag:s17] =	ssyncset.done $0x0  }
0x63: {  	[sflag:s17] =	ssyncadd.s32 $0xFFFFFF80  }
0x64: {  	[tilespmem:s24], [sflag:$0x1] =	stream.indirect.gather [hbm4b:s5+s18], $0x80, s23, s18, $0xb8;
	[tilespmem:$0x10180] =	vst v63  }
0x65: {  	_ = 	snop  }
0x66: {  	[tilespmem:s25], [sflag:$0x2] =	stream.indirect.gather [hbm4b:s1+s18], $0x80, s23, s18, $0xb8;
	[tilespmem:$0x10180] =	vst v63  }
0x67: {  	_ =	swait.ge [sflag:s21], $0x4000  }
0x68: {  	[sflag:s21] =	ssyncset.done $0x0  }
0x69: {  	[sflag:s21] =	ssyncadd.s32 $0xFFFFC000  }
0x6a: {  	_ =	swait.ge [sflag:s22], $0x4000  }
0x6b: {  	[sflag:s22] =	ssyncset.done $0x0  }
0x6c: {  	[sflag:s22] =	ssyncadd.s32 $0xFFFFC000  }
0x6d: {  	[hbm4b:s9+s3] =	stream.linear.scatter [tilespmem:s24], [sflag:$0x3], $0x4000, $0x38;
	[tilespmem:$0x10180] =	vst v63  }
0x6e: {  	s26 =	sadd.s32 $0x1, s26;
	_ =	swait.ge [sflag:s17], $0x4000  }
0x6f: {  	p0 =	sne.s32 s26, s11;
	[sflag:s17] =	ssyncset.done $0x0  }
.Ltmp1:
0x70: {  	[sflag:s17] =	ssyncadd.s32 $0xFFFFC000;
	(pc) =	sbr.rel @p0 .LBB2_1-.Ltmp1, $4  }
0x71: {  	[hbm4b:s10+s3] =	stream.linear.scatter [tilespmem:s25], [sflag:$0x3], $0x4000, $0x38;
	[tilespmem:$0x10180] =	vst v63  }
0x72: {  	_ =	swait.ge [sflag:s17], $0x4000  }
0x73: {  	[sflag:s17] =	ssyncset.done $0x0  }
0x74: {  	[sflag:s17] =	ssyncadd.s32 $0xFFFFC000  }
0x75: {  	_ =	sfence.sel $0x180000  }
0x76: {  	[bflag:$0x0] =	sbarrier.arrive $0xFFFF  }
0x77: {  	p0 =	sne.s32 s2, $0x0;
	_ =	strace $0x9000004D  }
0x78: {  	s0 =	sadd.s32 @!p0 $0x100000, s0;
	[bflag:$0x2] =	sbarrier.arrive $0xFFFF  }
0x79: {  	[sflag:s0] =	ssyncadd.tile.s32 @!p0 $0x1;
	_ =	shalt  }
.Lfunc_end2:
_tile_overlayer_lowered:
.L_overlay_start_2:
0x7a: {  	(tag) =	ssettag $0x2  }
0x7b: {  	s0 =	rddreg [dreg:$0x0];
	s2 =	stileid.u32  }
0x7c: {  	s1 =	rddreg [dreg:$0x1];
	p0 =	sne.s32 s2, $0x0  }
0x7d: {  	s3 =	rddreg [dreg:$0x2];
	[bflag:$0x3] =	sbarrier.arrive $0xFFFF;
	s2 =	simm.s32 @!p0 $0x1C03  }
0x7e: {  	[timem:s3], [sflag:s2] =	dma.local @!p0 [hbm:s0], s1  }
0x7f: {  	s0 =	simm.s32 @!p0 $0x3  }
0x80: {  	_ =	swait.ge @!p0 [sflag:s0], s1  }
0x81: {  	s1 =	ssub.s32 @!p0 $0x0, s1;
	[sflag:s0] =	ssyncset.done @!p0 $0x0  }
0x82: {  	[sflag:s0] =	ssyncadd.s32 @!p0 s1  }
0x83: {  	[bflag:$0x3] =	sbarrier.arrive $0xFFFF  }
0x84: {  	_ =	shalt  }

// kernel: kernel.13.cloned.1.call-start
scs
__scs_entry_jumppad:
0x0: {  	(pc) =	sbr.rel $0x88, $3  }
0x1: {  	(tag) =	ssettag $0x0;
	lr =	simm.s32 $0x1  }
0x2: {  	[smem:$0x3F93] =	sst lr;
	_ =	strace $0xD0000000  }
0x3: {  	_ = 	snop  }
0x4: {  	_ = 	snop  }
0x5: {  	_ = 	snop  }
0x6: {  	_ = 	snop  }
0x7: {  	_ = 	snop  }
__scs_overlays_trampoline_lowered:
0x8: {  	[smem:$0x3FA2] =	sst s0  }
0x9: {  	[smem:$0x3FA3] =	sst s1  }
0xa: {  	[smem:$0x3FA4] =	sst s2  }
0xb: {  	[smem:$0x3FA5] =	sst s3  }
0xc: {  	[smem:$0x3FA6] =	sst s4  }
0xd: {  	[smem:$0x3FA7] =	sst s5  }
0xe: {  	[smem:$0x3FA8] =	sst s6  }
0xf: {  	[smem:$0x3FA9] =	sst s7  }
0x10: {  	[smem:$0x3FAA] =	sst s8  }
0x11: {  	[smem:$0x3FAB] =	sst s9;
	s0 =	simm.s32 @!p0 $0x0  }
0x12: {  	s1 =	sld [smem:$0x3F91];
	s0 =	simm.s32 @p0 $0x1  }
0x13: {  	[smem:$0x3FAC] =	sst s0;
	s0 =	simm.s32 @!p1 $0x0  }
0x14: {  	s2 =	sld [smem:$0x3F90];
	s0 =	simm.s32 @p1 $0x1  }
0x15: {  	[smem:$0x3FAD] =	sst s0;
	s0 =	simm.s32 @!p2 $0x0  }
0x16: {  	s3 =	sld [smem:$0x3FDB];
	s0 =	simm.s32 @p2 $0x1  }
0x17: {  	s4 =	simm.s32 $0x1BF5;
	[smem:$0x3FAF] =	sst s0  }
0x18: {  	s0 =	sld [smem:$0x3F92];
	_ =	swait.ge [sflag:s4], $0x0  }
0x19: {  	s7 =	sld [smem:$0x3F93]  }
0x1a: {  	s8 =	sadd.s32 $0xFFFFE003, lr  }
0x1b: {  	s9 =	sadd.s32 $0xFFFFFEF7, lr;
	s5 =	simm.s32 $0xFFFFFFFF;
	p2 =	slt.u32 s8, $0xFFFFF086  }
0x1c: {  	p1 =	slt.u32 s9, $0xF7A;
	s5 =	simm.s32 @!p2 $0x0  }
0x1d: {  	s5 =	simm.s32 @p1 $0x1;
	p0 =	seq.s32 s7, s2  }
0x1e: {  	s7 =	smul.u32 @!p0 $0xF7A, s2;
	p2 =	seq.s32 @!p0 s5, $0x0  }
0x1f: {  	s9 =	smul.u32 $0xF7A, s1;
	s8 =	simm.s32 @!p0 $0x1BF5;
	p2 =	por !p2, p0  }
0x20: {  	[sflag:s8] =	ssyncset.s32 @!p0 $0xFFFFF086;
	s6 =	sadd.s32 @!p0 s3, s7;
	s7 =	simm.s32 @!p0 $0x108  }
0x21: {  	s3 =	sadd.s32 s3, s9;
	s6 =	sadd.s32 @!p0 $0x88, s6;
	s7 =	simm.s32 @p2 $0x1082  }
0x22: {  	[simem:s7], [sflag:s8] =	dma.local @!p0 [hbm:s6], $0xF7A  }
0x23: {  	s9 =	sor.u32 $0xD0000000, s2;
	s6 =	simm.s32 $0x108;
	_ =	swait.ge @!p0 [sflag:s8], $0x0  }
0x24: {  	s3 =	sadd.s32 $0x88, s3;
	s6 =	simm.s32 @!p1 $0x1082;
	[sflag:s4] =	ssyncset.s32 $0xFFFFF086  }
0x25: {  	[simem:s6], [sflag:s4] =	dma.local [hbm:s3], $0xF7A  }
0x26: {  	[smem:$0x3F93] =	sst s1;
	(tag) =	ssettag s2;
	_ =	strace s9  }
0x27: {  	s1 =	sld [smem:$0x3FA3]  }
0x28: {  	s2 =	sld [smem:$0x3FA4]  }
0x29: {  	s4 =	sld [smem:$0x3FA6]  }
0x2a: {  	p0 =	seq.s32 s5, $0x0;
	s5 =	sld [smem:$0x3FA7]  }
0x2b: {  	s6 =	sld [smem:$0x3FA8]  }
0x2c: {  	s7 =	sld [smem:$0x3FA9]  }
0x2d: {  	s3 =	simm.s32 $0x108;
	s8 =	sld [smem:$0x3FAA]  }
0x2e: {  	s3 =	simm.s32 @!p0 $0x1082;
	s9 =	sld [smem:$0x3FAB]  }
0x2f: {  	lr =	sadd.s32 s0, s3;
	s0 =	sld [smem:$0x3FA2]  }
0x30: {  	s3 =	sld [smem:$0x3FA5]  }
0x31: {  	[smem:$0x3FAE] =	sst s10  }
0x32: {  	s10 =	sld [smem:$0x3FAC];
	_ =	sdelay $0x3  }
0x33: {  	p0 =	seq.s32 s10, $0x1;
	s10 =	sld [smem:$0x3FAE];
	_ =	sdelay $0x3  }
0x34: {  	[smem:$0x3FAE] =	sst s10  }
0x35: {  	s10 =	sld [smem:$0x3FAD];
	_ =	sdelay $0x3  }
0x36: {  	p1 =	seq.s32 s10, $0x1;
	s10 =	sld [smem:$0x3FAE];
	_ =	sdelay $0x3  }
0x37: {  	[smem:$0x3FAE] =	sst s10  }
0x38: {  	s10 =	sld [smem:$0x3FAF]  }
0x39: {  	_ = 	snop;
	(pc) =	sbr.ind lr, $3  }
0x3a: {  	_ = 	snop  }
0x3b: {  	_ = 	snop  }
0x3c: {  	p2 =	seq.s32 s10, $0x1;
	s10 =	sld [smem:$0x3FAE]  }
0x3d: {  	_ =	shalt  }
0x3e: {  	_ =	shalt  }
0x3f: {  	_ =	shalt  }
0x40: {  	_ =	shalt  }
0x41: {  	_ =	shalt  }
0x42: {  	_ =	shalt  }
0x43: {  	_ =	shalt  }
0x44: {  	_ =	shalt  }
0x45: {  	_ =	shalt  }
0x46: {  	_ =	shalt  }
0x47: {  	_ =	shalt  }
0x48: {  	_ =	shalt  }
0x49: {  	_ =	shalt  }
0x4a: {  	_ =	shalt  }
0x4b: {  	_ =	shalt  }
0x4c: {  	_ =	shalt  }
0x4d: {  	_ =	shalt  }
0x4e: {  	_ =	shalt  }
0x4f: {  	_ =	shalt  }
0x50: {  	_ =	shalt  }
0x51: {  	_ =	shalt  }
0x52: {  	_ =	shalt  }
0x53: {  	_ =	shalt  }
0x54: {  	_ =	shalt  }
0x55: {  	_ =	shalt  }
0x56: {  	_ =	shalt  }
0x57: {  	_ =	shalt  }
0x58: {  	_ =	shalt  }
0x59: {  	_ =	shalt  }
0x5a: {  	_ =	shalt  }
0x5b: {  	_ =	shalt  }
0x5c: {  	_ =	shalt  }
0x5d: {  	_ =	shalt  }
0x5e: {  	_ =	shalt  }
0x5f: {  	_ =	shalt  }
0x60: {  	_ =	shalt  }
0x61: {  	_ =	shalt  }
0x62: {  	_ =	shalt  }
0x63: {  	_ =	shalt  }
0x64: {  	_ =	shalt  }
0x65: {  	_ =	shalt  }
0x66: {  	_ =	shalt  }
0x67: {  	_ =	shalt  }
0x68: {  	_ =	shalt  }
0x69: {  	_ =	shalt  }
0x6a: {  	_ =	shalt  }
0x6b: {  	_ =	shalt  }
0x6c: {  	_ =	shalt  }
0x6d: {  	_ =	shalt  }
0x6e: {  	_ =	shalt  }
0x6f: {  	_ =	shalt  }
0x70: {  	_ =	shalt  }
0x71: {  	_ =	shalt  }
0x72: {  	_ =	shalt  }
0x73: {  	_ =	shalt  }
0x74: {  	_ =	shalt  }
0x75: {  	_ =	shalt  }
0x76: {  	_ =	shalt  }
0x77: {  	_ =	shalt  }
0x78: {  	_ =	shalt  }
0x79: {  	_ =	shalt  }
0x7a: {  	_ =	shalt  }
0x7b: {  	_ =	shalt  }
0x7c: {  	_ =	shalt  }
0x7d: {  	_ =	shalt  }
0x7e: {  	_ =	shalt  }
0x7f: {  	_ =	shalt  }
0x80: {  	_ =	shalt  }
0x81: {  	_ =	shalt  }
0x82: {  	_ =	shalt  }
0x83: {  	_ =	shalt  }
0x84: {  	_ =	shalt  }
0x85: {  	_ =	shalt  }
0x86: {  	_ =	shalt  }
0x87: {  	_ =	shalt  }
.Lfunc_end0:
.L_simem_size_0:
called_computation.1_lowered:
.L_overlay_start_0:
0x88: {  	s2 =	sld [smem:$0x3FD9]  }
0x89: {  	s3 =	sld [smem:$0x3FFE];
	_ =	sdelay $0x1  }
0x8a: {  	s1 =	srdreg.scid  }
0x8b: {  	s0 =	sand.u32 $0x1, s1  }
0x8c: {  	s17 =	sshll.u32 s0, $0xA;
	s2 =	sadd.s32 s3, s2  }
0x8d: {  	s2 =	sadd.s32 s2, s17  }
0x8e: {  	[smem:$0x3FBA] =	sst s2  }
0x8f: {  	_ = 	snop  }
0x90: {  	s18 =	sld [smem:$0x3FC9]  }
0x91: {  	s4 =	sld [smem:$0x3FC7];
	(tm) =	ssettm $0x1  }
0x92: {  	s19 =	sld [smem:$0x3FFB];
	_ =	sdelay $0x3  }
0x93: {  	_ =	strace s19  }
0x94: {  	s2 =	sld [smem:$0x3FFC];
	_ =	sdelay $0x3  }
0x95: {  	_ =	strace s2  }
0x96: {  	s2 =	sld [smem:$0x3FFD];
	_ =	sdelay $0x3  }
0x97: {  	_ =	strace s2  }
0x98: {  	_ =	strace $0x8FFFFFFF  }
0x99: {  	s20 =	sld [smem:$0x3FDB];
	_ =	sdelay $0x1  }
0x9a: {  	s5 =	simm.s32 $_scs_section_size  }
0x9b: {  	s6 =	simm.s32 $_size__tile_overlayer_lowered;
	s7 =	simm.s32 $_tile_overlayer_lowered  }
0x9c: {  	s8 =	simm.s32 $0x1BFF;
	s21 =	sshll.u32 s7, $0x1;
	s5 =	sadd.s32 s5, s20  }
0x9d: {  	s22 =	simm.s32 $0x0;
	s6 =	sshll.u32 s6, $0x1;
	s7 =	sadd.s32 s21, s5  }
0x9e: {  	[timem:s22], [sflag:s8] =	dma.local [hbm:s7], s6  }
0x9f: {  	_ =	swait.ge [sflag:s8], s6  }
0xa0: {  	s6 =	ssub.s32 $0x0, s6;
	[sflag:s8] =	ssyncset.done $0x0  }
0xa1: {  	[sflag:s8] =	ssyncadd.s32 s6;
	_ =	sdelay $0x1  }
0xa2: {  	s23 =	simm.s32 $0x1B8B  }
0xa3: {  	_ =	swait.ge [sflag:s23], $0x1  }
0xa4: {  	[sflag:s23] =	ssyncset.done $0x0  }
0xa5: {  	[sflag:s23] =	ssyncadd.s32 $0xFFFFFFFF  }
0xa6: {  	s6 =	sld [smem:$0x0]  }
0xa7: {  	s7 =	sand.u32 $0xFFFFFFFE, s1  }
0xa8: {  	p0 =	sne.s32 s1, s7  }
0xa9: {  	s7 =	sshll.u32 @p0 s7, $0xE  }
0xaa: {  	s7 =	sadd.s32 @p0 $0x11B8D, s7;
	s8 =	sshll.u32 @p0 s6, $0x11  }
0xab: {  	s7 =	sor.u32 @p0 s8, s7  }
0xac: {  	[sflag:s7] =	ssyncadd.remote.s32 @p0 $0x1;
	_ =	sdelay $0x1  }
0xad: {  	s7 =	simm.s32 @p0 $0x1B8D  }
0xae: {  	_ =	swait.eq @p0 [sflag:s7], $0x1  }
0xaf: {  	[sflag:s7] =	ssyncadd.s32 @p0 $0xFFFFFFFF  }
0xb0: {  	s8 =	sshll.u32 @!p0 s1, $0xE  }
0xb1: {  	s8 =	sor.u32 @!p0 $0x4000, s8;
	s7 =	simm.s32 @!p0 $0x1B8D  }
0xb2: {  	s6 =	sshll.u32 @!p0 s6, $0x11;
	s8 =	sadd.s32 @!p0 $0x11B8D, s8;
	_ =	swait.eq @!p0 [sflag:s7], $0x1  }
0xb3: {  	s6 =	sor.u32 @!p0 s6, s8;
	[sflag:s7] =	ssyncadd.s32 @!p0 $0xFFFFFFFF  }
0xb4: {  	s25 =	simm.s32 $0x1B8E;
	s24 =	sld [smem:$0x3FFE];
	[sflag:s6] =	ssyncadd.remote.s32 @!p0 $0x1  }
0xb5: {  	s26 =	simm.s32 $execute0_lowered;
	[smem:$0x3FD2] =	sst s25  }
0xb6: {  	s7 =	sshll.u32 s26, $0x1;
	_ =	strace $0x80000049;
	[dreg:$0x1] =	wrdreg $0xFFFFFFFF  }
0xb7: {  	s28 =	simm.s32 $_size_execute0_lowered;
	s5 =	sadd.s32 s5, s7;
	[dreg:$0x0] =	wrdreg $0x0  }
0xb8: {  	s7 =	sshll.u32 s28, $0x1;
	[dreg:$0x2] =	wrdreg s5  }
0xb9: {  	[dreg:$0x3] =	wrdreg s7  }
0xba: {  	[dreg:$0x4] =	wrdreg $0xC0  }
0xbb: {  	_ =	task [dreg:s22], $0x5FFFF  }
0xbc: {  	[dreg:$0x1] =	wrdreg $0xFFFFFFFF  }
0xbd: {  	[dreg:$0x0] =	wrdreg $0x60  }
0xbe: {  	[dreg:$0x2] =	wrdreg s24  }
0xbf: {  	[dreg:$0x3] =	wrdreg s18  }
0xc0: {  	[dreg:$0x4] =	wrdreg s4  }
0xc1: {  	[dreg:$0x5] =	wrdreg $0xA  }
0xc2: {  	_ =	task.clear_ibuf [dreg:s22], $0x6FFFF;
	_ =	strace $0x90000049  }
0xc3: {  	s29 =	simm.s32 $0xA;
	_ =	strace $0x8000004B  }
0xc4: {  	_ =	swait.ge [sflag:s29], $0x1  }
0xc5: {  	[sflag:s29] =	ssyncadd.s32 $0xFFFFFFFF  }
0xc6: {  	_ =	strace $0x9000004B  }
0xc7: {  	_ =	sfence  }
0xc8: {  	s30 =	sld [smem:$0x0];
	_ =	sdelay $0x2  }
0xc9: {  	s31 =	sshll.u32 s1, $0xD;
	s1 =	sshrl.u32 s1, $0x2  }
0xca: {  	s4 =	sand.u32 $0x4000, s31;
	s1 =	sadd.s32 s1, s30  }
0xcb: {  	s0 =	sor.u32 s4, s0;
	s1 =	sshll.u32 s1, $0x11  }
0xcc: {  	s0 =	sor.u32 s1, s0  }
0xcd: {  	s0 =	sadd.s32 $0x8F2B, s0  }
0xce: {  	[sflag:s0] =	ssyncadd.remote.s32 $0x1  }
0xcf: {  	_ =	sfence.sel $0xFFFF  }
0xd0: {  	[dreg:$0x0] =	wrdreg $0xFFFFFFFF;
	(pc) =	sbr.abs _section_cstart, $3  }
0xd1: {  	[dreg:$0x1] =	wrdreg $0xFFFFFFFF  }
0xd2: {  	_ =	task.clear_ibuf [dreg:s22], $0x2FFFF;
	_ =	strace $0x9FFFFFFF  }
0xd3: {  	(tm) =	ssettm $0x7FFFFFFF  }
tec
execute0_lowered:
.L_overlay_start_1:
0x0: {  	(tag) =	ssettag $0x1  }
0x1: {  	s6 =	rddreg [dreg:$0x0]  }
0x2: {  	s1 =	rddreg [dreg:$0x1]  }
0x3: {  	s8 =	rddreg [dreg:$0x2]  }
0x4: {  	s0 =	rddreg [dreg:$0x3];
	s2 =	simm.s32 $0x0  }
0x5: {  	s7 =	srdreg.scid;
	s3 =	stileid.u32;
	s20 =	simm.s32 $0x4100  }
0x6: {  	s21 =	simm.s32 $0x1;
	[smem:$0x7FF] =	sst s2;
	s4 =	sadd.s32 $0x19BE00, s6  }
0x7: {  	s5 =	sadd.s32 $0x322800, s6;
	s16 =	sadd.s32 $0x18FE00, s6;
	s14 =	sand.u32 $0x1, s7  }
0x8: {  	s22 =	sshll.u32 s3, $0x1;
	s15 =	sadd.s32 $0x6A9200, s6;
	s25 =	sshll.u32 s3, $0xD  }
0x9: {  	s29 =	sshll.u32 s3, $0x11;
	_ =	strace $0x8000004A;
	s7 =	sor.u32 s14, s22  }
0xa: {  	s9 =	ssub.s32 $0x2, s14;
	s26 =	sshll.u32 s14, $0xC;
	s30 =	sshll.u32 s14, $0x10  }
0xb: {  	s22 =	simm.s32 $0x2;
	s10 =	sshll.u32 s7, $0xB;
	s11 =	sshrl.u32 s9, $0x1  }
0xc: {  	s12 =	sshll.u32 s7, $0x9;
	s24 =	sshll.u32 s7, $0x10;
	s13 =	sshll.u32 s7, $0x4  }
0xd: {  	s18 =	sor.u32 s26, s25;
	s25 =	simm.s32 $0xC180;
	s26 =	simm.s32 $0x0  }
0xe: {  	s10 =	sadd.s32 s10, s6;
	s11 =	ssub.s32 s9, s11;
	s23 =	sadd.s32 s12, s16  }
0xf: {  	s17 =	sadd.s32 s15, s24;
	s8 =	sadd.s32 s13, s8;
	s19 =	sor.u32 $0x20180, s18  }
0x10: {  	s15 =	sadd.s32 s29, s15;
	s18 =	sor.u32 $0x20100, s18;
	s24 =	simm.s32 $0x8180  }
0x11: {  	s6 =	sadd.s32 $0x4000, s23;
	s7 =	sadd.s32 $0x4010, s23;
	s8 =	sadd.s32 $0x200, s8  }
0x12: {  	s9 =	sadd.s32 $0x29400, s10;
	s10 =	sadd.s32 $0x39400, s10;
	s11 =	smax.u32 s11, $0x1  }
0x13: {  	s12 =	sadd.s32 $0xF000, s17;
	s13 =	sadd.s32 $0xF800, s17;
	s28 =	sshrl.u32 s19, $0x3  }
0x14: {  	s15 =	sadd.s32 s30, s15;
	s31 =	sshrl.u32 s18, $0x3;
	s17 =	simm.s32 $0x3  }
0x15: {  	s18 =	simm.s32 $0x80;
	s19 =	simm.s32 $0x4080;
	s23 =	simm.s32 $0x8100  }
0x16: {  	s14 =	sadd.s32 s28, s16;
	s15 =	sadd.s32 $0x800, s15;
	s16 =	sadd.s32 s31, s16  }
.LBB2_1:
0x17: {  	[tilespmem:s2], [sflag:$0x3] =	stream.linear.gather [hbm4b:s6+s2], $0x80, $0x38;
	[tilespmem:$0x10180] =	vst v63  }
0x18: {  	_ =	swait.ge [sflag:s17], $0x80  }
0x19: {  	[sflag:s17] =	ssyncset.done $0x0  }
0x1a: {  	[sflag:s17] =	ssyncadd.s32 $0xFFFFFF80  }
0x1b: {  	[tilespmem:s18], [sflag:$0x1] =	stream.indirect.gather [hbm4b:s4+s18], $0x80, s2, s18, $0xb8;
	[tilespmem:$0x10180] =	vst v63  }
0x1c: {  	_ = 	snop  }
0x1d: {  	[tilespmem:s19], [sflag:$0x3] =	stream.linear.gather [hbm4b:s7+s2], $0x80, $0x38;
	[tilespmem:$0x10180] =	vst v63  }
0x1e: {  	_ =	swait.ge [sflag:s17], $0x80  }
0x1f: {  	[sflag:s17] =	ssyncset.done $0x0  }
0x20: {  	[sflag:s17] =	ssyncadd.s32 $0xFFFFFF80  }
0x21: {  	[tilespmem:s20], [sflag:$0x2] =	stream.indirect.gather [hbm4b:s4+s18], $0x80, s19, s18, $0xb8;
	[tilespmem:$0x10180] =	vst v63  }
0x22: {  	_ =	swait.ge [sflag:s21], $0x4000  }
0x23: {  	[sflag:s21] =	ssyncset.done $0x0  }
0x24: {  	s28 =	sadd.s32 $0xFFFFF800, s15;
	[sflag:s21] =	ssyncadd.s32 $0xFFFFC000  }
0x25: {  	[hbm4b:s28+s2] =	stream.linear.scatter [tilespmem:s18], [sflag:$0x3], $0x4000, $0x38;
	[tilespmem:$0x10180] =	vst v63  }
0x26: {  	_ =	swait.ge [sflag:s17], $0x4000  }
0x27: {  	[sflag:s17] =	ssyncset.done $0x0  }
0x28: {  	s28 =	sadd.s32 $0x0, s16;
	[sflag:s17] =	ssyncadd.s32 $0xFFFFC000  }
0x29: {  	[tilespmem:s2], [sflag:$0x3] =	stream.linear.gather [hbm4b:s28+s2], $0x80, $0x38;
	[tilespmem:$0x10180] =	vst v63  }
0x2a: {  	_ =	swait.ge [sflag:s17], $0x80  }
0x2b: {  	[sflag:s17] =	ssyncset.done $0x0  }
0x2c: {  	[sflag:s17] =	ssyncadd.s32 $0xFFFFFF80  }
0x2d: {  	[tilespmem:s18], [sflag:$0x1] =	stream.indirect.gather [hbm4b:s4+s18], $0x80, s2, s18, $0xb8;
	[tilespmem:$0x10180] =	vst v63  }
0x2e: {  	_ =	swait.ge [sflag:s22], $0x4000  }
0x2f: {  	[sflag:s22] =	ssyncset.done $0x0  }
0x30: {  	[sflag:s22] =	ssyncadd.s32 $0xFFFFC000  }
0x31: {  	[hbm4b:s15+s2] =	stream.linear.scatter [tilespmem:s20], [sflag:$0x3], $0x4000, $0x38;
	[tilespmem:$0x10180] =	vst v63  }
0x32: {  	_ =	swait.ge [sflag:s17], $0x4000  }
0x33: {  	[sflag:s17] =	ssyncset.done $0x0  }
0x34: {  	s28 =	sadd.s32 $0x0, s14;
	[sflag:s17] =	ssyncadd.s32 $0xFFFFC000  }
0x35: {  	[tilespmem:s19], [sflag:$0x3] =	stream.linear.gather [hbm4b:s28+s2], $0x80, $0x38;
	[tilespmem:$0x10180] =	vst v63  }
0x36: {  	_ =	swait.ge [sflag:s17], $0x80  }
0x37: {  	[sflag:s17] =	ssyncset.done $0x0  }
0x38: {  	s29 =	sadd.s32 $0x1000, s15;
	s28 =	simm.s32 $0x20;
	[sflag:s17] =	ssyncadd.s32 $0xFFFFFF80  }
.LBB2_2:
0x39: {  	[tilespmem:s20], [sflag:$0x2] =	stream.indirect.gather [hbm4b:s4+s18], $0x80, s19, s18, $0xb8;
	[tilespmem:$0x10180] =	vst v63  }
0x3a: {  	s30 =	smov.u32 s28  }
0x3b: {  	p0 =	sne.s32 s28, $0x1C0;
	s28 =	sadd.s32 $0x20, s28;
	_ =	swait.ge [sflag:s21], $0x4000  }
0x3c: {  	[sflag:s21] =	ssyncset.done $0x0  }
0x3d: {  	s31 =	sadd.s32 $0xFFFFF800, s29;
	[sflag:s21] =	ssyncadd.s32 $0xFFFFC000  }
0x3e: {  	[hbm4b:s31+s2] =	stream.linear.scatter [tilespmem:s18], [sflag:$0x3], $0x4000, $0x38;
	[tilespmem:$0x10180] =	vst v63  }
0x3f: {  	_ =	swait.ge [sflag:s17], $0x4000  }
0x40: {  	[sflag:s17] =	ssyncset.done $0x0  }
0x41: {  	s31 =	sadd.s32 s30, s16;
	[sflag:s17] =	ssyncadd.s32 $0xFFFFC000  }
0x42: {  	[tilespmem:s2], [sflag:$0x3] =	stream.linear.gather [hbm4b:s31+s2], $0x80, $0x38;
	[tilespmem:$0x10180] =	vst v63  }
0x43: {  	_ =	swait.ge [sflag:s17], $0x80  }
0x44: {  	[sflag:s17] =	ssyncset.done $0x0  }
0x45: {  	[sflag:s17] =	ssyncadd.s32 $0xFFFFFF80  }
0x46: {  	[tilespmem:s18], [sflag:$0x1] =	stream.indirect.gather [hbm4b:s4+s18], $0x80, s2, s18, $0xb8;
	[tilespmem:$0x10180] =	vst v63  }
0x47: {  	_ =	swait.ge [sflag:s22], $0x4000  }
0x48: {  	[sflag:s22] =	ssyncset.done $0x0  }
0x49: {  	[sflag:s22] =	ssyncadd.s32 $0xFFFFC000  }
0x4a: {  	[hbm4b:s29+s2] =	stream.linear.scatter [tilespmem:s20], [sflag:$0x3], $0x4000, $0x38;
	[tilespmem:$0x10180] =	vst v63  }
0x4b: {  	_ =	swait.ge [sflag:s17], $0x4000  }
0x4c: {  	[sflag:s17] =	ssyncset.done $0x0  }
.Ltmp0:
0x4d: {  	s30 =	sadd.s32 s30, s14;
	[sflag:s17] =	ssyncadd.s32 $0xFFFFC000;
	(pc) =	sbr.rel @p0 .LBB2_2-.Ltmp0, $4  }
0x4e: {  	[tilespmem:s19], [sflag:$0x3] =	stream.linear.gather [hbm4b:s30+s2], $0x80, $0x38;
	[tilespmem:$0x10180] =	vst v63  }
0x4f: {  	_ =	swait.ge [sflag:s17], $0x80  }
0x50: {  	[sflag:s17] =	ssyncset.done $0x0  }
0x51: {  	s29 =	sadd.s32 $0x1000, s29;
	[sflag:s17] =	ssyncadd.s32 $0xFFFFFF80  }
0x52: {  	[tilespmem:s20], [sflag:$0x2] =	stream.indirect.gather [hbm4b:s4+s18], $0x80, s19, s18, $0xb8;
	[tilespmem:$0x10180] =	vst v63  }
0x53: {  	_ =	swait.ge [sflag:s21], $0x4000  }
0x54: {  	[sflag:s21] =	ssyncset.done $0x0  }
0x55: {  	[sflag:s21] =	ssyncadd.s32 $0xFFFFC000  }
0x56: {  	[hbm4b:s12+s2] =	stream.linear.scatter [tilespmem:s18], [sflag:$0x3], $0x4000, $0x38;
	[tilespmem:$0x10180] =	vst v63  }
0x57: {  	_ =	swait.ge [sflag:s17], $0x4000  }
0x58: {  	[sflag:s17] =	ssyncset.done $0x0  }
0x59: {  	[sflag:s17] =	ssyncadd.s32 $0xFFFFC000  }
0x5a: {  	_ =	swait.ge [sflag:s22], $0x4000  }
0x5b: {  	[sflag:s22] =	ssyncset.done $0x0  }
0x5c: {  	[sflag:s22] =	ssyncadd.s32 $0xFFFFC000  }
0x5d: {  	[hbm4b:s13+s2] =	stream.linear.scatter [tilespmem:s20], [sflag:$0x3], $0x4000, $0x38;
	[tilespmem:$0x10180] =	vst v63  }
0x5e: {  	_ =	swait.ge [sflag:s17], $0x4000  }
0x5f: {  	[sflag:s17] =	ssyncset.done $0x0  }
0x60: {  	[sflag:s17] =	ssyncadd.s32 $0xFFFFC000  }
0x61: {  	[tilespmem:s23], [sflag:$0x3] =	stream.linear.gather [hbm4b:s8+s2], $0x80, $0x38;
	[tilespmem:$0x10180] =	vst v63  }
0x62: {  	_ =	swait.ge [sflag:s17], $0x80  }
0x63: {  	[sflag:s17] =	ssyncset.done $0x0  }
0x64: {  	[sflag:s17] =	ssyncadd.s32 $0xFFFFFF80  }
0x65: {  	[tilespmem:s24], [sflag:$0x1] =	stream.indirect.gather [hbm4b:s5+s18], $0x80, s23, s18, $0xb8;
	[tilespmem:$0x10180] =	vst v63  }
0x66: {  	_ = 	snop  }
0x67: {  	[tilespmem:s25], [sflag:$0x2] =	stream.indirect.gather [hbm4b:s1+s18], $0x80, s23, s18, $0xb8;
	[tilespmem:$0x10180] =	vst v63  }
0x68: {  	_ =	swait.ge [sflag:s21], $0x4000  }
0x69: {  	[sflag:s21] =	ssyncset.done $0x0  }
0x6a: {  	[sflag:s21] =	ssyncadd.s32 $0xFFFFC000  }
0x6b: {  	_ =	swait.ge [sflag:s22], $0x4000  }
0x6c: {  	[sflag:s22] =	ssyncset.done $0x0  }
0x6d: {  	[sflag:s22] =	ssyncadd.s32 $0xFFFFC000  }
0x6e: {  	[hbm4b:s9+s2] =	stream.linear.scatter [tilespmem:s24], [sflag:$0x3], $0x4000, $0x38;
	[tilespmem:$0x10180] =	vst v63  }
0x6f: {  	s26 =	sadd.s32 $0x1, s26;
	_ =	swait.ge [sflag:s17], $0x4000  }
0x70: {  	p0 =	sne.s32 s26, s11;
	[sflag:s17] =	ssyncset.done $0x0  }
.Ltmp1:
0x71: {  	[sflag:s17] =	ssyncadd.s32 $0xFFFFC000;
	(pc) =	sbr.rel @p0 .LBB2_1-.Ltmp1, $4  }
0x72: {  	[hbm4b:s10+s2] =	stream.linear.scatter [tilespmem:s25], [sflag:$0x3], $0x4000, $0x38;
	[tilespmem:$0x10180] =	vst v63  }
0x73: {  	_ =	swait.ge [sflag:s17], $0x4000  }
0x74: {  	[sflag:s17] =	ssyncset.done $0x0  }
0x75: {  	[sflag:s17] =	ssyncadd.s32 $0xFFFFC000  }
0x76: {  	_ =	sfence.sel $0x180000  }
0x77: {  	[bflag:$0x0] =	sbarrier.arrive $0xFFFF  }
0x78: {  	p0 =	sne.s32 s3, $0x0;
	_ =	strace $0x9000004A  }
0x79: {  	s0 =	sadd.s32 @!p0 $0x100000, s0;
	[bflag:$0x2] =	sbarrier.arrive $0xFFFF  }
0x7a: {  	[sflag:s0] =	ssyncadd.tile.s32 @!p0 $0x1;
	_ =	shalt  }
.Lfunc_end2:
_tile_overlayer_lowered:
.L_overlay_start_2:
0x7b: {  	(tag) =	ssettag $0x2  }
0x7c: {  	s0 =	rddreg [dreg:$0x0];
	s2 =	stileid.u32  }
0x7d: {  	s1 =	rddreg [dreg:$0x1];
	p0 =	sne.s32 s2, $0x0  }
0x7e: {  	s3 =	rddreg [dreg:$0x2];
	[bflag:$0x3] =	sbarrier.arrive $0xFFFF;
	s2 =	simm.s32 @!p0 $0x1C03  }
0x7f: {  	[timem:s3], [sflag:s2] =	dma.local @!p0 [hbm:s0], s1  }
0x80: {  	s0 =	simm.s32 @!p0 $0x3  }
0x81: {  	_ =	swait.ge @!p0 [sflag:s0], s1  }
0x82: {  	s1 =	ssub.s32 @!p0 $0x0, s1;
	[sflag:s0] =	ssyncset.done @!p0 $0x0  }
0x83: {  	[sflag:s0] =	ssyncadd.s32 @!p0 s1  }
0x84: {  	[bflag:$0x3] =	sbarrier.arrive $0xFFFF  }
0x85: {  	_ =	shalt  }

// kernel: kernel.16.cloned.1.call-start
scs
__scs_entry_jumppad:
0x0: {  	(pc) =	sbr.rel $0x88, $3  }
0x1: {  	(tag) =	ssettag $0x0;
	lr =	simm.s32 $0x1  }
0x2: {  	[smem:$0x3F93] =	sst lr;
	_ =	strace $0xD0000000  }
0x3: {  	_ = 	snop  }
0x4: {  	_ = 	snop  }
0x5: {  	_ = 	snop  }
0x6: {  	_ = 	snop  }
0x7: {  	_ = 	snop  }
__scs_overlays_trampoline_lowered:
0x8: {  	[smem:$0x3FA2] =	sst s0  }
0x9: {  	[smem:$0x3FA3] =	sst s1  }
0xa: {  	[smem:$0x3FA4] =	sst s2  }
0xb: {  	[smem:$0x3FA5] =	sst s3  }
0xc: {  	[smem:$0x3FA6] =	sst s4  }
0xd: {  	[smem:$0x3FA7] =	sst s5  }
0xe: {  	[smem:$0x3FA8] =	sst s6  }
0xf: {  	[smem:$0x3FA9] =	sst s7  }
0x10: {  	[smem:$0x3FAA] =	sst s8  }
0x11: {  	[smem:$0x3FAB] =	sst s9;
	s0 =	simm.s32 @!p0 $0x0  }
0x12: {  	s1 =	sld [smem:$0x3F91];
	s0 =	simm.s32 @p0 $0x1  }
0x13: {  	[smem:$0x3FAC] =	sst s0;
	s0 =	simm.s32 @!p1 $0x0  }
0x14: {  	s2 =	sld [smem:$0x3F90];
	s0 =	simm.s32 @p1 $0x1  }
0x15: {  	[smem:$0x3FAD] =	sst s0;
	s0 =	simm.s32 @!p2 $0x0  }
0x16: {  	s3 =	sld [smem:$0x3FDB];
	s0 =	simm.s32 @p2 $0x1  }
0x17: {  	s4 =	simm.s32 $0x1BF5;
	[smem:$0x3FAF] =	sst s0  }
0x18: {  	s0 =	sld [smem:$0x3F92];
	_ =	swait.ge [sflag:s4], $0x0  }
0x19: {  	s7 =	sld [smem:$0x3F93]  }
0x1a: {  	s8 =	sadd.s32 $0xFFFFE003, lr  }
0x1b: {  	s9 =	sadd.s32 $0xFFFFFEF7, lr;
	s5 =	simm.s32 $0xFFFFFFFF;
	p2 =	slt.u32 s8, $0xFFFFF086  }
0x1c: {  	p1 =	slt.u32 s9, $0xF7A;
	s5 =	simm.s32 @!p2 $0x0  }
0x1d: {  	s5 =	simm.s32 @p1 $0x1;
	p0 =	seq.s32 s7, s2  }
0x1e: {  	s7 =	smul.u32 @!p0 $0xF7A, s2;
	p2 =	seq.s32 @!p0 s5, $0x0  }
0x1f: {  	s9 =	smul.u32 $0xF7A, s1;
	s8 =	simm.s32 @!p0 $0x1BF5;
	p2 =	por !p2, p0  }
0x20: {  	[sflag:s8] =	ssyncset.s32 @!p0 $0xFFFFF086;
	s6 =	sadd.s32 @!p0 s3, s7;
	s7 =	simm.s32 @!p0 $0x108  }
0x21: {  	s3 =	sadd.s32 s3, s9;
	s6 =	sadd.s32 @!p0 $0x88, s6;
	s7 =	simm.s32 @p2 $0x1082  }
0x22: {  	[simem:s7], [sflag:s8] =	dma.local @!p0 [hbm:s6], $0xF7A  }
0x23: {  	s9 =	sor.u32 $0xD0000000, s2;
	s6 =	simm.s32 $0x108;
	_ =	swait.ge @!p0 [sflag:s8], $0x0  }
0x24: {  	s3 =	sadd.s32 $0x88, s3;
	s6 =	simm.s32 @!p1 $0x1082;
	[sflag:s4] =	ssyncset.s32 $0xFFFFF086  }
0x25: {  	[simem:s6], [sflag:s4] =	dma.local [hbm:s3], $0xF7A  }
0x26: {  	[smem:$0x3F93] =	sst s1;
	(tag) =	ssettag s2;
	_ =	strace s9  }
0x27: {  	s1 =	sld [smem:$0x3FA3]  }
0x28: {  	s2 =	sld [smem:$0x3FA4]  }
0x29: {  	s4 =	sld [smem:$0x3FA6]  }
0x2a: {  	p0 =	seq.s32 s5, $0x0;
	s5 =	sld [smem:$0x3FA7]  }
0x2b: {  	s6 =	sld [smem:$0x3FA8]  }
0x2c: {  	s7 =	sld [smem:$0x3FA9]  }
0x2d: {  	s3 =	simm.s32 $0x108;
	s8 =	sld [smem:$0x3FAA]  }
0x2e: {  	s3 =	simm.s32 @!p0 $0x1082;
	s9 =	sld [smem:$0x3FAB]  }
0x2f: {  	lr =	sadd.s32 s0, s3;
	s0 =	sld [smem:$0x3FA2]  }
0x30: {  	s3 =	sld [smem:$0x3FA5]  }
0x31: {  	[smem:$0x3FAE] =	sst s10  }
0x32: {  	s10 =	sld [smem:$0x3FAC];
	_ =	sdelay $0x3  }
0x33: {  	p0 =	seq.s32 s10, $0x1;
	s10 =	sld [smem:$0x3FAE];
	_ =	sdelay $0x3  }
0x34: {  	[smem:$0x3FAE] =	sst s10  }
0x35: {  	s10 =	sld [smem:$0x3FAD];
	_ =	sdelay $0x3  }
0x36: {  	p1 =	seq.s32 s10, $0x1;
	s10 =	sld [smem:$0x3FAE];
	_ =	sdelay $0x3  }
0x37: {  	[smem:$0x3FAE] =	sst s10  }
0x38: {  	s10 =	sld [smem:$0x3FAF]  }
0x39: {  	_ = 	snop;
	(pc) =	sbr.ind lr, $3  }
0x3a: {  	_ = 	snop  }
0x3b: {  	_ = 	snop  }
0x3c: {  	p2 =	seq.s32 s10, $0x1;
	s10 =	sld [smem:$0x3FAE]  }
0x3d: {  	_ =	shalt  }
0x3e: {  	_ =	shalt  }
0x3f: {  	_ =	shalt  }
0x40: {  	_ =	shalt  }
0x41: {  	_ =	shalt  }
0x42: {  	_ =	shalt  }
0x43: {  	_ =	shalt  }
0x44: {  	_ =	shalt  }
0x45: {  	_ =	shalt  }
0x46: {  	_ =	shalt  }
0x47: {  	_ =	shalt  }
0x48: {  	_ =	shalt  }
0x49: {  	_ =	shalt  }
0x4a: {  	_ =	shalt  }
0x4b: {  	_ =	shalt  }
0x4c: {  	_ =	shalt  }
0x4d: {  	_ =	shalt  }
0x4e: {  	_ =	shalt  }
0x4f: {  	_ =	shalt  }
0x50: {  	_ =	shalt  }
0x51: {  	_ =	shalt  }
0x52: {  	_ =	shalt  }
0x53: {  	_ =	shalt  }
0x54: {  	_ =	shalt  }
0x55: {  	_ =	shalt  }
0x56: {  	_ =	shalt  }
0x57: {  	_ =	shalt  }
0x58: {  	_ =	shalt  }
0x59: {  	_ =	shalt  }
0x5a: {  	_ =	shalt  }
0x5b: {  	_ =	shalt  }
0x5c: {  	_ =	shalt  }
0x5d: {  	_ =	shalt  }
0x5e: {  	_ =	shalt  }
0x5f: {  	_ =	shalt  }
0x60: {  	_ =	shalt  }
0x61: {  	_ =	shalt  }
0x62: {  	_ =	shalt  }
0x63: {  	_ =	shalt  }
0x64: {  	_ =	shalt  }
0x65: {  	_ =	shalt  }
0x66: {  	_ =	shalt  }
0x67: {  	_ =	shalt  }
0x68: {  	_ =	shalt  }
0x69: {  	_ =	shalt  }
0x6a: {  	_ =	shalt  }
0x6b: {  	_ =	shalt  }
0x6c: {  	_ =	shalt  }
0x6d: {  	_ =	shalt  }
0x6e: {  	_ =	shalt  }
0x6f: {  	_ =	shalt  }
0x70: {  	_ =	shalt  }
0x71: {  	_ =	shalt  }
0x72: {  	_ =	shalt  }
0x73: {  	_ =	shalt  }
0x74: {  	_ =	shalt  }
0x75: {  	_ =	shalt  }
0x76: {  	_ =	shalt  }
0x77: {  	_ =	shalt  }
0x78: {  	_ =	shalt  }
0x79: {  	_ =	shalt  }
0x7a: {  	_ =	shalt  }
0x7b: {  	_ =	shalt  }
0x7c: {  	_ =	shalt  }
0x7d: {  	_ =	shalt  }
0x7e: {  	_ =	shalt  }
0x7f: {  	_ =	shalt  }
0x80: {  	_ =	shalt  }
0x81: {  	_ =	shalt  }
0x82: {  	_ =	shalt  }
0x83: {  	_ =	shalt  }
0x84: {  	_ =	shalt  }
0x85: {  	_ =	shalt  }
0x86: {  	_ =	shalt  }
0x87: {  	_ =	shalt  }
.Lfunc_end0:
.L_simem_size_0:
called_computation.2_lowered:
.L_overlay_start_0:
0x88: {  	s2 =	sld [smem:$0x3FD9]  }
0x89: {  	s3 =	sld [smem:$0x3FFE];
	_ =	sdelay $0x1  }
0x8a: {  	s1 =	srdreg.scid  }
0x8b: {  	s0 =	sand.u32 $0x1, s1  }
0x8c: {  	s17 =	sshll.u32 s0, $0xA;
	s2 =	sadd.s32 s3, s2  }
0x8d: {  	s2 =	sadd.s32 s2, s17  }
0x8e: {  	[smem:$0x3FBA] =	sst s2  }
0x8f: {  	_ = 	snop  }
0x90: {  	s2 =	sld [smem:$0x3FC9]  }
0x91: {  	s18 =	sld [smem:$0x3FC7];
	(tm) =	ssettm $0x1  }
0x92: {  	s4 =	sld [smem:$0x3FFB];
	_ =	sdelay $0x3  }
0x93: {  	_ =	strace s4  }
0x94: {  	s4 =	sld [smem:$0x3FFC];
	_ =	sdelay $0x3  }
0x95: {  	_ =	strace s4  }
0x96: {  	s4 =	sld [smem:$0x3FFD];
	_ =	sdelay $0x3  }
0x97: {  	_ =	strace s4  }
0x98: {  	_ =	strace $0x8FFFFFFF  }
0x99: {  	s19 =	sld [smem:$0x3FDB];
	_ =	sdelay $0x1  }
0x9a: {  	s5 =	simm.s32 $_scs_section_size  }
0x9b: {  	s6 =	simm.s32 $_size__tile_overlayer_lowered;
	s7 =	simm.s32 $_tile_overlayer_lowered  }
0x9c: {  	s22 =	simm.s32 $0x1BFF;
	s21 =	sshll.u32 s7, $0x1;
	s4 =	sadd.s32 s5, s19  }
0x9d: {  	s8 =	simm.s32 $0x0;
	s20 =	sshll.u32 s6, $0x1;
	s6 =	sadd.s32 s21, s4  }
0x9e: {  	[timem:s8], [sflag:s22] =	dma.local [hbm:s6], s20  }
0x9f: {  	_ =	swait.ge [sflag:s22], s20  }
0xa0: {  	s5 =	ssub.s32 $0x0, s20;
	[sflag:s22] =	ssyncset.done $0x0  }
0xa1: {  	[sflag:s22] =	ssyncadd.s32 s5;
	_ =	sdelay $0x1  }
0xa2: {  	s23 =	simm.s32 $0x1B8B  }
0xa3: {  	_ =	swait.ge [sflag:s23], $0x1  }
0xa4: {  	[sflag:s23] =	ssyncset.done $0x0  }
0xa5: {  	s25 =	simm.s32 $0x1B8E;
	s24 =	sld [smem:$0x3FFE];
	[sflag:s23] =	ssyncadd.s32 $0xFFFFFFFF  }
0xa6: {  	s26 =	simm.s32 $execute0_lowered;
	[smem:$0x3FD2] =	sst s25  }
0xa7: {  	s6 =	sshll.u32 s26, $0x1;
	_ =	strace $0x80000046;
	[dreg:$0x1] =	wrdreg $0xFFFFFFFF  }
0xa8: {  	s28 =	simm.s32 $_size_execute0_lowered;
	s4 =	sadd.s32 s4, s6;
	[dreg:$0x0] =	wrdreg $0x0  }
0xa9: {  	s6 =	sshll.u32 s28, $0x1;
	[dreg:$0x2] =	wrdreg s4  }
0xaa: {  	[dreg:$0x3] =	wrdreg s6  }
0xab: {  	[dreg:$0x4] =	wrdreg $0xC0  }
0xac: {  	_ =	task [dreg:s8], $0x5FFFF  }
0xad: {  	[dreg:$0x1] =	wrdreg $0xFFFFFFFF  }
0xae: {  	[dreg:$0x0] =	wrdreg $0x60  }
0xaf: {  	[dreg:$0x2] =	wrdreg s24  }
0xb0: {  	[dreg:$0x3] =	wrdreg s2  }
0xb1: {  	[dreg:$0x4] =	wrdreg s18  }
0xb2: {  	[dreg:$0x5] =	wrdreg $0xB  }
0xb3: {  	_ =	task.clear_ibuf [dreg:s8], $0x6FFFF;
	_ =	strace $0x90000046  }
0xb4: {  	s29 =	simm.s32 $0xB;
	_ =	strace $0x80000048  }
0xb5: {  	_ =	swait.ge [sflag:s29], $0x1  }
0xb6: {  	[sflag:s29] =	ssyncadd.s32 $0xFFFFFFFF  }
0xb7: {  	_ =	strace $0x90000048  }
0xb8: {  	_ =	sfence  }
0xb9: {  	s30 =	sld [smem:$0x0];
	_ =	sdelay $0x2  }
0xba: {  	s31 =	sshll.u32 s1, $0xD;
	s1 =	sshrl.u32 s1, $0x2  }
0xbb: {  	s3 =	sand.u32 $0x4000, s31;
	s1 =	sadd.s32 s1, s30  }
0xbc: {  	s0 =	sor.u32 s3, s0;
	s1 =	sshll.u32 s1, $0x11  }
0xbd: {  	s0 =	sor.u32 s1, s0  }
0xbe: {  	s0 =	sadd.s32 $0x8F2B, s0  }
0xbf: {  	[sflag:s0] =	ssyncadd.remote.s32 $0x1  }
0xc0: {  	_ =	sfence.sel $0xFFFF  }
0xc1: {  	[dreg:$0x0] =	wrdreg $0xFFFFFFFF;
	(pc) =	sbr.abs _section_cstart, $3  }
0xc2: {  	[dreg:$0x1] =	wrdreg $0xFFFFFFFF  }
0xc3: {  	_ =	task.clear_ibuf [dreg:s8], $0x2FFFF;
	_ =	strace $0x9FFFFFFF  }
0xc4: {  	(tm) =	ssettm $0x7FFFFFFF  }
0xc5: {  	_ =	shalt  }
tec
execute0_lowered:
.L_overlay_start_1:
0x0: {  	(tag) =	ssettag $0x1  }
0x1: {  	s6 =	rddreg [dreg:$0x0]  }
0x2: {  	s1 =	rddreg [dreg:$0x1]  }
0x3: {  	s8 =	rddreg [dreg:$0x2]  }
0x4: {  	s0 =	rddreg [dreg:$0x3];
	s2 =	simm.s32 $0x0  }
0x5: {  	s7 =	srdreg.scid;
	s3 =	stileid.u32;
	s20 =	simm.s32 $0x4100  }
0x6: {  	s21 =	simm.s32 $0x1;
	[smem:$0x7FF] =	sst s2;
	s4 =	sadd.s32 $0x19BE00, s6  }
0x7: {  	s5 =	sadd.s32 $0x322800, s6;
	s16 =	sadd.s32 $0x18FE00, s6;
	s14 =	sand.u32 $0x1, s7  }
0x8: {  	s22 =	sshll.u32 s3, $0x1;
	s15 =	sadd.s32 $0x4A9200, s6;
	s25 =	sshll.u32 s3, $0xD  }
0x9: {  	s29 =	sshll.u32 s3, $0x11;
	_ =	strace $0x80000047;
	s7 =	sor.u32 s14, s22  }
0xa: {  	s9 =	ssub.s32 $0x2, s14;
	s26 =	sshll.u32 s14, $0xC;
	s30 =	sshll.u32 s14, $0x10  }
0xb: {  	s22 =	simm.s32 $0x2;
	s10 =	sshll.u32 s7, $0xB;
	s11 =	sshrl.u32 s9, $0x1  }
0xc: {  	s12 =	sshll.u32 s7, $0x9;
	s24 =	sshll.u32 s7, $0x10;
	s13 =	sshll.u32 s7, $0x4  }
0xd: {  	s18 =	sor.u32 s26, s25;
	s25 =	simm.s32 $0xC180;
	s26 =	simm.s32 $0x0  }
0xe: {  	s10 =	sadd.s32 s10, s6;
	s11 =	ssub.s32 s9, s11;
	s23 =	sadd.s32 s12, s16  }
0xf: {  	s17 =	sadd.s32 s15, s24;
	s8 =	sadd.s32 s13, s8;
	s19 =	sor.u32 $0x40180, s18  }
0x10: {  	s15 =	sadd.s32 s29, s15;
	s18 =	sor.u32 $0x40100, s18;
	s24 =	simm.s32 $0x8180  }
0x11: {  	s6 =	sadd.s32 $0x8000, s23;
	s7 =	sadd.s32 $0x8010, s23;
	s8 =	sadd.s32 $0x400, s8  }
0x12: {  	s9 =	sadd.s32 $0x9400, s10;
	s10 =	sadd.s32 $0x19400, s10;
	s11 =	smax.u32 s11, $0x1  }
0x13: {  	s12 =	sadd.s32 $0xF000, s17;
	s13 =	sadd.s32 $0xF800, s17;
	s28 =	sshrl.u32 s19, $0x3  }
0x14: {  	s15 =	sadd.s32 s30, s15;
	s31 =	sshrl.u32 s18, $0x3;
	s17 =	simm.s32 $0x3  }
0x15: {  	s18 =	simm.s32 $0x80;
	s19 =	simm.s32 $0x4080;
	s23 =	simm.s32 $0x8100  }
0x16: {  	s14 =	sadd.s32 s28, s16;
	s15 =	sadd.s32 $0x800, s15;
	s16 =	sadd.s32 s31, s16  }
.LBB2_1:
0x17: {  	[tilespmem:s2], [sflag:$0x3] =	stream.linear.gather [hbm4b:s6+s2], $0x80, $0x38;
	[tilespmem:$0x10180] =	vst v63  }
0x18: {  	_ =	swait.ge [sflag:s17], $0x80  }
0x19: {  	[sflag:s17] =	ssyncset.done $0x0  }
0x1a: {  	[sflag:s17] =	ssyncadd.s32 $0xFFFFFF80  }
0x1b: {  	[tilespmem:s18], [sflag:$0x1] =	stream.indirect.gather [hbm4b:s4+s18], $0x80, s2, s18, $0xb8;
	[tilespmem:$0x10180] =	vst v63  }
0x1c: {  	_ = 	snop  }
0x1d: {  	[tilespmem:s19], [sflag:$0x3] =	stream.linear.gather [hbm4b:s7+s2], $0x80, $0x38;
	[tilespmem:$0x10180] =	vst v63  }
0x1e: {  	_ =	swait.ge [sflag:s17], $0x80  }
0x1f: {  	[sflag:s17] =	ssyncset.done $0x0  }
0x20: {  	[sflag:s17] =	ssyncadd.s32 $0xFFFFFF80  }
0x21: {  	[tilespmem:s20], [sflag:$0x2] =	stream.indirect.gather [hbm4b:s4+s18], $0x80, s19, s18, $0xb8;
	[tilespmem:$0x10180] =	vst v63  }
0x22: {  	_ =	swait.ge [sflag:s21], $0x4000  }
0x23: {  	[sflag:s21] =	ssyncset.done $0x0  }
0x24: {  	s28 =	sadd.s32 $0xFFFFF800, s15;
	[sflag:s21] =	ssyncadd.s32 $0xFFFFC000  }
0x25: {  	[hbm4b:s28+s2] =	stream.linear.scatter [tilespmem:s18], [sflag:$0x3], $0x4000, $0x38;
	[tilespmem:$0x10180] =	vst v63  }
0x26: {  	_ =	swait.ge [sflag:s17], $0x4000  }
0x27: {  	[sflag:s17] =	ssyncset.done $0x0  }
0x28: {  	s28 =	sadd.s32 $0x0, s16;
	[sflag:s17] =	ssyncadd.s32 $0xFFFFC000  }
0x29: {  	[tilespmem:s2], [sflag:$0x3] =	stream.linear.gather [hbm4b:s28+s2], $0x80, $0x38;
	[tilespmem:$0x10180] =	vst v63  }
0x2a: {  	_ =	swait.ge [sflag:s17], $0x80  }
0x2b: {  	[sflag:s17] =	ssyncset.done $0x0  }
0x2c: {  	[sflag:s17] =	ssyncadd.s32 $0xFFFFFF80  }
0x2d: {  	[tilespmem:s18], [sflag:$0x1] =	stream.indirect.gather [hbm4b:s4+s18], $0x80, s2, s18, $0xb8;
	[tilespmem:$0x10180] =	vst v63  }
0x2e: {  	_ =	swait.ge [sflag:s22], $0x4000  }
0x2f: {  	[sflag:s22] =	ssyncset.done $0x0  }
0x30: {  	[sflag:s22] =	ssyncadd.s32 $0xFFFFC000  }
0x31: {  	[hbm4b:s15+s2] =	stream.linear.scatter [tilespmem:s20], [sflag:$0x3], $0x4000, $0x38;
	[tilespmem:$0x10180] =	vst v63  }
0x32: {  	_ =	swait.ge [sflag:s17], $0x4000  }
0x33: {  	[sflag:s17] =	ssyncset.done $0x0  }
0x34: {  	s28 =	sadd.s32 $0x0, s14;
	[sflag:s17] =	ssyncadd.s32 $0xFFFFC000  }
0x35: {  	[tilespmem:s19], [sflag:$0x3] =	stream.linear.gather [hbm4b:s28+s2], $0x80, $0x38;
	[tilespmem:$0x10180] =	vst v63  }
0x36: {  	_ =	swait.ge [sflag:s17], $0x80  }
0x37: {  	[sflag:s17] =	ssyncset.done $0x0  }
0x38: {  	s29 =	sadd.s32 $0x1000, s15;
	s28 =	simm.s32 $0x20;
	[sflag:s17] =	ssyncadd.s32 $0xFFFFFF80  }
.LBB2_2:
0x39: {  	[tilespmem:s20], [sflag:$0x2] =	stream.indirect.gather [hbm4b:s4+s18], $0x80, s19, s18, $0xb8;
	[tilespmem:$0x10180] =	vst v63  }
0x3a: {  	s30 =	smov.u32 s28  }
0x3b: {  	p0 =	sne.s32 s28, $0x1C0;
	s28 =	sadd.s32 $0x20, s28;
	_ =	swait.ge [sflag:s21], $0x4000  }
0x3c: {  	[sflag:s21] =	ssyncset.done $0x0  }
0x3d: {  	s31 =	sadd.s32 $0xFFFFF800, s29;
	[sflag:s21] =	ssyncadd.s32 $0xFFFFC000  }
0x3e: {  	[hbm4b:s31+s2] =	stream.linear.scatter [tilespmem:s18], [sflag:$0x3], $0x4000, $0x38;
	[tilespmem:$0x10180] =	vst v63  }
0x3f: {  	_ =	swait.ge [sflag:s17], $0x4000  }
0x40: {  	[sflag:s17] =	ssyncset.done $0x0  }
0x41: {  	s31 =	sadd.s32 s30, s16;
	[sflag:s17] =	ssyncadd.s32 $0xFFFFC000  }
0x42: {  	[tilespmem:s2], [sflag:$0x3] =	stream.linear.gather [hbm4b:s31+s2], $0x80, $0x38;
	[tilespmem:$0x10180] =	vst v63  }
0x43: {  	_ =	swait.ge [sflag:s17], $0x80  }
0x44: {  	[sflag:s17] =	ssyncset.done $0x0  }
0x45: {  	[sflag:s17] =	ssyncadd.s32 $0xFFFFFF80  }
0x46: {  	[tilespmem:s18], [sflag:$0x1] =	stream.indirect.gather [hbm4b:s4+s18], $0x80, s2, s18, $0xb8;
	[tilespmem:$0x10180] =	vst v63  }
0x47: {  	_ =	swait.ge [sflag:s22], $0x4000  }
0x48: {  	[sflag:s22] =	ssyncset.done $0x0  }
0x49: {  	[sflag:s22] =	ssyncadd.s32 $0xFFFFC000  }
0x4a: {  	[hbm4b:s29+s2] =	stream.linear.scatter [tilespmem:s20], [sflag:$0x3], $0x4000, $0x38;
	[tilespmem:$0x10180] =	vst v63  }
0x4b: {  	_ =	swait.ge [sflag:s17], $0x4000  }
0x4c: {  	[sflag:s17] =	ssyncset.done $0x0  }
.Ltmp0:
0x4d: {  	s30 =	sadd.s32 s30, s14;
	[sflag:s17] =	ssyncadd.s32 $0xFFFFC000;
	(pc) =	sbr.rel @p0 .LBB2_2-.Ltmp0, $4  }
0x4e: {  	[tilespmem:s19], [sflag:$0x3] =	stream.linear.gather [hbm4b:s30+s2], $0x80, $0x38;
	[tilespmem:$0x10180] =	vst v63  }
0x4f: {  	_ =	swait.ge [sflag:s17], $0x80  }
0x50: {  	[sflag:s17] =	ssyncset.done $0x0  }
0x51: {  	s29 =	sadd.s32 $0x1000, s29;
	[sflag:s17] =	ssyncadd.s32 $0xFFFFFF80  }
0x52: {  	[tilespmem:s20], [sflag:$0x2] =	stream.indirect.gather [hbm4b:s4+s18], $0x80, s19, s18, $0xb8;
	[tilespmem:$0x10180] =	vst v63  }
0x53: {  	_ =	swait.ge [sflag:s21], $0x4000  }
0x54: {  	[sflag:s21] =	ssyncset.done $0x0  }
0x55: {  	[sflag:s21] =	ssyncadd.s32 $0xFFFFC000  }
0x56: {  	[hbm4b:s12+s2] =	stream.linear.scatter [tilespmem:s18], [sflag:$0x3], $0x4000, $0x38;
	[tilespmem:$0x10180] =	vst v63  }
0x57: {  	_ =	swait.ge [sflag:s17], $0x4000  }
0x58: {  	[sflag:s17] =	ssyncset.done $0x0  }
0x59: {  	[sflag:s17] =	ssyncadd.s32 $0xFFFFC000  }
0x5a: {  	_ =	swait.ge [sflag:s22], $0x4000  }
0x5b: {  	[sflag:s22] =	ssyncset.done $0x0  }
0x5c: {  	[sflag:s22] =	ssyncadd.s32 $0xFFFFC000  }
0x5d: {  	[hbm4b:s13+s2] =	stream.linear.scatter [tilespmem:s20], [sflag:$0x3], $0x4000, $0x38;
	[tilespmem:$0x10180] =	vst v63  }
0x5e: {  	_ =	swait.ge [sflag:s17], $0x4000  }
0x5f: {  	[sflag:s17] =	ssyncset.done $0x0  }
0x60: {  	[sflag:s17] =	ssyncadd.s32 $0xFFFFC000  }
0x61: {  	[tilespmem:s23], [sflag:$0x3] =	stream.linear.gather [hbm4b:s8+s2], $0x80, $0x38;
	[tilespmem:$0x10180] =	vst v63  }
0x62: {  	_ =	swait.ge [sflag:s17], $0x80  }
0x63: {  	[sflag:s17] =	ssyncset.done $0x0  }
0x64: {  	[sflag:s17] =	ssyncadd.s32 $0xFFFFFF80  }
0x65: {  	[tilespmem:s24], [sflag:$0x1] =	stream.indirect.gather [hbm4b:s5+s18], $0x80, s23, s18, $0xb8;
	[tilespmem:$0x10180] =	vst v63  }
0x66: {  	_ = 	snop  }
0x67: {  	[tilespmem:s25], [sflag:$0x2] =	stream.indirect.gather [hbm4b:s1+s18], $0x80, s23, s18, $0xb8;
	[tilespmem:$0x10180] =	vst v63  }
0x68: {  	_ =	swait.ge [sflag:s21], $0x4000  }
0x69: {  	[sflag:s21] =	ssyncset.done $0x0  }
0x6a: {  	[sflag:s21] =	ssyncadd.s32 $0xFFFFC000  }
0x6b: {  	_ =	swait.ge [sflag:s22], $0x4000  }
0x6c: {  	[sflag:s22] =	ssyncset.done $0x0  }
0x6d: {  	[sflag:s22] =	ssyncadd.s32 $0xFFFFC000  }
0x6e: {  	[hbm4b:s9+s2] =	stream.linear.scatter [tilespmem:s24], [sflag:$0x3], $0x4000, $0x38;
	[tilespmem:$0x10180] =	vst v63  }
0x6f: {  	s26 =	sadd.s32 $0x1, s26;
	_ =	swait.ge [sflag:s17], $0x4000  }
0x70: {  	p0 =	sne.s32 s26, s11;
	[sflag:s17] =	ssyncset.done $0x0  }
.Ltmp1:
0x71: {  	[sflag:s17] =	ssyncadd.s32 $0xFFFFC000;
	(pc) =	sbr.rel @p0 .LBB2_1-.Ltmp1, $4  }
0x72: {  	[hbm4b:s10+s2] =	stream.linear.scatter [tilespmem:s25], [sflag:$0x3], $0x4000, $0x38;
	[tilespmem:$0x10180] =	vst v63  }
0x73: {  	_ =	swait.ge [sflag:s17], $0x4000  }
0x74: {  	[sflag:s17] =	ssyncset.done $0x0  }
0x75: {  	[sflag:s17] =	ssyncadd.s32 $0xFFFFC000  }
0x76: {  	_ =	sfence.sel $0x180000  }
0x77: {  	[bflag:$0x0] =	sbarrier.arrive $0xFFFF  }
0x78: {  	p0 =	sne.s32 s3, $0x0;
	_ =	strace $0x90000047  }
0x79: {  	s0 =	sadd.s32 @!p0 $0x100000, s0;
	[bflag:$0x2] =	sbarrier.arrive $0xFFFF  }
0x7a: {  	[sflag:s0] =	ssyncadd.tile.s32 @!p0 $0x1;
	_ =	shalt  }
.Lfunc_end2:
_tile_overlayer_lowered:
.L_overlay_start_2:
0x7b: {  	(tag) =	ssettag $0x2  }
0x7c: {  	s0 =	rddreg [dreg:$0x0];
	s2 =	stileid.u32  }
0x7d: {  	s1 =	rddreg [dreg:$0x1];
	p0 =	sne.s32 s2, $0x0  }
0x7e: {  	s3 =	rddreg [dreg:$0x2];
	[bflag:$0x3] =	sbarrier.arrive $0xFFFF;
	s2 =	simm.s32 @!p0 $0x1C03  }
0x7f: {  	[timem:s3], [sflag:s2] =	dma.local @!p0 [hbm:s0], s1  }
0x80: {  	s0 =	simm.s32 @!p0 $0x3  }
0x81: {  	_ =	swait.ge @!p0 [sflag:s0], s1  }
0x82: {  	s1 =	ssub.s32 @!p0 $0x0, s1;
	[sflag:s0] =	ssyncset.done @!p0 $0x0  }
0x83: {  	[sflag:s0] =	ssyncadd.s32 @!p0 s1  }
0x84: {  	[bflag:$0x3] =	sbarrier.arrive $0xFFFF  }
0x85: {  	_ =	shalt  }

</sc_bundles>
